<compile_context>
chip_gen: v7x
topology: tpu7x:2x2x1
jax: 0.10.2.dev20260603
libtpu: 0.0.44.dev20260713+nightly
codegen_flags: <defaults>
</compile_context>

<pallas_src>
import functools

import jax
import jax.numpy as jnp
from jax import lax
from jax.experimental import pallas as pl
from jax.experimental.pallas import tpu as pltpu
from jax.experimental.pallas import tpu_sc as plsc

N_NODES = 10000
N_EDGES = 160000
NP = 10240
DUMMY = N_NODES
NC, NS = 2, 16
NW = NC * NS
EB = 128
EBD = 128
NBD = 40
E_PAD = EBD * NBD * NW
RPS = NP // NS
NB0, NB1 = 40, 40
NBUF = 2
EPG = NC * NS * NB0 * EB


_MESH = plsc.VectorSubcoreMesh(core_axis_name="c", subcore_axis_name="s")


def _make_sc_agg(n_chunks, dc):
    n = n_chunks

    def body(*refs):
        src4, dst4, zeros = refs[:3]
        tables = refs[3:3 + n]
        outs = refs[3 + n:3 + n + n]
        srcv, dstv = refs[3 + n + n:5 + n + n]
        gbufs = refs[5 + n + n:5 + n + n + NBUF]
        acc = refs[5 + n + n + NBUF]
        sems = refs[6 + n + n + NBUF:6 + n + n + 2 * NBUF]

        c = lax.axis_index("c")
        s = lax.axis_index("s")
        w = c * NS + s
        nb = lax.select(c == 0, NB0, NB1)

        pltpu.sync_copy(src4.at[w], srcv)
        pltpu.sync_copy(dst4.at[w], dstv)

        for i in range(n):
            pltpu.sync_copy(zeros.at[pl.ds(s * RPS, RPS)], acc.at[pl.ds(s * RPS, RPS)])
            plsc.subcore_barrier()

            tbl = tables[i]
            for b in range(NBUF - 1):
                pltpu.async_copy(tbl.at[srcv.at[b]], gbufs[b], sems[b])

            def edge_body(i4, carry):
                for b in range(NBUF):
                    k = i4 * NBUF + b

                    @pl.when(k < nb)
                    def _():
                        pltpu.make_async_copy(tbl.at[srcv.at[k]],
                                              gbufs[b], sems[b]).wait()
                        pltpu.sync_copy(gbufs[b], acc.at[dstv.at[k]], add=True)

                        @pl.when(k + NBUF - 1 < nb)
                        def _():
                            kn = k + NBUF - 1
                            bn = (b + NBUF - 1) % NBUF
                            pltpu.async_copy(tbl.at[srcv.at[kn]],
                                             gbufs[bn], sems[bn])

                return carry

            lax.fori_loop(0, NB0 // NBUF, edge_body, 0)
            plsc.subcore_barrier()
            pltpu.sync_copy(acc.at[pl.ds(s * RPS, RPS)],
                            outs[i].at[c, pl.ds(s * RPS, RPS)])

    return pl.kernel(
        body,
        out_type=[jax.ShapeDtypeStruct((NC, NP, dc), jnp.float32)] * n,
        mesh=_MESH,
        scratch_types=[
            pltpu.VMEM((NB0, EB), jnp.int32),
            pltpu.VMEM((NB0, EB), jnp.int32),
            *[pltpu.VMEM((EB, dc), jnp.float32) for _ in range(NBUF)],
            pltpu.VMEM_SHARED((NP, dc), jnp.float32),
            *[pltpu.SemaphoreType.DMA for _ in range(NBUF)],
        ],
    )


def _sc_deg(dst3, z128, ones128):

    def body(dst3, z128, ones128, out, dstv, onesv, acc):
        c = lax.axis_index("c")
        s = lax.axis_index("s")
        w = c * NS + s
        pltpu.sync_copy(dst3.at[w], dstv)
        pltpu.sync_copy(ones128, onesv)
        pltpu.sync_copy(z128.at[pl.ds(s * RPS, RPS)], acc.at[pl.ds(s * RPS, RPS)])
        plsc.subcore_barrier()

        def edge_body(k, carry):
            pltpu.sync_copy(onesv, acc.at[dstv.at[k]], add=True)
            return carry

        lax.fori_loop(0, NBD, edge_body, 0)
        plsc.subcore_barrier()
        pltpu.sync_copy(acc.at[pl.ds(s * RPS, RPS)], out.at[c, pl.ds(s * RPS, RPS)])

    return pl.kernel(
        body,
        out_type=jax.ShapeDtypeStruct((NC, NP, 128), jnp.float32),
        mesh=_MESH,
        scratch_types=[
            pltpu.VMEM((NBD, EBD), jnp.int32),
            pltpu.VMEM((EBD, 128), jnp.float32),
            pltpu.VMEM_SHARED((NP, 128), jnp.float32),
        ],
    )(dst3, z128, ones128)


R = 400
G = N_NODES // R


def _l1_body(px, pd, x, w1l, w1r, b1, o0, o1, o2, o3, invd):
    deg = (pd[0] + pd[1])[:, 0:16]
    inv = 1.0 / jnp.maximum(deg, 1.0)
    agg = (px[0] + px[1]) * inv[:, 0:1]
    z = (jnp.dot(agg, w1l[...], preferred_element_type=jnp.float32)
         + jnp.dot(x[...], w1r[...], preferred_element_type=jnp.float32)
         + b1[0][None, :])
    h = jnp.maximum(z, 0.0)
    o0[...] = h[:, 0:128]
    o1[...] = h[:, 128:256]
    o2[...] = h[:, 256:384]
    o3[...] = h[:, 384:512]
    invd[...] = inv


def _l2_body(p0, p1, p2, p3, h0, h1, h2c, h3, invd, w2l, w2r, b2, w3lp, w3rp, b3p,
             p_out, pr_out):
    inv1 = invd[...][:, 0:1]
    hs = (h0, h1, h2c, h3)
    ps = (p0, p1, p2, p3)
    z = b2[0][None, :]
    for c in range(4):
        aggc = (ps[c][0] + ps[c][1]) * inv1
        z = z + jnp.dot(aggc, w2l[c], preferred_element_type=jnp.float32)
        z = z + jnp.dot(hs[c][...], w2r[c], preferred_element_type=jnp.float32)
    h2 = jnp.maximum(z, 0.0)
    p = jnp.zeros((R, 128), jnp.float32)
    pr = b3p[0][None, :]
    for c in range(8):
        blk = h2[:, c * 128:(c + 1) * 128]
        p = p + jnp.dot(blk, w3lp[c], preferred_element_type=jnp.float32)
        pr = pr + jnp.dot(blk, w3rp[c], preferred_element_type=jnp.float32)
    p_out[...] = p
    pr_out[...] = pr


def _l3_body(pp, pr, invd, out):
    agg = (pp[0] + pp[1])[:, 0:16] * invd[...]
    out[...] = jnp.maximum(agg + pr[...], 0.0)


def _row_spec(shape_prefix, r, dc):
    nd = len(shape_prefix)
    return pl.BlockSpec(shape_prefix + (r, dc),
                        lambda i, nd=nd: (0,) * nd + (i, 0))


def _full_spec(shape):
    return pl.BlockSpec(shape, lambda i: (0,) * len(shape))


def kernel(x, edge_index, batch, W1_l, W1_r, b1, W2_l, W2_r, b2, W3_l, W3_r, b3):
    src = edge_index[0]
    dst = edge_index[1]
    pad_src = (jnp.arange(EPG - N_EDGES, dtype=jnp.int32) * 37) % N_NODES
    pad_dst = DUMMY + jnp.arange(EPG - N_EDGES, dtype=jnp.int32) % (NP - DUMMY)
    dst3 = jnp.concatenate(
        [dst, pad_dst[:E_PAD - N_EDGES]]).reshape(NW, NBD, EBD)

    def _skew(e, fill):
        ep = jnp.concatenate([e, fill])
        n0 = NS * NB0 * EB
        e0 = ep[:n0].reshape(NS, NB0, EB)
        e1 = ep[n0:].reshape(NS, NB1, EB)
        e1 = jnp.pad(e1, ((0, 0), (0, NB0 - NB1), (0, 0)))
        return jnp.concatenate([e0, e1])

    src4 = _skew(src, pad_src)
    dst4 = _skew(dst, pad_dst)
    z128 = jnp.zeros((NP, 128), jnp.float32)
    ones128 = jnp.ones((EBD, 128), jnp.float32)

    (px,) = _make_sc_agg(1, 128)(src4, dst4, z128, x)
    pdeg = _sc_deg(dst3, z128, ones128)

    w1l = W1_l
    w1r = W1_r
    b1r = b1[None, :]
    h1c = pl.pallas_call(
        _l1_body,
        grid=(G,),
        in_specs=[
            _row_spec((NC,), R, 128),
            _row_spec((NC,), R, 128),
            _row_spec((), R, 128),
            _full_spec((128, 512)),
            _full_spec((128, 512)),
            _full_spec((1, 512)),
        ],
        out_specs=[_row_spec((), R, 128)] * 4 + [_row_spec((), R, 16)],
        out_shape=[jax.ShapeDtypeStruct((N_NODES, 128), jnp.float32)] * 4
        + [jax.ShapeDtypeStruct((N_NODES, 16), jnp.float32)],
    )(px, pdeg, x, w1l, w1r, b1r)
    h0, h1_, h2_, h3_, invd = h1c

    ph = _make_sc_agg(4, 128)(src4, dst4, z128, h0, h1_, h2_, h3_)

    w2l = W2_l.reshape(4, 128, 1024)
    w2r = W2_r.reshape(4, 128, 1024)
    b2r = b2[None, :]
    w3lp = jnp.pad(W3_l, ((0, 0), (0, 126))).reshape(8, 128, 128)
    w3rp = jnp.pad(W3_r, ((0, 0), (0, 14))).reshape(8, 128, 16)
    b3p = jnp.pad(b3, (0, 14))[None, :]
    p, pr = pl.pallas_call(
        _l2_body,
        grid=(G,),
        in_specs=[_row_spec((NC,), R, 128)] * 4
        + [_row_spec((), R, 128)] * 4
        + [
            _row_spec((), R, 16),
            _full_spec((4, 128, 1024)),
            _full_spec((4, 128, 1024)),
            _full_spec((1, 1024)),
            _full_spec((8, 128, 128)),
            _full_spec((8, 128, 16)),
            _full_spec((1, 16)),
        ],
        out_specs=[_row_spec((), R, 128), _row_spec((), R, 16)],
        out_shape=[jax.ShapeDtypeStruct((N_NODES, 128), jnp.float32),
                   jax.ShapeDtypeStruct((N_NODES, 16), jnp.float32)],
    )(*ph, h0, h1_, h2_, h3_, invd, w2l, w2r, b2r, w3lp, w3rp, b3p)

    (pp,) = _make_sc_agg(1, 128)(src4, dst4, z128, p)

    out16 = pl.pallas_call(
        _l3_body,
        grid=(G,),
        in_specs=[
            _row_spec((NC,), R, 128),
            _row_spec((), R, 16),
            _row_spec((), R, 16),
        ],
        out_specs=_row_spec((), R, 16),
        out_shape=jax.ShapeDtypeStruct((N_NODES, 16), jnp.float32),
    )(pp, pr, invd)

    return out16[:, :2]

# --- scband reference (transcript-rebuilt; emitter-appended) ---
"""Pipeline reference for scband-improved-triple-graph-model-8246337209015 (READ-ONLY COPY).

The authoritative reference and input builder live on the scoring server;
editing this copy changes nothing except your own understanding.
"""

import jax, jax.numpy as jnp
import numpy as np

N_NODES = 10000
N_EDGES = 160000
D_IN = 128


def _glorot(key, fan_in, fan_out):
    return jax.random.normal(key, (fan_in, fan_out), dtype=jnp.float32) * (1.0 / np.sqrt(fan_in))


def setup_inputs(seed: int = 0) -> dict:
    key = jax.random.key(seed)
    ks = jax.random.split(key, 12)
    x = jax.random.normal(ks[0], (N_NODES, D_IN), dtype=jnp.float32)
    edge_index = jax.random.randint(ks[1], (2, N_EDGES), 0, N_NODES, dtype=jnp.int64 if jax.config.jax_enable_x64 else jnp.int32).astype(jnp.int32)
    batch = jnp.sort(jax.random.randint(ks[2], (N_NODES,), 0, 64)).astype(jnp.int32)
    # SAGEConv params: lin_l applied to mean-aggregated neighbors (with bias), lin_r to root
    W1_l = _glorot(ks[3], D_IN, 512)
    W1_r = _glorot(ks[4], D_IN, 512)
    b1 = jnp.zeros((512,), dtype=jnp.float32)
    W2_l = _glorot(ks[5], 512, 1024)
    W2_r = _glorot(ks[6], 512, 1024)
    b2 = jnp.zeros((1024,), dtype=jnp.float32)
    W3_l = _glorot(ks[7], 1024, 2)
    W3_r = _glorot(ks[8], 1024, 2)
    b3 = jnp.zeros((2,), dtype=jnp.float32)
    return {"x": x, "edge_index": edge_index, "batch": batch,
            "W1_l": W1_l, "W1_r": W1_r, "b1": b1,
            "W2_l": W2_l, "W2_r": W2_r, "b2": b2,
            "W3_l": W3_l, "W3_r": W3_r, "b3": b3}


def _sage_conv(x, edge_index, W_l, W_r, b, num_nodes):
    # PyG SAGEConv (aggr='mean'): out = lin_l(mean_{j in N(i)} x_j) + lin_r(x_i)
    src = edge_index[0]
    dst = edge_index[1]
    msgs = jnp.take(x, src, axis=0)                      # gather  [E, d]
    agg = jax.ops.segment_sum(msgs, dst, num_segments=num_nodes)   # scatter-add
    deg = jax.ops.segment_sum(jnp.ones((src.shape[0],), x.dtype), dst, num_segments=num_nodes)
    agg = agg / jnp.maximum(deg, 1.0)[:, None]
    return agg @ W_l + x @ W_r + b


def reference(x, edge_index, batch, W1_l, W1_r, b1, W2_l, W2_r, b2, W3_l, W3_r, b3):
    # dropout layers are identity in eval mode; batch is unused by the forward
    n = x.shape[0]
    h = _sage_conv(x, edge_index, W1_l, W1_r, b1, n)
    h = jax.nn.relu(h)
    h = _sage_conv(h, edge_index, W2_l, W2_r, b2, n)
    h = jax.nn.relu(h)
    h = _sage_conv(h, edge_index, W3_l, W3_r, b3, n)
    h = jax.nn.relu(h)
    return h

if __name__ == "__main__":
    import jax
    _d = setup_inputs()
    print(jax.jit(kernel)(*tuple(_d.values())))

</pallas_src>

<mosaic_0001>
#map = affine_map<(d0, d1) -> (0, 0, 0)>
#map1 = affine_map<(d0, d1) -> (0, 0)>
module attributes {stable_mosaic.version = 14 : i64} {
  func.func @body(%arg0: i32, %arg1: i32, %arg2: memref<32x40x128xi32, #tpu.memory_space<hbm>>, %arg3: memref<32x40x128xi32, #tpu.memory_space<hbm>>, %arg4: memref<10240x128xf32, #tpu.memory_space<hbm>>, %arg5: memref<10000x128xf32, #tpu.memory_space<hbm>>, %arg6: memref<2x10240x128xf32, #tpu.memory_space<hbm>>, %arg7: memref<40x128xi32, #tpu.memory_space<vmem>>, %arg8: memref<40x128xi32, #tpu.memory_space<vmem>>, %arg9: memref<128x128xf32, #tpu.memory_space<vmem>>, %arg10: memref<128x128xf32, #tpu.memory_space<vmem>>, %arg11: memref<10240x128xf32, #tpu.memory_space<vmem_shared>>, %arg12: memref<!tpu.dma_semaphore, #tpu.memory_space<semaphore_mem>>, %arg13: memref<!tpu.dma_semaphore, #tpu.memory_space<semaphore_mem>>) attributes {dimension_semantics = [#tpu.dimension_semantics<core_parallel>, #tpu.dimension_semantics<subcore_parallel>], iteration_bounds = array<i64: 2, 16>, scalar_prefetch = 0 : i64, scratch_operands = 7 : i64, tpu.core_type = #tpu.core_type<sc_vector_subcore>, window_params = [{transform_indices = #map}, {transform_indices = #map}, {transform_indices = #map1}, {transform_indices = #map1}, {transform_indices = #map}]} {
    %mul3A = arith.constant 16 : i32
    %mul3A_0 = arith.muli %arg0, %mul3A : i32
    %add3A = arith.addi %mul3A_0, %arg1 : i32
    %eq3A = arith.constant 0 : i32
    %eq3A_1 = arith.cmpi eq, %arg0, %eq3A : i32
    %select_n3A = arith.constant 40 : i32
    %select_n3A_2 = arith.constant 40 : i32
    %select_n3A_3 = arith.select %eq3A_1, %select_n3A_2, %select_n3A : i32
    "tpu.region"() ({
      %run_scoped3A = tpu.sem_alloc : memref<!tpu.dma_semaphore, #tpu.memory_space<semaphore_mem>>
      %dma_start3A_24 = arith.constant 0 : i32
      %dma_start3A_25 = arith.constant 0 : i32
      %dma_start3A_26 = tpu.memref_slice %arg2[%add3A, %dma_start3A_24, %dma_start3A_25] : memref<32x40x128xi32, #tpu.memory_space<hbm>> -> memref<1x40x128xi32, #tpu.memory_space<hbm>>
      %dma_start3A_27 = tpu.memref_squeeze %dma_start3A_26 : memref<1x40x128xi32, #tpu.memory_space<hbm>> -> memref<40x128xi32, #tpu.memory_space<hbm>>
      %dma_start3A_28 = arith.constant 0 : i32
      %dma_start3A_29 = arith.constant 0 : i32
      %dma_start3A_30 = tpu.memref_slice %arg2[%add3A, %dma_start3A_28, %dma_start3A_29] : memref<32x40x128xi32, #tpu.memory_space<hbm>> -> memref<1x40x128xi32, #tpu.memory_space<hbm>>
      %dma_start3A_31 = tpu.memref_squeeze %dma_start3A_30 : memref<1x40x128xi32, #tpu.memory_space<hbm>> -> memref<40x128xi32, #tpu.memory_space<hbm>>
      tpu.enqueue_dma source(%dma_start3A_31 : memref<40x128xi32, #tpu.memory_space<hbm>>) target(%arg7 : memref<40x128xi32, #tpu.memory_space<vmem>>) target_semaphore(%run_scoped3A : memref<!tpu.dma_semaphore, #tpu.memory_space<semaphore_mem>>)
      %dma_wait3A = arith.constant 0 : i32
      %dma_wait3A_32 = arith.constant 0 : i32
      %dma_wait3A_33 = tpu.memref_slice %arg2[%add3A, %dma_wait3A, %dma_wait3A_32] : memref<32x40x128xi32, #tpu.memory_space<hbm>> -> memref<1x40x128xi32, #tpu.memory_space<hbm>>
      %dma_wait3A_34 = tpu.memref_squeeze %dma_wait3A_33 : memref<1x40x128xi32, #tpu.memory_space<hbm>> -> memref<40x128xi32, #tpu.memory_space<hbm>>
      %dma_wait3A_35 = arith.constant 0 : i32
      %dma_wait3A_36 = arith.constant 0 : i32
      %dma_wait3A_37 = tpu.memref_slice %arg2[%add3A, %dma_wait3A_35, %dma_wait3A_36] : memref<32x40x128xi32, #tpu.memory_space<hbm>> -> memref<1x40x128xi32, #tpu.memory_space<hbm>>
      %dma_wait3A_38 = tpu.memref_squeeze %dma_wait3A_37 : memref<1x40x128xi32, #tpu.memory_space<hbm>> -> memref<40x128xi32, #tpu.memory_space<hbm>>
      tpu.wait_dma2 semaphore(%run_scoped3A : memref<!tpu.dma_semaphore, #tpu.memory_space<semaphore_mem>>) src(%dma_wait3A_38 : memref<40x128xi32, #tpu.memory_space<hbm>>) dst(%arg7 : memref<40x128xi32, #tpu.memory_space<vmem>>)
      tpu.yield
    }) : () -> ()
    "tpu.region"() ({
      %run_scoped3A = tpu.sem_alloc : memref<!tpu.dma_semaphore, #tpu.memory_space<semaphore_mem>>
      %dma_start3A_24 = arith.constant 0 : i32
      %dma_start3A_25 = arith.constant 0 : i32
      %dma_start3A_26 = tpu.memref_slice %arg3[%add3A, %dma_start3A_24, %dma_start3A_25] : memref<32x40x128xi32, #tpu.memory_space<hbm>> -> memref<1x40x128xi32, #tpu.memory_space<hbm>>
      %dma_start3A_27 = tpu.memref_squeeze %dma_start3A_26 : memref<1x40x128xi32, #tpu.memory_space<hbm>> -> memref<40x128xi32, #tpu.memory_space<hbm>>
      %dma_start3A_28 = arith.constant 0 : i32
      %dma_start3A_29 = arith.constant 0 : i32
      %dma_start3A_30 = tpu.memref_slice %arg3[%add3A, %dma_start3A_28, %dma_start3A_29] : memref<32x40x128xi32, #tpu.memory_space<hbm>> -> memref<1x40x128xi32, #tpu.memory_space<hbm>>
      %dma_start3A_31 = tpu.memref_squeeze %dma_start3A_30 : memref<1x40x128xi32, #tpu.memory_space<hbm>> -> memref<40x128xi32, #tpu.memory_space<hbm>>
      tpu.enqueue_dma source(%dma_start3A_31 : memref<40x128xi32, #tpu.memory_space<hbm>>) target(%arg8 : memref<40x128xi32, #tpu.memory_space<vmem>>) target_semaphore(%run_scoped3A : memref<!tpu.dma_semaphore, #tpu.memory_space<semaphore_mem>>)
      %dma_wait3A = arith.constant 0 : i32
      %dma_wait3A_32 = arith.constant 0 : i32
      %dma_wait3A_33 = tpu.memref_slice %arg3[%add3A, %dma_wait3A, %dma_wait3A_32] : memref<32x40x128xi32, #tpu.memory_space<hbm>> -> memref<1x40x128xi32, #tpu.memory_space<hbm>>
      %dma_wait3A_34 = tpu.memref_squeeze %dma_wait3A_33 : memref<1x40x128xi32, #tpu.memory_space<hbm>> -> memref<40x128xi32, #tpu.memory_space<hbm>>
      %dma_wait3A_35 = arith.constant 0 : i32
      %dma_wait3A_36 = arith.constant 0 : i32
      %dma_wait3A_37 = tpu.memref_slice %arg3[%add3A, %dma_wait3A_35, %dma_wait3A_36] : memref<32x40x128xi32, #tpu.memory_space<hbm>> -> memref<1x40x128xi32, #tpu.memory_space<hbm>>
      %dma_wait3A_38 = tpu.memref_squeeze %dma_wait3A_37 : memref<1x40x128xi32, #tpu.memory_space<hbm>> -> memref<40x128xi32, #tpu.memory_space<hbm>>
      tpu.wait_dma2 semaphore(%run_scoped3A : memref<!tpu.dma_semaphore, #tpu.memory_space<semaphore_mem>>) src(%dma_wait3A_38 : memref<40x128xi32, #tpu.memory_space<hbm>>) dst(%arg8 : memref<40x128xi32, #tpu.memory_space<vmem>>)
      tpu.yield
    }) : () -> ()
    %mul3A_4 = arith.constant 640 : i32
    %mul3A_5 = arith.muli %arg1, %mul3A_4 : i32
    %mul3A_6 = arith.constant 640 : i32
    %mul3A_7 = arith.muli %arg1, %mul3A_6 : i32
    "tpu.region"() ({
      %run_scoped3A = tpu.sem_alloc : memref<!tpu.dma_semaphore, #tpu.memory_space<semaphore_mem>>
      %dma_start3A_24 = arith.constant 0 : i32
      %dma_start3A_25 = tpu.memref_slice %arg11[%mul3A_7, %dma_start3A_24] : memref<10240x128xf32, #tpu.memory_space<vmem_shared>> -> memref<640x128xf32, #tpu.memory_space<vmem_shared>>
      %dma_start3A_26 = arith.constant 0 : i32
      %dma_start3A_27 = tpu.memref_slice %arg4[%mul3A_5, %dma_start3A_26] : memref<10240x128xf32, #tpu.memory_space<hbm>> -> memref<640x128xf32, #tpu.memory_space<hbm>>
      tpu.enqueue_dma source(%dma_start3A_27 : memref<640x128xf32, #tpu.memory_space<hbm>>) target(%dma_start3A_25 : memref<640x128xf32, #tpu.memory_space<vmem_shared>>) target_semaphore(%run_scoped3A : memref<!tpu.dma_semaphore, #tpu.memory_space<semaphore_mem>>)
      %dma_wait3A = arith.constant 0 : i32
      %dma_wait3A_28 = tpu.memref_slice %arg11[%mul3A_7, %dma_wait3A] : memref<10240x128xf32, #tpu.memory_space<vmem_shared>> -> memref<640x128xf32, #tpu.memory_space<vmem_shared>>
      %dma_wait3A_29 = arith.constant 0 : i32
      %dma_wait3A_30 = tpu.memref_slice %arg4[%mul3A_5, %dma_wait3A_29] : memref<10240x128xf32, #tpu.memory_space<hbm>> -> memref<640x128xf32, #tpu.memory_space<hbm>>
      tpu.wait_dma2 semaphore(%run_scoped3A : memref<!tpu.dma_semaphore, #tpu.memory_space<semaphore_mem>>) src(%dma_wait3A_30 : memref<640x128xf32, #tpu.memory_space<hbm>>) dst(%dma_wait3A_28 : memref<640x128xf32, #tpu.memory_space<vmem_shared>>)
      tpu.yield
    }) : () -> ()
    %barrier3A = arith.constant 0 : index
    tpu.barrier barrier_id(%barrier3A)
    %dma_start3A = arith.constant 0 : i32
    %dma_start3A_8 = arith.constant 0 : i32
    %dma_start3A_9 = tpu.memref_slice %arg7[%dma_start3A, %dma_start3A_8] : memref<40x128xi32, #tpu.memory_space<vmem>> -> memref<1x128xi32, #tpu.memory_space<vmem>>
    %dma_start3A_10 = tpu.memref_squeeze %dma_start3A_9 : memref<1x128xi32, #tpu.memory_space<vmem>> -> memref<128xi32, #tpu.memory_space<vmem>>
    %dma_start3A_11 = arith.constant 0 : i32
    %dma_start3A_12 = arith.constant 0 : i32
    %dma_start3A_13 = tpu.memref_slice %arg5[%dma_start3A_11, %dma_start3A_12] : memref<10000x128xf32, #tpu.memory_space<hbm>> -> memref<10000x128xf32, #tpu.memory_space<hbm>>
    tpu.enqueue_indirect_dma source(%dma_start3A_13 : memref<10000x128xf32, #tpu.memory_space<hbm>>) target(%arg9 : memref<128x128xf32, #tpu.memory_space<vmem>>) offsets(%dma_start3A_10 : memref<128xi32, #tpu.memory_space<vmem>>) semaphore(%arg12 : memref<!tpu.dma_semaphore, #tpu.memory_space<semaphore_mem>>)
    %scan3A = arith.constant 0 : i32
    %scan3A_14 = arith.constant 0 : i32
    %scan3A_15 = arith.constant 20 : i32
    %scan3A_16 = arith.addi %scan3A_14, %scan3A_15 : i32
    %scan3A_17 = arith.constant 1 : i32
    scf.for %scan3A_24 = %scan3A_14 to %scan3A_16 step %scan3A_17  : i32 {
      %mul3A_25 = arith.constant 2 : i32
      %mul3A_26 = arith.muli %scan3A_24, %mul3A_25 : i32
      %add3A_27 = arith.constant 0 : i32
      %add3A_28 = arith.addi %mul3A_26, %add3A_27 : i32
      %lt3A = arith.cmpi slt, %add3A_28, %select_n3A_3 : i32
      %convert_element_type3A = arith.extui %lt3A : i1 to i32
      %cond3A = arith.constant 0 : i32
      %cond3A_29 = arith.cmpi ne, %convert_element_type3A, %cond3A : i32
      scf.if %cond3A_29 {
        %dma_wait3A = arith.constant 0 : i32
        %dma_wait3A_38 = tpu.memref_slice %arg7[%add3A_28, %dma_wait3A] : memref<40x128xi32, #tpu.memory_space<vmem>> -> memref<1x128xi32, #tpu.memory_space<vmem>>
        %dma_wait3A_39 = tpu.memref_squeeze %dma_wait3A_38 : memref<1x128xi32, #tpu.memory_space<vmem>> -> memref<128xi32, #tpu.memory_space<vmem>>
        %dma_wait3A_40 = arith.constant 0 : i32
        %dma_wait3A_41 = arith.constant 0 : i32
        %dma_wait3A_42 = tpu.memref_slice %arg5[%dma_wait3A_40, %dma_wait3A_41] : memref<10000x128xf32, #tpu.memory_space<hbm>> -> memref<10000x128xf32, #tpu.memory_space<hbm>>
        tpu.wait_indirect_dma semaphore(%arg12 : memref<!tpu.dma_semaphore, #tpu.memory_space<semaphore_mem>>) src(%dma_wait3A_42 : memref<10000x128xf32, #tpu.memory_space<hbm>>) dst(%arg9 : memref<128x128xf32, #tpu.memory_space<vmem>>)
        "tpu.region"() ({
          %run_scoped3A = tpu.sem_alloc : memref<!tpu.dma_semaphore, #tpu.memory_space<semaphore_mem>>
          %dma_start3A_50 = arith.constant 0 : i32
          %dma_start3A_51 = tpu.memref_slice %arg8[%add3A_28, %dma_start3A_50] : memref<40x128xi32, #tpu.memory_space<vmem>> -> memref<1x128xi32, #tpu.memory_space<vmem>>
          %dma_start3A_52 = tpu.memref_squeeze %dma_start3A_51 : memref<1x128xi32, #tpu.memory_space<vmem>> -> memref<128xi32, #tpu.memory_space<vmem>>
          %dma_start3A_53 = arith.constant 0 : i32
          %dma_start3A_54 = arith.constant 0 : i32
          %dma_start3A_55 = tpu.memref_slice %arg11[%dma_start3A_53, %dma_start3A_54] : memref<10240x128xf32, #tpu.memory_space<vmem_shared>> -> memref<10240x128xf32, #tpu.memory_space<vmem_shared>>
          tpu.enqueue_indirect_dma source(%arg9 : memref<128x128xf32, #tpu.memory_space<vmem>>) target(%dma_start3A_55 : memref<10240x128xf32, #tpu.memory_space<vmem_shared>>) offsets(%dma_start3A_52 : memref<128xi32, #tpu.memory_space<vmem>>) semaphore(%run_scoped3A : memref<!tpu.dma_semaphore, #tpu.memory_space<semaphore_mem>>) {add = true}
          %dma_wait3A_56 = arith.constant 0 : i32
          %dma_wait3A_57 = tpu.memref_slice %arg8[%add3A_28, %dma_wait3A_56] : memref<40x128xi32, #tpu.memory_space<vmem>> -> memref<1x128xi32, #tpu.memory_space<vmem>>
          %dma_wait3A_58 = tpu.memref_squeeze %dma_wait3A_57 : memref<1x128xi32, #tpu.memory_space<vmem>> -> memref<128xi32, #tpu.memory_space<vmem>>
          %dma_wait3A_59 = arith.constant 0 : i32
          %dma_wait3A_60 = arith.constant 0 : i32
          %dma_wait3A_61 = tpu.memref_slice %arg11[%dma_wait3A_59, %dma_wait3A_60] : memref<10240x128xf32, #tpu.memory_space<vmem_shared>> -> memref<10240x128xf32, #tpu.memory_space<vmem_shared>>
          tpu.wait_indirect_dma semaphore(%run_scoped3A : memref<!tpu.dma_semaphore, #tpu.memory_space<semaphore_mem>>) src(%arg9 : memref<128x128xf32, #tpu.memory_space<vmem>>) dst(%dma_wait3A_61 : memref<10240x128xf32, #tpu.memory_space<vmem_shared>>)
          tpu.yield
        }) : () -> ()
        %add3A_43 = arith.constant 2 : i32
        %add3A_44 = arith.addi %add3A_28, %add3A_43 : i32
        %sub3A = arith.constant 1 : i32
        %sub3A_45 = arith.subi %add3A_44, %sub3A : i32
        %lt3A_46 = arith.cmpi slt, %sub3A_45, %select_n3A_3 : i32
        %convert_element_type3A_47 = arith.extui %lt3A_46 : i1 to i32
        %cond3A_48 = arith.constant 0 : i32
        %cond3A_49 = arith.cmpi ne, %convert_element_type3A_47, %cond3A_48 : i32
        scf.if %cond3A_49 {
          %add3A_50 = arith.constant 2 : i32
          %add3A_51 = arith.addi %add3A_28, %add3A_50 : i32
          %sub3A_52 = arith.constant 1 : i32
          %sub3A_53 = arith.subi %add3A_51, %sub3A_52 : i32
          %dma_start3A_54 = arith.constant 0 : i32
          %dma_start3A_55 = tpu.memref_slice %arg7[%sub3A_53, %dma_start3A_54] : memref<40x128xi32, #tpu.memory_space<vmem>> -> memref<1x128xi32, #tpu.memory_space<vmem>>
          %dma_start3A_56 = tpu.memref_squeeze %dma_start3A_55 : memref<1x128xi32, #tpu.memory_space<vmem>> -> memref<128xi32, #tpu.memory_space<vmem>>
          %dma_start3A_57 = arith.constant 0 : i32
          %dma_start3A_58 = arith.constant 0 : i32
          %dma_start3A_59 = tpu.memref_slice %arg5[%dma_start3A_57, %dma_start3A_58] : memref<10000x128xf32, #tpu.memory_space<hbm>> -> memref<10000x128xf32, #tpu.memory_space<hbm>>
          tpu.enqueue_indirect_dma source(%dma_start3A_59 : memref<10000x128xf32, #tpu.memory_space<hbm>>) target(%arg10 : memref<128x128xf32, #tpu.memory_space<vmem>>) offsets(%dma_start3A_56 : memref<128xi32, #tpu.memory_space<vmem>>) semaphore(%arg13 : memref<!tpu.dma_semaphore, #tpu.memory_space<semaphore_mem>>)
        } else {
        }
      } else {
      }
      %mul3A_30 = arith.constant 2 : i32
      %mul3A_31 = arith.muli %scan3A_24, %mul3A_30 : i32
      %add3A_32 = arith.constant 1 : i32
      %add3A_33 = arith.addi %mul3A_31, %add3A_32 : i32
      %lt3A_34 = arith.cmpi slt, %add3A_33, %select_n3A_3 : i32
      %convert_element_type3A_35 = arith.extui %lt3A_34 : i1 to i32
      %cond3A_36 = arith.constant 0 : i32
      %cond3A_37 = arith.cmpi ne, %convert_element_type3A_35, %cond3A_36 : i32
      scf.if %cond3A_37 {
        %dma_wait3A = arith.constant 0 : i32
        %dma_wait3A_38 = tpu.memref_slice %arg7[%add3A_33, %dma_wait3A] : memref<40x128xi32, #tpu.memory_space<vmem>> -> memref<1x128xi32, #tpu.memory_space<vmem>>
        %dma_wait3A_39 = tpu.memref_squeeze %dma_wait3A_38 : memref<1x128xi32, #tpu.memory_space<vmem>> -> memref<128xi32, #tpu.memory_space<vmem>>
        %dma_wait3A_40 = arith.constant 0 : i32
        %dma_wait3A_41 = arith.constant 0 : i32
        %dma_wait3A_42 = tpu.memref_slice %arg5[%dma_wait3A_40, %dma_wait3A_41] : memref<10000x128xf32, #tpu.memory_space<hbm>> -> memref<10000x128xf32, #tpu.memory_space<hbm>>
        tpu.wait_indirect_dma semaphore(%arg13 : memref<!tpu.dma_semaphore, #tpu.memory_space<semaphore_mem>>) src(%dma_wait3A_42 : memref<10000x128xf32, #tpu.memory_space<hbm>>) dst(%arg10 : memref<128x128xf32, #tpu.memory_space<vmem>>)
        "tpu.region"() ({
          %run_scoped3A = tpu.sem_alloc : memref<!tpu.dma_semaphore, #tpu.memory_space<semaphore_mem>>
          %dma_start3A_50 = arith.constant 0 : i32
          %dma_start3A_51 = tpu.memref_slice %arg8[%add3A_33, %dma_start3A_50] : memref<40x128xi32, #tpu.memory_space<vmem>> -> memref<1x128xi32, #tpu.memory_space<vmem>>
          %dma_start3A_52 = tpu.memref_squeeze %dma_start3A_51 : memref<1x128xi32, #tpu.memory_space<vmem>> -> memref<128xi32, #tpu.memory_space<vmem>>
          %dma_start3A_53 = arith.constant 0 : i32
          %dma_start3A_54 = arith.constant 0 : i32
          %dma_start3A_55 = tpu.memref_slice %arg11[%dma_start3A_53, %dma_start3A_54] : memref<10240x128xf32, #tpu.memory_space<vmem_shared>> -> memref<10240x128xf32, #tpu.memory_space<vmem_shared>>
          tpu.enqueue_indirect_dma source(%arg10 : memref<128x128xf32, #tpu.memory_space<vmem>>) target(%dma_start3A_55 : memref<10240x128xf32, #tpu.memory_space<vmem_shared>>) offsets(%dma_start3A_52 : memref<128xi32, #tpu.memory_space<vmem>>) semaphore(%run_scoped3A : memref<!tpu.dma_semaphore, #tpu.memory_space<semaphore_mem>>) {add = true}
          %dma_wait3A_56 = arith.constant 0 : i32
          %dma_wait3A_57 = tpu.memref_slice %arg8[%add3A_33, %dma_wait3A_56] : memref<40x128xi32, #tpu.memory_space<vmem>> -> memref<1x128xi32, #tpu.memory_space<vmem>>
          %dma_wait3A_58 = tpu.memref_squeeze %dma_wait3A_57 : memref<1x128xi32, #tpu.memory_space<vmem>> -> memref<128xi32, #tpu.memory_space<vmem>>
          %dma_wait3A_59 = arith.constant 0 : i32
          %dma_wait3A_60 = arith.constant 0 : i32
          %dma_wait3A_61 = tpu.memref_slice %arg11[%dma_wait3A_59, %dma_wait3A_60] : memref<10240x128xf32, #tpu.memory_space<vmem_shared>> -> memref<10240x128xf32, #tpu.memory_space<vmem_shared>>
          tpu.wait_indirect_dma semaphore(%run_scoped3A : memref<!tpu.dma_semaphore, #tpu.memory_space<semaphore_mem>>) src(%arg10 : memref<128x128xf32, #tpu.memory_space<vmem>>) dst(%dma_wait3A_61 : memref<10240x128xf32, #tpu.memory_space<vmem_shared>>)
          tpu.yield
        }) : () -> ()
        %add3A_43 = arith.constant 2 : i32
        %add3A_44 = arith.addi %add3A_33, %add3A_43 : i32
        %sub3A = arith.constant 1 : i32
        %sub3A_45 = arith.subi %add3A_44, %sub3A : i32
        %lt3A_46 = arith.cmpi slt, %sub3A_45, %select_n3A_3 : i32
        %convert_element_type3A_47 = arith.extui %lt3A_46 : i1 to i32
        %cond3A_48 = arith.constant 0 : i32
        %cond3A_49 = arith.cmpi ne, %convert_element_type3A_47, %cond3A_48 : i32
        scf.if %cond3A_49 {
          %add3A_50 = arith.constant 2 : i32
          %add3A_51 = arith.addi %add3A_33, %add3A_50 : i32
          %sub3A_52 = arith.constant 1 : i32
          %sub3A_53 = arith.subi %add3A_51, %sub3A_52 : i32
          %dma_start3A_54 = arith.constant 0 : i32
          %dma_start3A_55 = tpu.memref_slice %arg7[%sub3A_53, %dma_start3A_54] : memref<40x128xi32, #tpu.memory_space<vmem>> -> memref<1x128xi32, #tpu.memory_space<vmem>>
          %dma_start3A_56 = tpu.memref_squeeze %dma_start3A_55 : memref<1x128xi32, #tpu.memory_space<vmem>> -> memref<128xi32, #tpu.memory_space<vmem>>
          %dma_start3A_57 = arith.constant 0 : i32
          %dma_start3A_58 = arith.constant 0 : i32
          %dma_start3A_59 = tpu.memref_slice %arg5[%dma_start3A_57, %dma_start3A_58] : memref<10000x128xf32, #tpu.memory_space<hbm>> -> memref<10000x128xf32, #tpu.memory_space<hbm>>
          tpu.enqueue_indirect_dma source(%dma_start3A_59 : memref<10000x128xf32, #tpu.memory_space<hbm>>) target(%arg9 : memref<128x128xf32, #tpu.memory_space<vmem>>) offsets(%dma_start3A_56 : memref<128xi32, #tpu.memory_space<vmem>>) semaphore(%arg12 : memref<!tpu.dma_semaphore, #tpu.memory_space<semaphore_mem>>)
        } else {
        }
      } else {
      }
    }
    %scan3A_18 = arith.constant 20 : i32
    %barrier3A_19 = arith.constant 0 : index
    tpu.barrier barrier_id(%barrier3A_19)
    %mul3A_20 = arith.constant 640 : i32
    %mul3A_21 = arith.muli %arg1, %mul3A_20 : i32
    %mul3A_22 = arith.constant 640 : i32
    %mul3A_23 = arith.muli %arg1, %mul3A_22 : i32
    "tpu.region"() ({
      %run_scoped3A = tpu.sem_alloc : memref<!tpu.dma_semaphore, #tpu.memory_space<semaphore_mem>>
      %dma_start3A_24 = arith.constant 0 : i32
      %dma_start3A_25 = tpu.memref_slice %arg6[%arg0, %mul3A_23, %dma_start3A_24] : memref<2x10240x128xf32, #tpu.memory_space<hbm>> -> memref<1x640x128xf32, #tpu.memory_space<hbm>>
      %dma_start3A_26 = tpu.memref_squeeze %dma_start3A_25 : memref<1x640x128xf32, #tpu.memory_space<hbm>> -> memref<640x128xf32, #tpu.memory_space<hbm>>
      %dma_start3A_27 = arith.constant 0 : i32
      %dma_start3A_28 = tpu.memref_slice %arg11[%mul3A_21, %dma_start3A_27] : memref<10240x128xf32, #tpu.memory_space<vmem_shared>> -> memref<640x128xf32, #tpu.memory_space<vmem_shared>>
      tpu.enqueue_dma source(%dma_start3A_28 : memref<640x128xf32, #tpu.memory_space<vmem_shared>>) target(%dma_start3A_26 : memref<640x128xf32, #tpu.memory_space<hbm>>) target_semaphore(%run_scoped3A : memref<!tpu.dma_semaphore, #tpu.memory_space<semaphore_mem>>)
      %dma_wait3A = arith.constant 0 : i32
      %dma_wait3A_29 = tpu.memref_slice %arg6[%arg0, %mul3A_23, %dma_wait3A] : memref<2x10240x128xf32, #tpu.memory_space<hbm>> -> memref<1x640x128xf32, #tpu.memory_space<hbm>>
      %dma_wait3A_30 = tpu.memref_squeeze %dma_wait3A_29 : memref<1x640x128xf32, #tpu.memory_space<hbm>> -> memref<640x128xf32, #tpu.memory_space<hbm>>
      %dma_wait3A_31 = arith.constant 0 : i32
      %dma_wait3A_32 = tpu.memref_slice %arg11[%mul3A_21, %dma_wait3A_31] : memref<10240x128xf32, #tpu.memory_space<vmem_shared>> -> memref<640x128xf32, #tpu.memory_space<vmem_shared>>
      tpu.wait_dma2 semaphore(%run_scoped3A : memref<!tpu.dma_semaphore, #tpu.memory_space<semaphore_mem>>) src(%dma_wait3A_32 : memref<640x128xf32, #tpu.memory_space<vmem_shared>>) dst(%dma_wait3A_30 : memref<640x128xf32, #tpu.memory_space<hbm>>)
      tpu.yield
    }) : () -> ()
    return
  }
}

#map = affine_map<(d0, d1) -> (0, 0, 0)>
#map1 = affine_map<(d0, d1) -> (0, 0)>
module attributes {stable_mosaic.version = 14 : i64} {
  func.func @body(%arg0: i32, %arg1: i32, %arg2: memref<32x40x128xi32, #tpu.memory_space<hbm>>, %arg3: memref<10240x128xf32, #tpu.memory_space<hbm>>, %arg4: memref<128x128xf32, #tpu.memory_space<hbm>>, %arg5: memref<2x10240x128xf32, #tpu.memory_space<hbm>>, %arg6: memref<40x128xi32, #tpu.memory_space<vmem>>, %arg7: memref<128x128xf32, #tpu.memory_space<vmem>>, %arg8: memref<10240x128xf32, #tpu.memory_space<vmem_shared>>) attributes {dimension_semantics = [#tpu.dimension_semantics<core_parallel>, #tpu.dimension_semantics<subcore_parallel>], iteration_bounds = array<i64: 2, 16>, scalar_prefetch = 0 : i64, scratch_operands = 3 : i64, tpu.core_type = #tpu.core_type<sc_vector_subcore>, window_params = [{transform_indices = #map}, {transform_indices = #map1}, {transform_indices = #map1}, {transform_indices = #map}]} {
    %mul3A = arith.constant 16 : i32
    %mul3A_0 = arith.muli %arg0, %mul3A : i32
    %add3A = arith.addi %mul3A_0, %arg1 : i32
    "tpu.region"() ({
      %run_scoped3A = tpu.sem_alloc : memref<!tpu.dma_semaphore, #tpu.memory_space<semaphore_mem>>
      %dma_start3A = arith.constant 0 : i32
      %dma_start3A_15 = arith.constant 0 : i32
      %dma_start3A_16 = tpu.memref_slice %arg2[%add3A, %dma_start3A, %dma_start3A_15] : memref<32x40x128xi32, #tpu.memory_space<hbm>> -> memref<1x40x128xi32, #tpu.memory_space<hbm>>
      %dma_start3A_17 = tpu.memref_squeeze %dma_start3A_16 : memref<1x40x128xi32, #tpu.memory_space<hbm>> -> memref<40x128xi32, #tpu.memory_space<hbm>>
      %dma_start3A_18 = arith.constant 0 : i32
      %dma_start3A_19 = arith.constant 0 : i32
      %dma_start3A_20 = tpu.memref_slice %arg2[%add3A, %dma_start3A_18, %dma_start3A_19] : memref<32x40x128xi32, #tpu.memory_space<hbm>> -> memref<1x40x128xi32, #tpu.memory_space<hbm>>
      %dma_start3A_21 = tpu.memref_squeeze %dma_start3A_20 : memref<1x40x128xi32, #tpu.memory_space<hbm>> -> memref<40x128xi32, #tpu.memory_space<hbm>>
      tpu.enqueue_dma source(%dma_start3A_21 : memref<40x128xi32, #tpu.memory_space<hbm>>) target(%arg6 : memref<40x128xi32, #tpu.memory_space<vmem>>) target_semaphore(%run_scoped3A : memref<!tpu.dma_semaphore, #tpu.memory_space<semaphore_mem>>)
      %dma_wait3A = arith.constant 0 : i32
      %dma_wait3A_22 = arith.constant 0 : i32
      %dma_wait3A_23 = tpu.memref_slice %arg2[%add3A, %dma_wait3A, %dma_wait3A_22] : memref<32x40x128xi32, #tpu.memory_space<hbm>> -> memref<1x40x128xi32, #tpu.memory_space<hbm>>
      %dma_wait3A_24 = tpu.memref_squeeze %dma_wait3A_23 : memref<1x40x128xi32, #tpu.memory_space<hbm>> -> memref<40x128xi32, #tpu.memory_space<hbm>>
      %dma_wait3A_25 = arith.constant 0 : i32
      %dma_wait3A_26 = arith.constant 0 : i32
      %dma_wait3A_27 = tpu.memref_slice %arg2[%add3A, %dma_wait3A_25, %dma_wait3A_26] : memref<32x40x128xi32, #tpu.memory_space<hbm>> -> memref<1x40x128xi32, #tpu.memory_space<hbm>>
      %dma_wait3A_28 = tpu.memref_squeeze %dma_wait3A_27 : memref<1x40x128xi32, #tpu.memory_space<hbm>> -> memref<40x128xi32, #tpu.memory_space<hbm>>
      tpu.wait_dma2 semaphore(%run_scoped3A : memref<!tpu.dma_semaphore, #tpu.memory_space<semaphore_mem>>) src(%dma_wait3A_28 : memref<40x128xi32, #tpu.memory_space<hbm>>) dst(%arg6 : memref<40x128xi32, #tpu.memory_space<vmem>>)
      tpu.yield
    }) : () -> ()
    "tpu.region"() ({
      %run_scoped3A = tpu.sem_alloc : memref<!tpu.dma_semaphore, #tpu.memory_space<semaphore_mem>>
      tpu.enqueue_dma source(%arg4 : memref<128x128xf32, #tpu.memory_space<hbm>>) target(%arg7 : memref<128x128xf32, #tpu.memory_space<vmem>>) target_semaphore(%run_scoped3A : memref<!tpu.dma_semaphore, #tpu.memory_space<semaphore_mem>>)
      tpu.wait_dma2 semaphore(%run_scoped3A : memref<!tpu.dma_semaphore, #tpu.memory_space<semaphore_mem>>) src(%arg4 : memref<128x128xf32, #tpu.memory_space<hbm>>) dst(%arg7 : memref<128x128xf32, #tpu.memory_space<vmem>>)
      tpu.yield
    }) : () -> ()
    %mul3A_1 = arith.constant 640 : i32
    %mul3A_2 = arith.muli %arg1, %mul3A_1 : i32
    %mul3A_3 = arith.constant 640 : i32
    %mul3A_4 = arith.muli %arg1, %mul3A_3 : i32
    "tpu.region"() ({
      %run_scoped3A = tpu.sem_alloc : memref<!tpu.dma_semaphore, #tpu.memory_space<semaphore_mem>>
      %dma_start3A = arith.constant 0 : i32
      %dma_start3A_15 = tpu.memref_slice %arg8[%mul3A_4, %dma_start3A] : memref<10240x128xf32, #tpu.memory_space<vmem_shared>> -> memref<640x128xf32, #tpu.memory_space<vmem_shared>>
      %dma_start3A_16 = arith.constant 0 : i32
      %dma_start3A_17 = tpu.memref_slice %arg3[%mul3A_2, %dma_start3A_16] : memref<10240x128xf32, #tpu.memory_space<hbm>> -> memref<640x128xf32, #tpu.memory_space<hbm>>
      tpu.enqueue_dma source(%dma_start3A_17 : memref<640x128xf32, #tpu.memory_space<hbm>>) target(%dma_start3A_15 : memref<640x128xf32, #tpu.memory_space<vmem_shared>>) target_semaphore(%run_scoped3A : memref<!tpu.dma_semaphore, #tpu.memory_space<semaphore_mem>>)
      %dma_wait3A = arith.constant 0 : i32
      %dma_wait3A_18 = tpu.memref_slice %arg8[%mul3A_4, %dma_wait3A] : memref<10240x128xf32, #tpu.memory_space<vmem_shared>> -> memref<640x128xf32, #tpu.memory_space<vmem_shared>>
      %dma_wait3A_19 = arith.constant 0 : i32
      %dma_wait3A_20 = tpu.memref_slice %arg3[%mul3A_2, %dma_wait3A_19] : memref<10240x128xf32, #tpu.memory_space<hbm>> -> memref<640x128xf32, #tpu.memory_space<hbm>>
      tpu.wait_dma2 semaphore(%run_scoped3A : memref<!tpu.dma_semaphore, #tpu.memory_space<semaphore_mem>>) src(%dma_wait3A_20 : memref<640x128xf32, #tpu.memory_space<hbm>>) dst(%dma_wait3A_18 : memref<640x128xf32, #tpu.memory_space<vmem_shared>>)
      tpu.yield
    }) : () -> ()
    %barrier3A = arith.constant 0 : index
    tpu.barrier barrier_id(%barrier3A)
    %scan3A = arith.constant 0 : i32
    %scan3A_5 = arith.constant 0 : i32
    %scan3A_6 = arith.constant 40 : i32
    %scan3A_7 = arith.addi %scan3A_5, %scan3A_6 : i32
    %scan3A_8 = arith.constant 1 : i32
    scf.for %scan3A_15 = %scan3A_5 to %scan3A_7 step %scan3A_8  : i32 {
      "tpu.region"() ({
        %run_scoped3A = tpu.sem_alloc : memref<!tpu.dma_semaphore, #tpu.memory_space<semaphore_mem>>
        %dma_start3A = arith.constant 0 : i32
        %dma_start3A_16 = tpu.memref_slice %arg6[%scan3A_15, %dma_start3A] : memref<40x128xi32, #tpu.memory_space<vmem>> -> memref<1x128xi32, #tpu.memory_space<vmem>>
        %dma_start3A_17 = tpu.memref_squeeze %dma_start3A_16 : memref<1x128xi32, #tpu.memory_space<vmem>> -> memref<128xi32, #tpu.memory_space<vmem>>
        %dma_start3A_18 = arith.constant 0 : i32
        %dma_start3A_19 = arith.constant 0 : i32
        %dma_start3A_20 = tpu.memref_slice %arg8[%dma_start3A_18, %dma_start3A_19] : memref<10240x128xf32, #tpu.memory_space<vmem_shared>> -> memref<10240x128xf32, #tpu.memory_space<vmem_shared>>
        tpu.enqueue_indirect_dma source(%arg7 : memref<128x128xf32, #tpu.memory_space<vmem>>) target(%dma_start3A_20 : memref<10240x128xf32, #tpu.memory_space<vmem_shared>>) offsets(%dma_start3A_17 : memref<128xi32, #tpu.memory_space<vmem>>) semaphore(%run_scoped3A : memref<!tpu.dma_semaphore, #tpu.memory_space<semaphore_mem>>) {add = true}
        %dma_wait3A = arith.constant 0 : i32
        %dma_wait3A_21 = tpu.memref_slice %arg6[%scan3A_15, %dma_wait3A] : memref<40x128xi32, #tpu.memory_space<vmem>> -> memref<1x128xi32, #tpu.memory_space<vmem>>
        %dma_wait3A_22 = tpu.memref_squeeze %dma_wait3A_21 : memref<1x128xi32, #tpu.memory_space<vmem>> -> memref<128xi32, #tpu.memory_space<vmem>>
        %dma_wait3A_23 = arith.constant 0 : i32
        %dma_wait3A_24 = arith.constant 0 : i32
        %dma_wait3A_25 = tpu.memref_slice %arg8[%dma_wait3A_23, %dma_wait3A_24] : memref<10240x128xf32, #tpu.memory_space<vmem_shared>> -> memref<10240x128xf32, #tpu.memory_space<vmem_shared>>
        tpu.wait_indirect_dma semaphore(%run_scoped3A : memref<!tpu.dma_semaphore, #tpu.memory_space<semaphore_mem>>) src(%arg7 : memref<128x128xf32, #tpu.memory_space<vmem>>) dst(%dma_wait3A_25 : memref<10240x128xf32, #tpu.memory_space<vmem_shared>>)
        tpu.yield
      }) : () -> ()
    }
    %scan3A_9 = arith.constant 40 : i32
    %barrier3A_10 = arith.constant 0 : index
    tpu.barrier barrier_id(%barrier3A_10)
    %mul3A_11 = arith.constant 640 : i32
    %mul3A_12 = arith.muli %arg1, %mul3A_11 : i32
    %mul3A_13 = arith.constant 640 : i32
    %mul3A_14 = arith.muli %arg1, %mul3A_13 : i32
    "tpu.region"() ({
      %run_scoped3A = tpu.sem_alloc : memref<!tpu.dma_semaphore, #tpu.memory_space<semaphore_mem>>
      %dma_start3A = arith.constant 0 : i32
      %dma_start3A_15 = tpu.memref_slice %arg5[%arg0, %mul3A_14, %dma_start3A] : memref<2x10240x128xf32, #tpu.memory_space<hbm>> -> memref<1x640x128xf32, #tpu.memory_space<hbm>>
      %dma_start3A_16 = tpu.memref_squeeze %dma_start3A_15 : memref<1x640x128xf32, #tpu.memory_space<hbm>> -> memref<640x128xf32, #tpu.memory_space<hbm>>
      %dma_start3A_17 = arith.constant 0 : i32
      %dma_start3A_18 = tpu.memref_slice %arg8[%mul3A_12, %dma_start3A_17] : memref<10240x128xf32, #tpu.memory_space<vmem_shared>> -> memref<640x128xf32, #tpu.memory_space<vmem_shared>>
      tpu.enqueue_dma source(%dma_start3A_18 : memref<640x128xf32, #tpu.memory_space<vmem_shared>>) target(%dma_start3A_16 : memref<640x128xf32, #tpu.memory_space<hbm>>) target_semaphore(%run_scoped3A : memref<!tpu.dma_semaphore, #tpu.memory_space<semaphore_mem>>)
      %dma_wait3A = arith.constant 0 : i32
      %dma_wait3A_19 = tpu.memref_slice %arg5[%arg0, %mul3A_14, %dma_wait3A] : memref<2x10240x128xf32, #tpu.memory_space<hbm>> -> memref<1x640x128xf32, #tpu.memory_space<hbm>>
      %dma_wait3A_20 = tpu.memref_squeeze %dma_wait3A_19 : memref<1x640x128xf32, #tpu.memory_space<hbm>> -> memref<640x128xf32, #tpu.memory_space<hbm>>
      %dma_wait3A_21 = arith.constant 0 : i32
      %dma_wait3A_22 = tpu.memref_slice %arg8[%mul3A_12, %dma_wait3A_21] : memref<10240x128xf32, #tpu.memory_space<vmem_shared>> -> memref<640x128xf32, #tpu.memory_space<vmem_shared>>
      tpu.wait_dma2 semaphore(%run_scoped3A : memref<!tpu.dma_semaphore, #tpu.memory_space<semaphore_mem>>) src(%dma_wait3A_22 : memref<640x128xf32, #tpu.memory_space<vmem_shared>>) dst(%dma_wait3A_20 : memref<640x128xf32, #tpu.memory_space<hbm>>)
      tpu.yield
    }) : () -> ()
    return
  }
}

#map = affine_map<(d0, d1) -> (0, 0, 0)>
#map1 = affine_map<(d0, d1) -> (0, 0)>
module attributes {stable_mosaic.version = 14 : i64} {
  func.func @body(%arg0: i32, %arg1: i32, %arg2: memref<32x40x128xi32, #tpu.memory_space<hbm>>, %arg3: memref<32x40x128xi32, #tpu.memory_space<hbm>>, %arg4: memref<10240x128xf32, #tpu.memory_space<hbm>>, %arg5: memref<10000x128xf32, #tpu.memory_space<hbm>>, %arg6: memref<2x10240x128xf32, #tpu.memory_space<hbm>>, %arg7: memref<40x128xi32, #tpu.memory_space<vmem>>, %arg8: memref<40x128xi32, #tpu.memory_space<vmem>>, %arg9: memref<128x128xf32, #tpu.memory_space<vmem>>, %arg10: memref<128x128xf32, #tpu.memory_space<vmem>>, %arg11: memref<10240x128xf32, #tpu.memory_space<vmem_shared>>, %arg12: memref<!tpu.dma_semaphore, #tpu.memory_space<semaphore_mem>>, %arg13: memref<!tpu.dma_semaphore, #tpu.memory_space<semaphore_mem>>) attributes {dimension_semantics = [#tpu.dimension_semantics<core_parallel>, #tpu.dimension_semantics<subcore_parallel>], iteration_bounds = array<i64: 2, 16>, scalar_prefetch = 0 : i64, scratch_operands = 7 : i64, tpu.core_type = #tpu.core_type<sc_vector_subcore>, window_params = [{transform_indices = #map}, {transform_indices = #map}, {transform_indices = #map1}, {transform_indices = #map1}, {transform_indices = #map}]} {
    %mul3A = arith.constant 16 : i32
    %mul3A_0 = arith.muli %arg0, %mul3A : i32
    %add3A = arith.addi %mul3A_0, %arg1 : i32
    %eq3A = arith.constant 0 : i32
    %eq3A_1 = arith.cmpi eq, %arg0, %eq3A : i32
    %select_n3A = arith.constant 40 : i32
    %select_n3A_2 = arith.constant 40 : i32
    %select_n3A_3 = arith.select %eq3A_1, %select_n3A_2, %select_n3A : i32
    "tpu.region"() ({
      %run_scoped3A = tpu.sem_alloc : memref<!tpu.dma_semaphore, #tpu.memory_space<semaphore_mem>>
      %dma_start3A_24 = arith.constant 0 : i32
      %dma_start3A_25 = arith.constant 0 : i32
      %dma_start3A_26 = tpu.memref_slice %arg2[%add3A, %dma_start3A_24, %dma_start3A_25] : memref<32x40x128xi32, #tpu.memory_space<hbm>> -> memref<1x40x128xi32, #tpu.memory_space<hbm>>
      %dma_start3A_27 = tpu.memref_squeeze %dma_start3A_26 : memref<1x40x128xi32, #tpu.memory_space<hbm>> -> memref<40x128xi32, #tpu.memory_space<hbm>>
      %dma_start3A_28 = arith.constant 0 : i32
      %dma_start3A_29 = arith.constant 0 : i32
      %dma_start3A_30 = tpu.memref_slice %arg2[%add3A, %dma_start3A_28, %dma_start3A_29] : memref<32x40x128xi32, #tpu.memory_space<hbm>> -> memref<1x40x128xi32, #tpu.memory_space<hbm>>
      %dma_start3A_31 = tpu.memref_squeeze %dma_start3A_30 : memref<1x40x128xi32, #tpu.memory_space<hbm>> -> memref<40x128xi32, #tpu.memory_space<hbm>>
      tpu.enqueue_dma source(%dma_start3A_31 : memref<40x128xi32, #tpu.memory_space<hbm>>) target(%arg7 : memref<40x128xi32, #tpu.memory_space<vmem>>) target_semaphore(%run_scoped3A : memref<!tpu.dma_semaphore, #tpu.memory_space<semaphore_mem>>)
      %dma_wait3A = arith.constant 0 : i32
      %dma_wait3A_32 = arith.constant 0 : i32
      %dma_wait3A_33 = tpu.memref_slice %arg2[%add3A, %dma_wait3A, %dma_wait3A_32] : memref<32x40x128xi32, #tpu.memory_space<hbm>> -> memref<1x40x128xi32, #tpu.memory_space<hbm>>
      %dma_wait3A_34 = tpu.memref_squeeze %dma_wait3A_33 : memref<1x40x128xi32, #tpu.memory_space<hbm>> -> memref<40x128xi32, #tpu.memory_space<hbm>>
      %dma_wait3A_35 = arith.constant 0 : i32
      %dma_wait3A_36 = arith.constant 0 : i32
      %dma_wait3A_37 = tpu.memref_slice %arg2[%add3A, %dma_wait3A_35, %dma_wait3A_36] : memref<32x40x128xi32, #tpu.memory_space<hbm>> -> memref<1x40x128xi32, #tpu.memory_space<hbm>>
      %dma_wait3A_38 = tpu.memref_squeeze %dma_wait3A_37 : memref<1x40x128xi32, #tpu.memory_space<hbm>> -> memref<40x128xi32, #tpu.memory_space<hbm>>
      tpu.wait_dma2 semaphore(%run_scoped3A : memref<!tpu.dma_semaphore, #tpu.memory_space<semaphore_mem>>) src(%dma_wait3A_38 : memref<40x128xi32, #tpu.memory_space<hbm>>) dst(%arg7 : memref<40x128xi32, #tpu.memory_space<vmem>>)
      tpu.yield
    }) : () -> ()
    "tpu.region"() ({
      %run_scoped3A = tpu.sem_alloc : memref<!tpu.dma_semaphore, #tpu.memory_space<semaphore_mem>>
      %dma_start3A_24 = arith.constant 0 : i32
      %dma_start3A_25 = arith.constant 0 : i32
      %dma_start3A_26 = tpu.memref_slice %arg3[%add3A, %dma_start3A_24, %dma_start3A_25] : memref<32x40x128xi32, #tpu.memory_space<hbm>> -> memref<1x40x128xi32, #tpu.memory_space<hbm>>
      %dma_start3A_27 = tpu.memref_squeeze %dma_start3A_26 : memref<1x40x128xi32, #tpu.memory_space<hbm>> -> memref<40x128xi32, #tpu.memory_space<hbm>>
      %dma_start3A_28 = arith.constant 0 : i32
      %dma_start3A_29 = arith.constant 0 : i32
      %dma_start3A_30 = tpu.memref_slice %arg3[%add3A, %dma_start3A_28, %dma_start3A_29] : memref<32x40x128xi32, #tpu.memory_space<hbm>> -> memref<1x40x128xi32, #tpu.memory_space<hbm>>
      %dma_start3A_31 = tpu.memref_squeeze %dma_start3A_30 : memref<1x40x128xi32, #tpu.memory_space<hbm>> -> memref<40x128xi32, #tpu.memory_space<hbm>>
      tpu.enqueue_dma source(%dma_start3A_31 : memref<40x128xi32, #tpu.memory_space<hbm>>) target(%arg8 : memref<40x128xi32, #tpu.memory_space<vmem>>) target_semaphore(%run_scoped3A : memref<!tpu.dma_semaphore, #tpu.memory_space<semaphore_mem>>)
      %dma_wait3A = arith.constant 0 : i32
      %dma_wait3A_32 = arith.constant 0 : i32
      %dma_wait3A_33 = tpu.memref_slice %arg3[%add3A, %dma_wait3A, %dma_wait3A_32] : memref<32x40x128xi32, #tpu.memory_space<hbm>> -> memref<1x40x128xi32, #tpu.memory_space<hbm>>
      %dma_wait3A_34 = tpu.memref_squeeze %dma_wait3A_33 : memref<1x40x128xi32, #tpu.memory_space<hbm>> -> memref<40x128xi32, #tpu.memory_space<hbm>>
      %dma_wait3A_35 = arith.constant 0 : i32
      %dma_wait3A_36 = arith.constant 0 : i32
      %dma_wait3A_37 = tpu.memref_slice %arg3[%add3A, %dma_wait3A_35, %dma_wait3A_36] : memref<32x40x128xi32, #tpu.memory_space<hbm>> -> memref<1x40x128xi32, #tpu.memory_space<hbm>>
      %dma_wait3A_38 = tpu.memref_squeeze %dma_wait3A_37 : memref<1x40x128xi32, #tpu.memory_space<hbm>> -> memref<40x128xi32, #tpu.memory_space<hbm>>
      tpu.wait_dma2 semaphore(%run_scoped3A : memref<!tpu.dma_semaphore, #tpu.memory_space<semaphore_mem>>) src(%dma_wait3A_38 : memref<40x128xi32, #tpu.memory_space<hbm>>) dst(%arg8 : memref<40x128xi32, #tpu.memory_space<vmem>>)
      tpu.yield
    }) : () -> ()
    %mul3A_4 = arith.constant 640 : i32
    %mul3A_5 = arith.muli %arg1, %mul3A_4 : i32
    %mul3A_6 = arith.constant 640 : i32
    %mul3A_7 = arith.muli %arg1, %mul3A_6 : i32
    "tpu.region"() ({
      %run_scoped3A = tpu.sem_alloc : memref<!tpu.dma_semaphore, #tpu.memory_space<semaphore_mem>>
      %dma_start3A_24 = arith.constant 0 : i32
      %dma_start3A_25 = tpu.memref_slice %arg11[%mul3A_7, %dma_start3A_24] : memref<10240x128xf32, #tpu.memory_space<vmem_shared>> -> memref<640x128xf32, #tpu.memory_space<vmem_shared>>
      %dma_start3A_26 = arith.constant 0 : i32
      %dma_start3A_27 = tpu.memref_slice %arg4[%mul3A_5, %dma_start3A_26] : memref<10240x128xf32, #tpu.memory_space<hbm>> -> memref<640x128xf32, #tpu.memory_space<hbm>>
      tpu.enqueue_dma source(%dma_start3A_27 : memref<640x128xf32, #tpu.memory_space<hbm>>) target(%dma_start3A_25 : memref<640x128xf32, #tpu.memory_space<vmem_shared>>) target_semaphore(%run_scoped3A : memref<!tpu.dma_semaphore, #tpu.memory_space<semaphore_mem>>)
      %dma_wait3A = arith.constant 0 : i32
      %dma_wait3A_28 = tpu.memref_slice %arg11[%mul3A_7, %dma_wait3A] : memref<10240x128xf32, #tpu.memory_space<vmem_shared>> -> memref<640x128xf32, #tpu.memory_space<vmem_shared>>
      %dma_wait3A_29 = arith.constant 0 : i32
      %dma_wait3A_30 = tpu.memref_slice %arg4[%mul3A_5, %dma_wait3A_29] : memref<10240x128xf32, #tpu.memory_space<hbm>> -> memref<640x128xf32, #tpu.memory_space<hbm>>
      tpu.wait_dma2 semaphore(%run_scoped3A : memref<!tpu.dma_semaphore, #tpu.memory_space<semaphore_mem>>) src(%dma_wait3A_30 : memref<640x128xf32, #tpu.memory_space<hbm>>) dst(%dma_wait3A_28 : memref<640x128xf32, #tpu.memory_space<vmem_shared>>)
      tpu.yield
    }) : () -> ()
    %barrier3A = arith.constant 0 : index
    tpu.barrier barrier_id(%barrier3A)
    %dma_start3A = arith.constant 0 : i32
    %dma_start3A_8 = arith.constant 0 : i32
    %dma_start3A_9 = tpu.memref_slice %arg7[%dma_start3A, %dma_start3A_8] : memref<40x128xi32, #tpu.memory_space<vmem>> -> memref<1x128xi32, #tpu.memory_space<vmem>>
    %dma_start3A_10 = tpu.memref_squeeze %dma_start3A_9 : memref<1x128xi32, #tpu.memory_space<vmem>> -> memref<128xi32, #tpu.memory_space<vmem>>
    %dma_start3A_11 = arith.constant 0 : i32
    %dma_start3A_12 = arith.constant 0 : i32
    %dma_start3A_13 = tpu.memref_slice %arg5[%dma_start3A_11, %dma_start3A_12] : memref<10000x128xf32, #tpu.memory_space<hbm>> -> memref<10000x128xf32, #tpu.memory_space<hbm>>
    tpu.enqueue_indirect_dma source(%dma_start3A_13 : memref<10000x128xf32, #tpu.memory_space<hbm>>) target(%arg9 : memref<128x128xf32, #tpu.memory_space<vmem>>) offsets(%dma_start3A_10 : memref<128xi32, #tpu.memory_space<vmem>>) semaphore(%arg12 : memref<!tpu.dma_semaphore, #tpu.memory_space<semaphore_mem>>)
    %scan3A = arith.constant 0 : i32
    %scan3A_14 = arith.constant 0 : i32
    %scan3A_15 = arith.constant 20 : i32
    %scan3A_16 = arith.addi %scan3A_14, %scan3A_15 : i32
    %scan3A_17 = arith.constant 1 : i32
    scf.for %scan3A_24 = %scan3A_14 to %scan3A_16 step %scan3A_17  : i32 {
      %mul3A_25 = arith.constant 2 : i32
      %mul3A_26 = arith.muli %scan3A_24, %mul3A_25 : i32
      %add3A_27 = arith.constant 0 : i32
      %add3A_28 = arith.addi %mul3A_26, %add3A_27 : i32
      %lt3A = arith.cmpi slt, %add3A_28, %select_n3A_3 : i32
      %convert_element_type3A = arith.extui %lt3A : i1 to i32
      %cond3A = arith.constant 0 : i32
      %cond3A_29 = arith.cmpi ne, %convert_element_type3A, %cond3A : i32
      scf.if %cond3A_29 {
        %dma_wait3A = arith.constant 0 : i32
        %dma_wait3A_38 = tpu.memref_slice %arg7[%add3A_28, %dma_wait3A] : memref<40x128xi32, #tpu.memory_space<vmem>> -> memref<1x128xi32, #tpu.memory_space<vmem>>
        %dma_wait3A_39 = tpu.memref_squeeze %dma_wait3A_38 : memref<1x128xi32, #tpu.memory_space<vmem>> -> memref<128xi32, #tpu.memory_space<vmem>>
        %dma_wait3A_40 = arith.constant 0 : i32
        %dma_wait3A_41 = arith.constant 0 : i32
        %dma_wait3A_42 = tpu.memref_slice %arg5[%dma_wait3A_40, %dma_wait3A_41] : memref<10000x128xf32, #tpu.memory_space<hbm>> -> memref<10000x128xf32, #tpu.memory_space<hbm>>
        tpu.wait_indirect_dma semaphore(%arg12 : memref<!tpu.dma_semaphore, #tpu.memory_space<semaphore_mem>>) src(%dma_wait3A_42 : memref<10000x128xf32, #tpu.memory_space<hbm>>) dst(%arg9 : memref<128x128xf32, #tpu.memory_space<vmem>>)
        "tpu.region"() ({
          %run_scoped3A = tpu.sem_alloc : memref<!tpu.dma_semaphore, #tpu.memory_space<semaphore_mem>>
          %dma_start3A_50 = arith.constant 0 : i32
          %dma_start3A_51 = tpu.memref_slice %arg8[%add3A_28, %dma_start3A_50] : memref<40x128xi32, #tpu.memory_space<vmem>> -> memref<1x128xi32, #tpu.memory_space<vmem>>
          %dma_start3A_52 = tpu.memref_squeeze %dma_start3A_51 : memref<1x128xi32, #tpu.memory_space<vmem>> -> memref<128xi32, #tpu.memory_space<vmem>>
          %dma_start3A_53 = arith.constant 0 : i32
          %dma_start3A_54 = arith.constant 0 : i32
          %dma_start3A_55 = tpu.memref_slice %arg11[%dma_start3A_53, %dma_start3A_54] : memref<10240x128xf32, #tpu.memory_space<vmem_shared>> -> memref<10240x128xf32, #tpu.memory_space<vmem_shared>>
          tpu.enqueue_indirect_dma source(%arg9 : memref<128x128xf32, #tpu.memory_space<vmem>>) target(%dma_start3A_55 : memref<10240x128xf32, #tpu.memory_space<vmem_shared>>) offsets(%dma_start3A_52 : memref<128xi32, #tpu.memory_space<vmem>>) semaphore(%run_scoped3A : memref<!tpu.dma_semaphore, #tpu.memory_space<semaphore_mem>>) {add = true}
          %dma_wait3A_56 = arith.constant 0 : i32
          %dma_wait3A_57 = tpu.memref_slice %arg8[%add3A_28, %dma_wait3A_56] : memref<40x128xi32, #tpu.memory_space<vmem>> -> memref<1x128xi32, #tpu.memory_space<vmem>>
          %dma_wait3A_58 = tpu.memref_squeeze %dma_wait3A_57 : memref<1x128xi32, #tpu.memory_space<vmem>> -> memref<128xi32, #tpu.memory_space<vmem>>
          %dma_wait3A_59 = arith.constant 0 : i32
          %dma_wait3A_60 = arith.constant 0 : i32
          %dma_wait3A_61 = tpu.memref_slice %arg11[%dma_wait3A_59, %dma_wait3A_60] : memref<10240x128xf32, #tpu.memory_space<vmem_shared>> -> memref<10240x128xf32, #tpu.memory_space<vmem_shared>>
          tpu.wait_indirect_dma semaphore(%run_scoped3A : memref<!tpu.dma_semaphore, #tpu.memory_space<semaphore_mem>>) src(%arg9 : memref<128x128xf32, #tpu.memory_space<vmem>>) dst(%dma_wait3A_61 : memref<10240x128xf32, #tpu.memory_space<vmem_shared>>)
          tpu.yield
        }) : () -> ()
        %add3A_43 = arith.constant 2 : i32
        %add3A_44 = arith.addi %add3A_28, %add3A_43 : i32
        %sub3A = arith.constant 1 : i32
        %sub3A_45 = arith.subi %add3A_44, %sub3A : i32
        %lt3A_46 = arith.cmpi slt, %sub3A_45, %select_n3A_3 : i32
        %convert_element_type3A_47 = arith.extui %lt3A_46 : i1 to i32
        %cond3A_48 = arith.constant 0 : i32
        %cond3A_49 = arith.cmpi ne, %convert_element_type3A_47, %cond3A_48 : i32
        scf.if %cond3A_49 {
          %add3A_50 = arith.constant 2 : i32
          %add3A_51 = arith.addi %add3A_28, %add3A_50 : i32
          %sub3A_52 = arith.constant 1 : i32
          %sub3A_53 = arith.subi %add3A_51, %sub3A_52 : i32
          %dma_start3A_54 = arith.constant 0 : i32
          %dma_start3A_55 = tpu.memref_slice %arg7[%sub3A_53, %dma_start3A_54] : memref<40x128xi32, #tpu.memory_space<vmem>> -> memref<1x128xi32, #tpu.memory_space<vmem>>
          %dma_start3A_56 = tpu.memref_squeeze %dma_start3A_55 : memref<1x128xi32, #tpu.memory_space<vmem>> -> memref<128xi32, #tpu.memory_space<vmem>>
          %dma_start3A_57 = arith.constant 0 : i32
          %dma_start3A_58 = arith.constant 0 : i32
          %dma_start3A_59 = tpu.memref_slice %arg5[%dma_start3A_57, %dma_start3A_58] : memref<10000x128xf32, #tpu.memory_space<hbm>> -> memref<10000x128xf32, #tpu.memory_space<hbm>>
          tpu.enqueue_indirect_dma source(%dma_start3A_59 : memref<10000x128xf32, #tpu.memory_space<hbm>>) target(%arg10 : memref<128x128xf32, #tpu.memory_space<vmem>>) offsets(%dma_start3A_56 : memref<128xi32, #tpu.memory_space<vmem>>) semaphore(%arg13 : memref<!tpu.dma_semaphore, #tpu.memory_space<semaphore_mem>>)
        } else {
        }
      } else {
      }
      %mul3A_30 = arith.constant 2 : i32
      %mul3A_31 = arith.muli %scan3A_24, %mul3A_30 : i32
      %add3A_32 = arith.constant 1 : i32
      %add3A_33 = arith.addi %mul3A_31, %add3A_32 : i32
      %lt3A_34 = arith.cmpi slt, %add3A_33, %select_n3A_3 : i32
      %convert_element_type3A_35 = arith.extui %lt3A_34 : i1 to i32
      %cond3A_36 = arith.constant 0 : i32
      %cond3A_37 = arith.cmpi ne, %convert_element_type3A_35, %cond3A_36 : i32
      scf.if %cond3A_37 {
        %dma_wait3A = arith.constant 0 : i32
        %dma_wait3A_38 = tpu.memref_slice %arg7[%add3A_33, %dma_wait3A] : memref<40x128xi32, #tpu.memory_space<vmem>> -> memref<1x128xi32, #tpu.memory_space<vmem>>
        %dma_wait3A_39 = tpu.memref_squeeze %dma_wait3A_38 : memref<1x128xi32, #tpu.memory_space<vmem>> -> memref<128xi32, #tpu.memory_space<vmem>>
        %dma_wait3A_40 = arith.constant 0 : i32
        %dma_wait3A_41 = arith.constant 0 : i32
        %dma_wait3A_42 = tpu.memref_slice %arg5[%dma_wait3A_40, %dma_wait3A_41] : memref<10000x128xf32, #tpu.memory_space<hbm>> -> memref<10000x128xf32, #tpu.memory_space<hbm>>
        tpu.wait_indirect_dma semaphore(%arg13 : memref<!tpu.dma_semaphore, #tpu.memory_space<semaphore_mem>>) src(%dma_wait3A_42 : memref<10000x128xf32, #tpu.memory_space<hbm>>) dst(%arg10 : memref<128x128xf32, #tpu.memory_space<vmem>>)
        "tpu.region"() ({
          %run_scoped3A = tpu.sem_alloc : memref<!tpu.dma_semaphore, #tpu.memory_space<semaphore_mem>>
          %dma_start3A_50 = arith.constant 0 : i32
          %dma_start3A_51 = tpu.memref_slice %arg8[%add3A_33, %dma_start3A_50] : memref<40x128xi32, #tpu.memory_space<vmem>> -> memref<1x128xi32, #tpu.memory_space<vmem>>
          %dma_start3A_52 = tpu.memref_squeeze %dma_start3A_51 : memref<1x128xi32, #tpu.memory_space<vmem>> -> memref<128xi32, #tpu.memory_space<vmem>>
          %dma_start3A_53 = arith.constant 0 : i32
          %dma_start3A_54 = arith.constant 0 : i32
          %dma_start3A_55 = tpu.memref_slice %arg11[%dma_start3A_53, %dma_start3A_54] : memref<10240x128xf32, #tpu.memory_space<vmem_shared>> -> memref<10240x128xf32, #tpu.memory_space<vmem_shared>>
          tpu.enqueue_indirect_dma source(%arg10 : memref<128x128xf32, #tpu.memory_space<vmem>>) target(%dma_start3A_55 : memref<10240x128xf32, #tpu.memory_space<vmem_shared>>) offsets(%dma_start3A_52 : memref<128xi32, #tpu.memory_space<vmem>>) semaphore(%run_scoped3A : memref<!tpu.dma_semaphore, #tpu.memory_space<semaphore_mem>>) {add = true}
          %dma_wait3A_56 = arith.constant 0 : i32
          %dma_wait3A_57 = tpu.memref_slice %arg8[%add3A_33, %dma_wait3A_56] : memref<40x128xi32, #tpu.memory_space<vmem>> -> memref<1x128xi32, #tpu.memory_space<vmem>>
          %dma_wait3A_58 = tpu.memref_squeeze %dma_wait3A_57 : memref<1x128xi32, #tpu.memory_space<vmem>> -> memref<128xi32, #tpu.memory_space<vmem>>
          %dma_wait3A_59 = arith.constant 0 : i32
          %dma_wait3A_60 = arith.constant 0 : i32
          %dma_wait3A_61 = tpu.memref_slice %arg11[%dma_wait3A_59, %dma_wait3A_60] : memref<10240x128xf32, #tpu.memory_space<vmem_shared>> -> memref<10240x128xf32, #tpu.memory_space<vmem_shared>>
          tpu.wait_indirect_dma semaphore(%run_scoped3A : memref<!tpu.dma_semaphore, #tpu.memory_space<semaphore_mem>>) src(%arg10 : memref<128x128xf32, #tpu.memory_space<vmem>>) dst(%dma_wait3A_61 : memref<10240x128xf32, #tpu.memory_space<vmem_shared>>)
          tpu.yield
        }) : () -> ()
        %add3A_43 = arith.constant 2 : i32
        %add3A_44 = arith.addi %add3A_33, %add3A_43 : i32
        %sub3A = arith.constant 1 : i32
        %sub3A_45 = arith.subi %add3A_44, %sub3A : i32
        %lt3A_46 = arith.cmpi slt, %sub3A_45, %select_n3A_3 : i32
        %convert_element_type3A_47 = arith.extui %lt3A_46 : i1 to i32
        %cond3A_48 = arith.constant 0 : i32
        %cond3A_49 = arith.cmpi ne, %convert_element_type3A_47, %cond3A_48 : i32
        scf.if %cond3A_49 {
          %add3A_50 = arith.constant 2 : i32
          %add3A_51 = arith.addi %add3A_33, %add3A_50 : i32
          %sub3A_52 = arith.constant 1 : i32
          %sub3A_53 = arith.subi %add3A_51, %sub3A_52 : i32
          %dma_start3A_54 = arith.constant 0 : i32
          %dma_start3A_55 = tpu.memref_slice %arg7[%sub3A_53, %dma_start3A_54] : memref<40x128xi32, #tpu.memory_space<vmem>> -> memref<1x128xi32, #tpu.memory_space<vmem>>
          %dma_start3A_56 = tpu.memref_squeeze %dma_start3A_55 : memref<1x128xi32, #tpu.memory_space<vmem>> -> memref<128xi32, #tpu.memory_space<vmem>>
          %dma_start3A_57 = arith.constant 0 : i32
          %dma_start3A_58 = arith.constant 0 : i32
          %dma_start3A_59 = tpu.memref_slice %arg5[%dma_start3A_57, %dma_start3A_58] : memref<10000x128xf32, #tpu.memory_space<hbm>> -> memref<10000x128xf32, #tpu.memory_space<hbm>>
          tpu.enqueue_indirect_dma source(%dma_start3A_59 : memref<10000x128xf32, #tpu.memory_space<hbm>>) target(%arg9 : memref<128x128xf32, #tpu.memory_space<vmem>>) offsets(%dma_start3A_56 : memref<128xi32, #tpu.memory_space<vmem>>) semaphore(%arg12 : memref<!tpu.dma_semaphore, #tpu.memory_space<semaphore_mem>>)
        } else {
        }
      } else {
      }
    }
    %scan3A_18 = arith.constant 20 : i32
    %barrier3A_19 = arith.constant 0 : index
    tpu.barrier barrier_id(%barrier3A_19)
    %mul3A_20 = arith.constant 640 : i32
    %mul3A_21 = arith.muli %arg1, %mul3A_20 : i32
    %mul3A_22 = arith.constant 640 : i32
    %mul3A_23 = arith.muli %arg1, %mul3A_22 : i32
    "tpu.region"() ({
      %run_scoped3A = tpu.sem_alloc : memref<!tpu.dma_semaphore, #tpu.memory_space<semaphore_mem>>
      %dma_start3A_24 = arith.constant 0 : i32
      %dma_start3A_25 = tpu.memref_slice %arg6[%arg0, %mul3A_23, %dma_start3A_24] : memref<2x10240x128xf32, #tpu.memory_space<hbm>> -> memref<1x640x128xf32, #tpu.memory_space<hbm>>
      %dma_start3A_26 = tpu.memref_squeeze %dma_start3A_25 : memref<1x640x128xf32, #tpu.memory_space<hbm>> -> memref<640x128xf32, #tpu.memory_space<hbm>>
      %dma_start3A_27 = arith.constant 0 : i32
      %dma_start3A_28 = tpu.memref_slice %arg11[%mul3A_21, %dma_start3A_27] : memref<10240x128xf32, #tpu.memory_space<vmem_shared>> -> memref<640x128xf32, #tpu.memory_space<vmem_shared>>
      tpu.enqueue_dma source(%dma_start3A_28 : memref<640x128xf32, #tpu.memory_space<vmem_shared>>) target(%dma_start3A_26 : memref<640x128xf32, #tpu.memory_space<hbm>>) target_semaphore(%run_scoped3A : memref<!tpu.dma_semaphore, #tpu.memory_space<semaphore_mem>>)
      %dma_wait3A = arith.constant 0 : i32
      %dma_wait3A_29 = tpu.memref_slice %arg6[%arg0, %mul3A_23, %dma_wait3A] : memref<2x10240x128xf32, #tpu.memory_space<hbm>> -> memref<1x640x128xf32, #tpu.memory_space<hbm>>
      %dma_wait3A_30 = tpu.memref_squeeze %dma_wait3A_29 : memref<1x640x128xf32, #tpu.memory_space<hbm>> -> memref<640x128xf32, #tpu.memory_space<hbm>>
      %dma_wait3A_31 = arith.constant 0 : i32
      %dma_wait3A_32 = tpu.memref_slice %arg11[%mul3A_21, %dma_wait3A_31] : memref<10240x128xf32, #tpu.memory_space<vmem_shared>> -> memref<640x128xf32, #tpu.memory_space<vmem_shared>>
      tpu.wait_dma2 semaphore(%run_scoped3A : memref<!tpu.dma_semaphore, #tpu.memory_space<semaphore_mem>>) src(%dma_wait3A_32 : memref<640x128xf32, #tpu.memory_space<vmem_shared>>) dst(%dma_wait3A_30 : memref<640x128xf32, #tpu.memory_space<hbm>>)
      tpu.yield
    }) : () -> ()
    return
  }
}

#map = affine_map<(d0, d1) -> (0, 0, 0)>
#map1 = affine_map<(d0, d1) -> (0, 0)>
module attributes {stable_mosaic.version = 14 : i64} {
  func.func @body(%arg0: i32, %arg1: i32, %arg2: memref<32x40x128xi32, #tpu.memory_space<hbm>>, %arg3: memref<32x40x128xi32, #tpu.memory_space<hbm>>, %arg4: memref<10240x128xf32, #tpu.memory_space<hbm>>, %arg5: memref<10000x128xf32, #tpu.memory_space<hbm>>, %arg6: memref<10000x128xf32, #tpu.memory_space<hbm>>, %arg7: memref<10000x128xf32, #tpu.memory_space<hbm>>, %arg8: memref<10000x128xf32, #tpu.memory_space<hbm>>, %arg9: memref<2x10240x128xf32, #tpu.memory_space<hbm>>, %arg10: memref<2x10240x128xf32, #tpu.memory_space<hbm>>, %arg11: memref<2x10240x128xf32, #tpu.memory_space<hbm>>, %arg12: memref<2x10240x128xf32, #tpu.memory_space<hbm>>, %arg13: memref<40x128xi32, #tpu.memory_space<vmem>>, %arg14: memref<40x128xi32, #tpu.memory_space<vmem>>, %arg15: memref<128x128xf32, #tpu.memory_space<vmem>>, %arg16: memref<128x128xf32, #tpu.memory_space<vmem>>, %arg17: memref<10240x128xf32, #tpu.memory_space<vmem_shared>>, %arg18: memref<!tpu.dma_semaphore, #tpu.memory_space<semaphore_mem>>, %arg19: memref<!tpu.dma_semaphore, #tpu.memory_space<semaphore_mem>>) attributes {dimension_semantics = [#tpu.dimension_semantics<core_parallel>, #tpu.dimension_semantics<subcore_parallel>], iteration_bounds = array<i64: 2, 16>, scalar_prefetch = 0 : i64, scratch_operands = 7 : i64, tpu.core_type = #tpu.core_type<sc_vector_subcore>, window_params = [{transform_indices = #map}, {transform_indices = #map}, {transform_indices = #map1}, {transform_indices = #map1}, {transform_indices = #map1}, {transform_indices = #map1}, {transform_indices = #map1}, {transform_indices = #map}, {transform_indices = #map}, {transform_indices = #map}, {transform_indices = #map}]} {
    %mul3A = arith.constant 16 : i32
    %mul3A_0 = arith.muli %arg0, %mul3A : i32
    %add3A = arith.addi %mul3A_0, %arg1 : i32
    %eq3A = arith.constant 0 : i32
    %eq3A_1 = arith.cmpi eq, %arg0, %eq3A : i32
    %select_n3A = arith.constant 40 : i32
    %select_n3A_2 = arith.constant 40 : i32
    %select_n3A_3 = arith.select %eq3A_1, %select_n3A_2, %select_n3A : i32
    "tpu.region"() ({
      %run_scoped3A = tpu.sem_alloc : memref<!tpu.dma_semaphore, #tpu.memory_space<semaphore_mem>>
      %dma_start3A_93 = arith.constant 0 : i32
      %dma_start3A_94 = arith.constant 0 : i32
      %dma_start3A_95 = tpu.memref_slice %arg2[%add3A, %dma_start3A_93, %dma_start3A_94] : memref<32x40x128xi32, #tpu.memory_space<hbm>> -> memref<1x40x128xi32, #tpu.memory_space<hbm>>
      %dma_start3A_96 = tpu.memref_squeeze %dma_start3A_95 : memref<1x40x128xi32, #tpu.memory_space<hbm>> -> memref<40x128xi32, #tpu.memory_space<hbm>>
      %dma_start3A_97 = arith.constant 0 : i32
      %dma_start3A_98 = arith.constant 0 : i32
      %dma_start3A_99 = tpu.memref_slice %arg2[%add3A, %dma_start3A_97, %dma_start3A_98] : memref<32x40x128xi32, #tpu.memory_space<hbm>> -> memref<1x40x128xi32, #tpu.memory_space<hbm>>
      %dma_start3A_100 = tpu.memref_squeeze %dma_start3A_99 : memref<1x40x128xi32, #tpu.memory_space<hbm>> -> memref<40x128xi32, #tpu.memory_space<hbm>>
      tpu.enqueue_dma source(%dma_start3A_100 : memref<40x128xi32, #tpu.memory_space<hbm>>) target(%arg13 : memref<40x128xi32, #tpu.memory_space<vmem>>) target_semaphore(%run_scoped3A : memref<!tpu.dma_semaphore, #tpu.memory_space<semaphore_mem>>)
      %dma_wait3A = arith.constant 0 : i32
      %dma_wait3A_101 = arith.constant 0 : i32
      %dma_wait3A_102 = tpu.memref_slice %arg2[%add3A, %dma_wait3A, %dma_wait3A_101] : memref<32x40x128xi32, #tpu.memory_space<hbm>> -> memref<1x40x128xi32, #tpu.memory_space<hbm>>
      %dma_wait3A_103 = tpu.memref_squeeze %dma_wait3A_102 : memref<1x40x128xi32, #tpu.memory_space<hbm>> -> memref<40x128xi32, #tpu.memory_space<hbm>>
      %dma_wait3A_104 = arith.constant 0 : i32
      %dma_wait3A_105 = arith.constant 0 : i32
      %dma_wait3A_106 = tpu.memref_slice %arg2[%add3A, %dma_wait3A_104, %dma_wait3A_105] : memref<32x40x128xi32, #tpu.memory_space<hbm>> -> memref<1x40x128xi32, #tpu.memory_space<hbm>>
      %dma_wait3A_107 = tpu.memref_squeeze %dma_wait3A_106 : memref<1x40x128xi32, #tpu.memory_space<hbm>> -> memref<40x128xi32, #tpu.memory_space<hbm>>
      tpu.wait_dma2 semaphore(%run_scoped3A : memref<!tpu.dma_semaphore, #tpu.memory_space<semaphore_mem>>) src(%dma_wait3A_107 : memref<40x128xi32, #tpu.memory_space<hbm>>) dst(%arg13 : memref<40x128xi32, #tpu.memory_space<vmem>>)
      tpu.yield
    }) : () -> ()
    "tpu.region"() ({
      %run_scoped3A = tpu.sem_alloc : memref<!tpu.dma_semaphore, #tpu.memory_space<semaphore_mem>>
      %dma_start3A_93 = arith.constant 0 : i32
      %dma_start3A_94 = arith.constant 0 : i32
      %dma_start3A_95 = tpu.memref_slice %arg3[%add3A, %dma_start3A_93, %dma_start3A_94] : memref<32x40x128xi32, #tpu.memory_space<hbm>> -> memref<1x40x128xi32, #tpu.memory_space<hbm>>
      %dma_start3A_96 = tpu.memref_squeeze %dma_start3A_95 : memref<1x40x128xi32, #tpu.memory_space<hbm>> -> memref<40x128xi32, #tpu.memory_space<hbm>>
      %dma_start3A_97 = arith.constant 0 : i32
      %dma_start3A_98 = arith.constant 0 : i32
      %dma_start3A_99 = tpu.memref_slice %arg3[%add3A, %dma_start3A_97, %dma_start3A_98] : memref<32x40x128xi32, #tpu.memory_space<hbm>> -> memref<1x40x128xi32, #tpu.memory_space<hbm>>
      %dma_start3A_100 = tpu.memref_squeeze %dma_start3A_99 : memref<1x40x128xi32, #tpu.memory_space<hbm>> -> memref<40x128xi32, #tpu.memory_space<hbm>>
      tpu.enqueue_dma source(%dma_start3A_100 : memref<40x128xi32, #tpu.memory_space<hbm>>) target(%arg14 : memref<40x128xi32, #tpu.memory_space<vmem>>) target_semaphore(%run_scoped3A : memref<!tpu.dma_semaphore, #tpu.memory_space<semaphore_mem>>)
      %dma_wait3A = arith.constant 0 : i32
      %dma_wait3A_101 = arith.constant 0 : i32
      %dma_wait3A_102 = tpu.memref_slice %arg3[%add3A, %dma_wait3A, %dma_wait3A_101] : memref<32x40x128xi32, #tpu.memory_space<hbm>> -> memref<1x40x128xi32, #tpu.memory_space<hbm>>
      %dma_wait3A_103 = tpu.memref_squeeze %dma_wait3A_102 : memref<1x40x128xi32, #tpu.memory_space<hbm>> -> memref<40x128xi32, #tpu.memory_space<hbm>>
      %dma_wait3A_104 = arith.constant 0 : i32
      %dma_wait3A_105 = arith.constant 0 : i32
      %dma_wait3A_106 = tpu.memref_slice %arg3[%add3A, %dma_wait3A_104, %dma_wait3A_105] : memref<32x40x128xi32, #tpu.memory_space<hbm>> -> memref<1x40x128xi32, #tpu.memory_space<hbm>>
      %dma_wait3A_107 = tpu.memref_squeeze %dma_wait3A_106 : memref<1x40x128xi32, #tpu.memory_space<hbm>> -> memref<40x128xi32, #tpu.memory_space<hbm>>
      tpu.wait_dma2 semaphore(%run_scoped3A : memref<!tpu.dma_semaphore, #tpu.memory_space<semaphore_mem>>) src(%dma_wait3A_107 : memref<40x128xi32, #tpu.memory_space<hbm>>) dst(%arg14 : memref<40x128xi32, #tpu.memory_space<vmem>>)
      tpu.yield
    }) : () -> ()
    %mul3A_4 = arith.constant 640 : i32
    %mul3A_5 = arith.muli %arg1, %mul3A_4 : i32
    %mul3A_6 = arith.constant 640 : i32
    %mul3A_7 = arith.muli %arg1, %mul3A_6 : i32
    "tpu.region"() ({
      %run_scoped3A = tpu.sem_alloc : memref<!tpu.dma_semaphore, #tpu.memory_space<semaphore_mem>>
      %dma_start3A_93 = arith.constant 0 : i32
      %dma_start3A_94 = tpu.memref_slice %arg17[%mul3A_7, %dma_start3A_93] : memref<10240x128xf32, #tpu.memory_space<vmem_shared>> -> memref<640x128xf32, #tpu.memory_space<vmem_shared>>
      %dma_start3A_95 = arith.constant 0 : i32
      %dma_start3A_96 = tpu.memref_slice %arg4[%mul3A_5, %dma_start3A_95] : memref<10240x128xf32, #tpu.memory_space<hbm>> -> memref<640x128xf32, #tpu.memory_space<hbm>>
      tpu.enqueue_dma source(%dma_start3A_96 : memref<640x128xf32, #tpu.memory_space<hbm>>) target(%dma_start3A_94 : memref<640x128xf32, #tpu.memory_space<vmem_shared>>) target_semaphore(%run_scoped3A : memref<!tpu.dma_semaphore, #tpu.memory_space<semaphore_mem>>)
      %dma_wait3A = arith.constant 0 : i32
      %dma_wait3A_97 = tpu.memref_slice %arg17[%mul3A_7, %dma_wait3A] : memref<10240x128xf32, #tpu.memory_space<vmem_shared>> -> memref<640x128xf32, #tpu.memory_space<vmem_shared>>
      %dma_wait3A_98 = arith.constant 0 : i32
      %dma_wait3A_99 = tpu.memref_slice %arg4[%mul3A_5, %dma_wait3A_98] : memref<10240x128xf32, #tpu.memory_space<hbm>> -> memref<640x128xf32, #tpu.memory_space<hbm>>
      tpu.wait_dma2 semaphore(%run_scoped3A : memref<!tpu.dma_semaphore, #tpu.memory_space<semaphore_mem>>) src(%dma_wait3A_99 : memref<640x128xf32, #tpu.memory_space<hbm>>) dst(%dma_wait3A_97 : memref<640x128xf32, #tpu.memory_space<vmem_shared>>)
      tpu.yield
    }) : () -> ()
    %barrier3A = arith.constant 0 : index
    tpu.barrier barrier_id(%barrier3A)
    %dma_start3A = arith.constant 0 : i32
    %dma_start3A_8 = arith.constant 0 : i32
    %dma_start3A_9 = tpu.memref_slice %arg13[%dma_start3A, %dma_start3A_8] : memref<40x128xi32, #tpu.memory_space<vmem>> -> memref<1x128xi32, #tpu.memory_space<vmem>>
    %dma_start3A_10 = tpu.memref_squeeze %dma_start3A_9 : memref<1x128xi32, #tpu.memory_space<vmem>> -> memref<128xi32, #tpu.memory_space<vmem>>
    %dma_start3A_11 = arith.constant 0 : i32
    %dma_start3A_12 = arith.constant 0 : i32
    %dma_start3A_13 = tpu.memref_slice %arg5[%dma_start3A_11, %dma_start3A_12] : memref<10000x128xf32, #tpu.memory_space<hbm>> -> memref<10000x128xf32, #tpu.memory_space<hbm>>
    tpu.enqueue_indirect_dma source(%dma_start3A_13 : memref<10000x128xf32, #tpu.memory_space<hbm>>) target(%arg15 : memref<128x128xf32, #tpu.memory_space<vmem>>) offsets(%dma_start3A_10 : memref<128xi32, #tpu.memory_space<vmem>>) semaphore(%arg18 : memref<!tpu.dma_semaphore, #tpu.memory_space<semaphore_mem>>)
    %scan3A = arith.constant 0 : i32
    %scan3A_14 = arith.constant 0 : i32
    %scan3A_15 = arith.constant 20 : i32
    %scan3A_16 = arith.addi %scan3A_14, %scan3A_15 : i32
    %scan3A_17 = arith.constant 1 : i32
    scf.for %scan3A_93 = %scan3A_14 to %scan3A_16 step %scan3A_17  : i32 {
      %mul3A_94 = arith.constant 2 : i32
      %mul3A_95 = arith.muli %scan3A_93, %mul3A_94 : i32
      %add3A_96 = arith.constant 0 : i32
      %add3A_97 = arith.addi %mul3A_95, %add3A_96 : i32
      %lt3A = arith.cmpi slt, %add3A_97, %select_n3A_3 : i32
      %convert_element_type3A = arith.extui %lt3A : i1 to i32
      %cond3A = arith.constant 0 : i32
      %cond3A_98 = arith.cmpi ne, %convert_element_type3A, %cond3A : i32
      scf.if %cond3A_98 {
        %dma_wait3A = arith.constant 0 : i32
        %dma_wait3A_107 = tpu.memref_slice %arg13[%add3A_97, %dma_wait3A] : memref<40x128xi32, #tpu.memory_space<vmem>> -> memref<1x128xi32, #tpu.memory_space<vmem>>
        %dma_wait3A_108 = tpu.memref_squeeze %dma_wait3A_107 : memref<1x128xi32, #tpu.memory_space<vmem>> -> memref<128xi32, #tpu.memory_space<vmem>>
        %dma_wait3A_109 = arith.constant 0 : i32
        %dma_wait3A_110 = arith.constant 0 : i32
        %dma_wait3A_111 = tpu.memref_slice %arg5[%dma_wait3A_109, %dma_wait3A_110] : memref<10000x128xf32, #tpu.memory_space<hbm>> -> memref<10000x128xf32, #tpu.memory_space<hbm>>
        tpu.wait_indirect_dma semaphore(%arg18 : memref<!tpu.dma_semaphore, #tpu.memory_space<semaphore_mem>>) src(%dma_wait3A_111 : memref<10000x128xf32, #tpu.memory_space<hbm>>) dst(%arg15 : memref<128x128xf32, #tpu.memory_space<vmem>>)
        "tpu.region"() ({
          %run_scoped3A = tpu.sem_alloc : memref<!tpu.dma_semaphore, #tpu.memory_space<semaphore_mem>>
          %dma_start3A_119 = arith.constant 0 : i32
          %dma_start3A_120 = tpu.memref_slice %arg14[%add3A_97, %dma_start3A_119] : memref<40x128xi32, #tpu.memory_space<vmem>> -> memref<1x128xi32, #tpu.memory_space<vmem>>
          %dma_start3A_121 = tpu.memref_squeeze %dma_start3A_120 : memref<1x128xi32, #tpu.memory_space<vmem>> -> memref<128xi32, #tpu.memory_space<vmem>>
          %dma_start3A_122 = arith.constant 0 : i32
          %dma_start3A_123 = arith.constant 0 : i32
          %dma_start3A_124 = tpu.memref_slice %arg17[%dma_start3A_122, %dma_start3A_123] : memref<10240x128xf32, #tpu.memory_space<vmem_shared>> -> memref<10240x128xf32, #tpu.memory_space<vmem_shared>>
          tpu.enqueue_indirect_dma source(%arg15 : memref<128x128xf32, #tpu.memory_space<vmem>>) target(%dma_start3A_124 : memref<10240x128xf32, #tpu.memory_space<vmem_shared>>) offsets(%dma_start3A_121 : memref<128xi32, #tpu.memory_space<vmem>>) semaphore(%run_scoped3A : memref<!tpu.dma_semaphore, #tpu.memory_space<semaphore_mem>>) {add = true}
          %dma_wait3A_125 = arith.constant 0 : i32
          %dma_wait3A_126 = tpu.memref_slice %arg14[%add3A_97, %dma_wait3A_125] : memref<40x128xi32, #tpu.memory_space<vmem>> -> memref<1x128xi32, #tpu.memory_space<vmem>>
          %dma_wait3A_127 = tpu.memref_squeeze %dma_wait3A_126 : memref<1x128xi32, #tpu.memory_space<vmem>> -> memref<128xi32, #tpu.memory_space<vmem>>
          %dma_wait3A_128 = arith.constant 0 : i32
          %dma_wait3A_129 = arith.constant 0 : i32
          %dma_wait3A_130 = tpu.memref_slice %arg17[%dma_wait3A_128, %dma_wait3A_129] : memref<10240x128xf32, #tpu.memory_space<vmem_shared>> -> memref<10240x128xf32, #tpu.memory_space<vmem_shared>>
          tpu.wait_indirect_dma semaphore(%run_scoped3A : memref<!tpu.dma_semaphore, #tpu.memory_space<semaphore_mem>>) src(%arg15 : memref<128x128xf32, #tpu.memory_space<vmem>>) dst(%dma_wait3A_130 : memref<10240x128xf32, #tpu.memory_space<vmem_shared>>)
          tpu.yield
        }) : () -> ()
        %add3A_112 = arith.constant 2 : i32
        %add3A_113 = arith.addi %add3A_97, %add3A_112 : i32
        %sub3A = arith.constant 1 : i32
        %sub3A_114 = arith.subi %add3A_113, %sub3A : i32
        %lt3A_115 = arith.cmpi slt, %sub3A_114, %select_n3A_3 : i32
        %convert_element_type3A_116 = arith.extui %lt3A_115 : i1 to i32
        %cond3A_117 = arith.constant 0 : i32
        %cond3A_118 = arith.cmpi ne, %convert_element_type3A_116, %cond3A_117 : i32
        scf.if %cond3A_118 {
          %add3A_119 = arith.constant 2 : i32
          %add3A_120 = arith.addi %add3A_97, %add3A_119 : i32
          %sub3A_121 = arith.constant 1 : i32
          %sub3A_122 = arith.subi %add3A_120, %sub3A_121 : i32
          %dma_start3A_123 = arith.constant 0 : i32
          %dma_start3A_124 = tpu.memref_slice %arg13[%sub3A_122, %dma_start3A_123] : memref<40x128xi32, #tpu.memory_space<vmem>> -> memref<1x128xi32, #tpu.memory_space<vmem>>
          %dma_start3A_125 = tpu.memref_squeeze %dma_start3A_124 : memref<1x128xi32, #tpu.memory_space<vmem>> -> memref<128xi32, #tpu.memory_space<vmem>>
          %dma_start3A_126 = arith.constant 0 : i32
          %dma_start3A_127 = arith.constant 0 : i32
          %dma_start3A_128 = tpu.memref_slice %arg5[%dma_start3A_126, %dma_start3A_127] : memref<10000x128xf32, #tpu.memory_space<hbm>> -> memref<10000x128xf32, #tpu.memory_space<hbm>>
          tpu.enqueue_indirect_dma source(%dma_start3A_128 : memref<10000x128xf32, #tpu.memory_space<hbm>>) target(%arg16 : memref<128x128xf32, #tpu.memory_space<vmem>>) offsets(%dma_start3A_125 : memref<128xi32, #tpu.memory_space<vmem>>) semaphore(%arg19 : memref<!tpu.dma_semaphore, #tpu.memory_space<semaphore_mem>>)
        } else {
        }
      } else {
      }
      %mul3A_99 = arith.constant 2 : i32
      %mul3A_100 = arith.muli %scan3A_93, %mul3A_99 : i32
      %add3A_101 = arith.constant 1 : i32
      %add3A_102 = arith.addi %mul3A_100, %add3A_101 : i32
      %lt3A_103 = arith.cmpi slt, %add3A_102, %select_n3A_3 : i32
      %convert_element_type3A_104 = arith.extui %lt3A_103 : i1 to i32
      %cond3A_105 = arith.constant 0 : i32
      %cond3A_106 = arith.cmpi ne, %convert_element_type3A_104, %cond3A_105 : i32
      scf.if %cond3A_106 {
        %dma_wait3A = arith.constant 0 : i32
        %dma_wait3A_107 = tpu.memref_slice %arg13[%add3A_102, %dma_wait3A] : memref<40x128xi32, #tpu.memory_space<vmem>> -> memref<1x128xi32, #tpu.memory_space<vmem>>
        %dma_wait3A_108 = tpu.memref_squeeze %dma_wait3A_107 : memref<1x128xi32, #tpu.memory_space<vmem>> -> memref<128xi32, #tpu.memory_space<vmem>>
        %dma_wait3A_109 = arith.constant 0 : i32
        %dma_wait3A_110 = arith.constant 0 : i32
        %dma_wait3A_111 = tpu.memref_slice %arg5[%dma_wait3A_109, %dma_wait3A_110] : memref<10000x128xf32, #tpu.memory_space<hbm>> -> memref<10000x128xf32, #tpu.memory_space<hbm>>
        tpu.wait_indirect_dma semaphore(%arg19 : memref<!tpu.dma_semaphore, #tpu.memory_space<semaphore_mem>>) src(%dma_wait3A_111 : memref<10000x128xf32, #tpu.memory_space<hbm>>) dst(%arg16 : memref<128x128xf32, #tpu.memory_space<vmem>>)
        "tpu.region"() ({
          %run_scoped3A = tpu.sem_alloc : memref<!tpu.dma_semaphore, #tpu.memory_space<semaphore_mem>>
          %dma_start3A_119 = arith.constant 0 : i32
          %dma_start3A_120 = tpu.memref_slice %arg14[%add3A_102, %dma_start3A_119] : memref<40x128xi32, #tpu.memory_space<vmem>> -> memref<1x128xi32, #tpu.memory_space<vmem>>
          %dma_start3A_121 = tpu.memref_squeeze %dma_start3A_120 : memref<1x128xi32, #tpu.memory_space<vmem>> -> memref<128xi32, #tpu.memory_space<vmem>>
          %dma_start3A_122 = arith.constant 0 : i32
          %dma_start3A_123 = arith.constant 0 : i32
          %dma_start3A_124 = tpu.memref_slice %arg17[%dma_start3A_122, %dma_start3A_123] : memref<10240x128xf32, #tpu.memory_space<vmem_shared>> -> memref<10240x128xf32, #tpu.memory_space<vmem_shared>>
          tpu.enqueue_indirect_dma source(%arg16 : memref<128x128xf32, #tpu.memory_space<vmem>>) target(%dma_start3A_124 : memref<10240x128xf32, #tpu.memory_space<vmem_shared>>) offsets(%dma_start3A_121 : memref<128xi32, #tpu.memory_space<vmem>>) semaphore(%run_scoped3A : memref<!tpu.dma_semaphore, #tpu.memory_space<semaphore_mem>>) {add = true}
          %dma_wait3A_125 = arith.constant 0 : i32
          %dma_wait3A_126 = tpu.memref_slice %arg14[%add3A_102, %dma_wait3A_125] : memref<40x128xi32, #tpu.memory_space<vmem>> -> memref<1x128xi32, #tpu.memory_space<vmem>>
          %dma_wait3A_127 = tpu.memref_squeeze %dma_wait3A_126 : memref<1x128xi32, #tpu.memory_space<vmem>> -> memref<128xi32, #tpu.memory_space<vmem>>
          %dma_wait3A_128 = arith.constant 0 : i32
          %dma_wait3A_129 = arith.constant 0 : i32
          %dma_wait3A_130 = tpu.memref_slice %arg17[%dma_wait3A_128, %dma_wait3A_129] : memref<10240x128xf32, #tpu.memory_space<vmem_shared>> -> memref<10240x128xf32, #tpu.memory_space<vmem_shared>>
          tpu.wait_indirect_dma semaphore(%run_scoped3A : memref<!tpu.dma_semaphore, #tpu.memory_space<semaphore_mem>>) src(%arg16 : memref<128x128xf32, #tpu.memory_space<vmem>>) dst(%dma_wait3A_130 : memref<10240x128xf32, #tpu.memory_space<vmem_shared>>)
          tpu.yield
        }) : () -> ()
        %add3A_112 = arith.constant 2 : i32
        %add3A_113 = arith.addi %add3A_102, %add3A_112 : i32
        %sub3A = arith.constant 1 : i32
        %sub3A_114 = arith.subi %add3A_113, %sub3A : i32
        %lt3A_115 = arith.cmpi slt, %sub3A_114, %select_n3A_3 : i32
        %convert_element_type3A_116 = arith.extui %lt3A_115 : i1 to i32
        %cond3A_117 = arith.constant 0 : i32
        %cond3A_118 = arith.cmpi ne, %convert_element_type3A_116, %cond3A_117 : i32
        scf.if %cond3A_118 {
          %add3A_119 = arith.constant 2 : i32
          %add3A_120 = arith.addi %add3A_102, %add3A_119 : i32
          %sub3A_121 = arith.constant 1 : i32
          %sub3A_122 = arith.subi %add3A_120, %sub3A_121 : i32
          %dma_start3A_123 = arith.constant 0 : i32
          %dma_start3A_124 = tpu.memref_slice %arg13[%sub3A_122, %dma_start3A_123] : memref<40x128xi32, #tpu.memory_space<vmem>> -> memref<1x128xi32, #tpu.memory_space<vmem>>
          %dma_start3A_125 = tpu.memref_squeeze %dma_start3A_124 : memref<1x128xi32, #tpu.memory_space<vmem>> -> memref<128xi32, #tpu.memory_space<vmem>>
          %dma_start3A_126 = arith.constant 0 : i32
          %dma_start3A_127 = arith.constant 0 : i32
          %dma_start3A_128 = tpu.memref_slice %arg5[%dma_start3A_126, %dma_start3A_127] : memref<10000x128xf32, #tpu.memory_space<hbm>> -> memref<10000x128xf32, #tpu.memory_space<hbm>>
          tpu.enqueue_indirect_dma source(%dma_start3A_128 : memref<10000x128xf32, #tpu.memory_space<hbm>>) target(%arg15 : memref<128x128xf32, #tpu.memory_space<vmem>>) offsets(%dma_start3A_125 : memref<128xi32, #tpu.memory_space<vmem>>) semaphore(%arg18 : memref<!tpu.dma_semaphore, #tpu.memory_space<semaphore_mem>>)
        } else {
        }
      } else {
      }
    }
    %scan3A_18 = arith.constant 20 : i32
    %barrier3A_19 = arith.constant 0 : index
    tpu.barrier barrier_id(%barrier3A_19)
    %mul3A_20 = arith.constant 640 : i32
    %mul3A_21 = arith.muli %arg1, %mul3A_20 : i32
    %mul3A_22 = arith.constant 640 : i32
    %mul3A_23 = arith.muli %arg1, %mul3A_22 : i32
    "tpu.region"() ({
      %run_scoped3A = tpu.sem_alloc : memref<!tpu.dma_semaphore, #tpu.memory_space<semaphore_mem>>
      %dma_start3A_93 = arith.constant 0 : i32
      %dma_start3A_94 = tpu.memref_slice %arg9[%arg0, %mul3A_23, %dma_start3A_93] : memref<2x10240x128xf32, #tpu.memory_space<hbm>> -> memref<1x640x128xf32, #tpu.memory_space<hbm>>
      %dma_start3A_95 = tpu.memref_squeeze %dma_start3A_94 : memref<1x640x128xf32, #tpu.memory_space<hbm>> -> memref<640x128xf32, #tpu.memory_space<hbm>>
      %dma_start3A_96 = arith.constant 0 : i32
      %dma_start3A_97 = tpu.memref_slice %arg17[%mul3A_21, %dma_start3A_96] : memref<10240x128xf32, #tpu.memory_space<vmem_shared>> -> memref<640x128xf32, #tpu.memory_space<vmem_shared>>
      tpu.enqueue_dma source(%dma_start3A_97 : memref<640x128xf32, #tpu.memory_space<vmem_shared>>) target(%dma_start3A_95 : memref<640x128xf32, #tpu.memory_space<hbm>>) target_semaphore(%run_scoped3A : memref<!tpu.dma_semaphore, #tpu.memory_space<semaphore_mem>>)
      %dma_wait3A = arith.constant 0 : i32
      %dma_wait3A_98 = tpu.memref_slice %arg9[%arg0, %mul3A_23, %dma_wait3A] : memref<2x10240x128xf32, #tpu.memory_space<hbm>> -> memref<1x640x128xf32, #tpu.memory_space<hbm>>
      %dma_wait3A_99 = tpu.memref_squeeze %dma_wait3A_98 : memref<1x640x128xf32, #tpu.memory_space<hbm>> -> memref<640x128xf32, #tpu.memory_space<hbm>>
      %dma_wait3A_100 = arith.constant 0 : i32
      %dma_wait3A_101 = tpu.memref_slice %arg17[%mul3A_21, %dma_wait3A_100] : memref<10240x128xf32, #tpu.memory_space<vmem_shared>> -> memref<640x128xf32, #tpu.memory_space<vmem_shared>>
      tpu.wait_dma2 semaphore(%run_scoped3A : memref<!tpu.dma_semaphore, #tpu.memory_space<semaphore_mem>>) src(%dma_wait3A_101 : memref<640x128xf32, #tpu.memory_space<vmem_shared>>) dst(%dma_wait3A_99 : memref<640x128xf32, #tpu.memory_space<hbm>>)
      tpu.yield
    }) : () -> ()
    %mul3A_24 = arith.constant 640 : i32
    %mul3A_25 = arith.muli %arg1, %mul3A_24 : i32
    %mul3A_26 = arith.constant 640 : i32
    %mul3A_27 = arith.muli %arg1, %mul3A_26 : i32
    "tpu.region"() ({
      %run_scoped3A = tpu.sem_alloc : memref<!tpu.dma_semaphore, #tpu.memory_space<semaphore_mem>>
      %dma_start3A_93 = arith.constant 0 : i32
      %dma_start3A_94 = tpu.memref_slice %arg17[%mul3A_27, %dma_start3A_93] : memref<10240x128xf32, #tpu.memory_space<vmem_shared>> -> memref<640x128xf32, #tpu.memory_space<vmem_shared>>
      %dma_start3A_95 = arith.constant 0 : i32
      %dma_start3A_96 = tpu.memref_slice %arg4[%mul3A_25, %dma_start3A_95] : memref<10240x128xf32, #tpu.memory_space<hbm>> -> memref<640x128xf32, #tpu.memory_space<hbm>>
      tpu.enqueue_dma source(%dma_start3A_96 : memref<640x128xf32, #tpu.memory_space<hbm>>) target(%dma_start3A_94 : memref<640x128xf32, #tpu.memory_space<vmem_shared>>) target_semaphore(%run_scoped3A : memref<!tpu.dma_semaphore, #tpu.memory_space<semaphore_mem>>)
      %dma_wait3A = arith.constant 0 : i32
      %dma_wait3A_97 = tpu.memref_slice %arg17[%mul3A_27, %dma_wait3A] : memref<10240x128xf32, #tpu.memory_space<vmem_shared>> -> memref<640x128xf32, #tpu.memory_space<vmem_shared>>
      %dma_wait3A_98 = arith.constant 0 : i32
      %dma_wait3A_99 = tpu.memref_slice %arg4[%mul3A_25, %dma_wait3A_98] : memref<10240x128xf32, #tpu.memory_space<hbm>> -> memref<640x128xf32, #tpu.memory_space<hbm>>
      tpu.wait_dma2 semaphore(%run_scoped3A : memref<!tpu.dma_semaphore, #tpu.memory_space<semaphore_mem>>) src(%dma_wait3A_99 : memref<640x128xf32, #tpu.memory_space<hbm>>) dst(%dma_wait3A_97 : memref<640x128xf32, #tpu.memory_space<vmem_shared>>)
      tpu.yield
    }) : () -> ()
    %barrier3A_28 = arith.constant 0 : index
    tpu.barrier barrier_id(%barrier3A_28)
    %dma_start3A_29 = arith.constant 0 : i32
    %dma_start3A_30 = arith.constant 0 : i32
    %dma_start3A_31 = tpu.memref_slice %arg13[%dma_start3A_29, %dma_start3A_30] : memref<40x128xi32, #tpu.memory_space<vmem>> -> memref<1x128xi32, #tpu.memory_space<vmem>>
    %dma_start3A_32 = tpu.memref_squeeze %dma_start3A_31 : memref<1x128xi32, #tpu.memory_space<vmem>> -> memref<128xi32, #tpu.memory_space<vmem>>
    %dma_start3A_33 = arith.constant 0 : i32
    %dma_start3A_34 = arith.constant 0 : i32
    %dma_start3A_35 = tpu.memref_slice %arg6[%dma_start3A_33, %dma_start3A_34] : memref<10000x128xf32, #tpu.memory_space<hbm>> -> memref<10000x128xf32, #tpu.memory_space<hbm>>
    tpu.enqueue_indirect_dma source(%dma_start3A_35 : memref<10000x128xf32, #tpu.memory_space<hbm>>) target(%arg15 : memref<128x128xf32, #tpu.memory_space<vmem>>) offsets(%dma_start3A_32 : memref<128xi32, #tpu.memory_space<vmem>>) semaphore(%arg18 : memref<!tpu.dma_semaphore, #tpu.memory_space<semaphore_mem>>)
    %scan3A_36 = arith.constant 0 : i32
    %scan3A_37 = arith.constant 0 : i32
    %scan3A_38 = arith.constant 20 : i32
    %scan3A_39 = arith.addi %scan3A_37, %scan3A_38 : i32
    %scan3A_40 = arith.constant 1 : i32
    scf.for %scan3A_93 = %scan3A_37 to %scan3A_39 step %scan3A_40  : i32 {
      %mul3A_94 = arith.constant 2 : i32
      %mul3A_95 = arith.muli %scan3A_93, %mul3A_94 : i32
      %add3A_96 = arith.constant 0 : i32
      %add3A_97 = arith.addi %mul3A_95, %add3A_96 : i32
      %lt3A = arith.cmpi slt, %add3A_97, %select_n3A_3 : i32
      %convert_element_type3A = arith.extui %lt3A : i1 to i32
      %cond3A = arith.constant 0 : i32
      %cond3A_98 = arith.cmpi ne, %convert_element_type3A, %cond3A : i32
      scf.if %cond3A_98 {
        %dma_wait3A = arith.constant 0 : i32
        %dma_wait3A_107 = tpu.memref_slice %arg13[%add3A_97, %dma_wait3A] : memref<40x128xi32, #tpu.memory_space<vmem>> -> memref<1x128xi32, #tpu.memory_space<vmem>>
        %dma_wait3A_108 = tpu.memref_squeeze %dma_wait3A_107 : memref<1x128xi32, #tpu.memory_space<vmem>> -> memref<128xi32, #tpu.memory_space<vmem>>
        %dma_wait3A_109 = arith.constant 0 : i32
        %dma_wait3A_110 = arith.constant 0 : i32
        %dma_wait3A_111 = tpu.memref_slice %arg6[%dma_wait3A_109, %dma_wait3A_110] : memref<10000x128xf32, #tpu.memory_space<hbm>> -> memref<10000x128xf32, #tpu.memory_space<hbm>>
        tpu.wait_indirect_dma semaphore(%arg18 : memref<!tpu.dma_semaphore, #tpu.memory_space<semaphore_mem>>) src(%dma_wait3A_111 : memref<10000x128xf32, #tpu.memory_space<hbm>>) dst(%arg15 : memref<128x128xf32, #tpu.memory_space<vmem>>)
        "tpu.region"() ({
          %run_scoped3A = tpu.sem_alloc : memref<!tpu.dma_semaphore, #tpu.memory_space<semaphore_mem>>
          %dma_start3A_119 = arith.constant 0 : i32
          %dma_start3A_120 = tpu.memref_slice %arg14[%add3A_97, %dma_start3A_119] : memref<40x128xi32, #tpu.memory_space<vmem>> -> memref<1x128xi32, #tpu.memory_space<vmem>>
          %dma_start3A_121 = tpu.memref_squeeze %dma_start3A_120 : memref<1x128xi32, #tpu.memory_space<vmem>> -> memref<128xi32, #tpu.memory_space<vmem>>
          %dma_start3A_122 = arith.constant 0 : i32
          %dma_start3A_123 = arith.constant 0 : i32
          %dma_start3A_124 = tpu.memref_slice %arg17[%dma_start3A_122, %dma_start3A_123] : memref<10240x128xf32, #tpu.memory_space<vmem_shared>> -> memref<10240x128xf32, #tpu.memory_space<vmem_shared>>
          tpu.enqueue_indirect_dma source(%arg15 : memref<128x128xf32, #tpu.memory_space<vmem>>) target(%dma_start3A_124 : memref<10240x128xf32, #tpu.memory_space<vmem_shared>>) offsets(%dma_start3A_121 : memref<128xi32, #tpu.memory_space<vmem>>) semaphore(%run_scoped3A : memref<!tpu.dma_semaphore, #tpu.memory_space<semaphore_mem>>) {add = true}
          %dma_wait3A_125 = arith.constant 0 : i32
          %dma_wait3A_126 = tpu.memref_slice %arg14[%add3A_97, %dma_wait3A_125] : memref<40x128xi32, #tpu.memory_space<vmem>> -> memref<1x128xi32, #tpu.memory_space<vmem>>
          %dma_wait3A_127 = tpu.memref_squeeze %dma_wait3A_126 : memref<1x128xi32, #tpu.memory_space<vmem>> -> memref<128xi32, #tpu.memory_space<vmem>>
          %dma_wait3A_128 = arith.constant 0 : i32
          %dma_wait3A_129 = arith.constant 0 : i32
          %dma_wait3A_130 = tpu.memref_slice %arg17[%dma_wait3A_128, %dma_wait3A_129] : memref<10240x128xf32, #tpu.memory_space<vmem_shared>> -> memref<10240x128xf32, #tpu.memory_space<vmem_shared>>
          tpu.wait_indirect_dma semaphore(%run_scoped3A : memref<!tpu.dma_semaphore, #tpu.memory_space<semaphore_mem>>) src(%arg15 : memref<128x128xf32, #tpu.memory_space<vmem>>) dst(%dma_wait3A_130 : memref<10240x128xf32, #tpu.memory_space<vmem_shared>>)
          tpu.yield
        }) : () -> ()
        %add3A_112 = arith.constant 2 : i32
        %add3A_113 = arith.addi %add3A_97, %add3A_112 : i32
        %sub3A = arith.constant 1 : i32
        %sub3A_114 = arith.subi %add3A_113, %sub3A : i32
        %lt3A_115 = arith.cmpi slt, %sub3A_114, %select_n3A_3 : i32
        %convert_element_type3A_116 = arith.extui %lt3A_115 : i1 to i32
        %cond3A_117 = arith.constant 0 : i32
        %cond3A_118 = arith.cmpi ne, %convert_element_type3A_116, %cond3A_117 : i32
        scf.if %cond3A_118 {
          %add3A_119 = arith.constant 2 : i32
          %add3A_120 = arith.addi %add3A_97, %add3A_119 : i32
          %sub3A_121 = arith.constant 1 : i32
          %sub3A_122 = arith.subi %add3A_120, %sub3A_121 : i32
          %dma_start3A_123 = arith.constant 0 : i32
          %dma_start3A_124 = tpu.memref_slice %arg13[%sub3A_122, %dma_start3A_123] : memref<40x128xi32, #tpu.memory_space<vmem>> -> memref<1x128xi32, #tpu.memory_space<vmem>>
          %dma_start3A_125 = tpu.memref_squeeze %dma_start3A_124 : memref<1x128xi32, #tpu.memory_space<vmem>> -> memref<128xi32, #tpu.memory_space<vmem>>
          %dma_start3A_126 = arith.constant 0 : i32
          %dma_start3A_127 = arith.constant 0 : i32
          %dma_start3A_128 = tpu.memref_slice %arg6[%dma_start3A_126, %dma_start3A_127] : memref<10000x128xf32, #tpu.memory_space<hbm>> -> memref<10000x128xf32, #tpu.memory_space<hbm>>
          tpu.enqueue_indirect_dma source(%dma_start3A_128 : memref<10000x128xf32, #tpu.memory_space<hbm>>) target(%arg16 : memref<128x128xf32, #tpu.memory_space<vmem>>) offsets(%dma_start3A_125 : memref<128xi32, #tpu.memory_space<vmem>>) semaphore(%arg19 : memref<!tpu.dma_semaphore, #tpu.memory_space<semaphore_mem>>)
        } else {
        }
      } else {
      }
      %mul3A_99 = arith.constant 2 : i32
      %mul3A_100 = arith.muli %scan3A_93, %mul3A_99 : i32
      %add3A_101 = arith.constant 1 : i32
      %add3A_102 = arith.addi %mul3A_100, %add3A_101 : i32
      %lt3A_103 = arith.cmpi slt, %add3A_102, %select_n3A_3 : i32
      %convert_element_type3A_104 = arith.extui %lt3A_103 : i1 to i32
      %cond3A_105 = arith.constant 0 : i32
      %cond3A_106 = arith.cmpi ne, %convert_element_type3A_104, %cond3A_105 : i32
      scf.if %cond3A_106 {
        %dma_wait3A = arith.constant 0 : i32
        %dma_wait3A_107 = tpu.memref_slice %arg13[%add3A_102, %dma_wait3A] : memref<40x128xi32, #tpu.memory_space<vmem>> -> memref<1x128xi32, #tpu.memory_space<vmem>>
        %dma_wait3A_108 = tpu.memref_squeeze %dma_wait3A_107 : memref<1x128xi32, #tpu.memory_space<vmem>> -> memref<128xi32, #tpu.memory_space<vmem>>
        %dma_wait3A_109 = arith.constant 0 : i32
        %dma_wait3A_110 = arith.constant 0 : i32
        %dma_wait3A_111 = tpu.memref_slice %arg6[%dma_wait3A_109, %dma_wait3A_110] : memref<10000x128xf32, #tpu.memory_space<hbm>> -> memref<10000x128xf32, #tpu.memory_space<hbm>>
        tpu.wait_indirect_dma semaphore(%arg19 : memref<!tpu.dma_semaphore, #tpu.memory_space<semaphore_mem>>) src(%dma_wait3A_111 : memref<10000x128xf32, #tpu.memory_space<hbm>>) dst(%arg16 : memref<128x128xf32, #tpu.memory_space<vmem>>)
        "tpu.region"() ({
          %run_scoped3A = tpu.sem_alloc : memref<!tpu.dma_semaphore, #tpu.memory_space<semaphore_mem>>
          %dma_start3A_119 = arith.constant 0 : i32
          %dma_start3A_120 = tpu.memref_slice %arg14[%add3A_102, %dma_start3A_119] : memref<40x128xi32, #tpu.memory_space<vmem>> -> memref<1x128xi32, #tpu.memory_space<vmem>>
          %dma_start3A_121 = tpu.memref_squeeze %dma_start3A_120 : memref<1x128xi32, #tpu.memory_space<vmem>> -> memref<128xi32, #tpu.memory_space<vmem>>
          %dma_start3A_122 = arith.constant 0 : i32
          %dma_start3A_123 = arith.constant 0 : i32
          %dma_start3A_124 = tpu.memref_slice %arg17[%dma_start3A_122, %dma_start3A_123] : memref<10240x128xf32, #tpu.memory_space<vmem_shared>> -> memref<10240x128xf32, #tpu.memory_space<vmem_shared>>
          tpu.enqueue_indirect_dma source(%arg16 : memref<128x128xf32, #tpu.memory_space<vmem>>) target(%dma_start3A_124 : memref<10240x128xf32, #tpu.memory_space<vmem_shared>>) offsets(%dma_start3A_121 : memref<128xi32, #tpu.memory_space<vmem>>) semaphore(%run_scoped3A : memref<!tpu.dma_semaphore, #tpu.memory_space<semaphore_mem>>) {add = true}
          %dma_wait3A_125 = arith.constant 0 : i32
          %dma_wait3A_126 = tpu.memref_slice %arg14[%add3A_102, %dma_wait3A_125] : memref<40x128xi32, #tpu.memory_space<vmem>> -> memref<1x128xi32, #tpu.memory_space<vmem>>
          %dma_wait3A_127 = tpu.memref_squeeze %dma_wait3A_126 : memref<1x128xi32, #tpu.memory_space<vmem>> -> memref<128xi32, #tpu.memory_space<vmem>>
          %dma_wait3A_128 = arith.constant 0 : i32
          %dma_wait3A_129 = arith.constant 0 : i32
          %dma_wait3A_130 = tpu.memref_slice %arg17[%dma_wait3A_128, %dma_wait3A_129] : memref<10240x128xf32, #tpu.memory_space<vmem_shared>> -> memref<10240x128xf32, #tpu.memory_space<vmem_shared>>
          tpu.wait_indirect_dma semaphore(%run_scoped3A : memref<!tpu.dma_semaphore, #tpu.memory_space<semaphore_mem>>) src(%arg16 : memref<128x128xf32, #tpu.memory_space<vmem>>) dst(%dma_wait3A_130 : memref<10240x128xf32, #tpu.memory_space<vmem_shared>>)
          tpu.yield
        }) : () -> ()
        %add3A_112 = arith.constant 2 : i32
        %add3A_113 = arith.addi %add3A_102, %add3A_112 : i32
        %sub3A = arith.constant 1 : i32
        %sub3A_114 = arith.subi %add3A_113, %sub3A : i32
        %lt3A_115 = arith.cmpi slt, %sub3A_114, %select_n3A_3 : i32
        %convert_element_type3A_116 = arith.extui %lt3A_115 : i1 to i32
        %cond3A_117 = arith.constant 0 : i32
        %cond3A_118 = arith.cmpi ne, %convert_element_type3A_116, %cond3A_117 : i32
        scf.if %cond3A_118 {
          %add3A_119 = arith.constant 2 : i32
          %add3A_120 = arith.addi %add3A_102, %add3A_119 : i32
          %sub3A_121 = arith.constant 1 : i32
          %sub3A_122 = arith.subi %add3A_120, %sub3A_121 : i32
          %dma_start3A_123 = arith.constant 0 : i32
          %dma_start3A_124 = tpu.memref_slice %arg13[%sub3A_122, %dma_start3A_123] : memref<40x128xi32, #tpu.memory_space<vmem>> -> memref<1x128xi32, #tpu.memory_space<vmem>>
          %dma_start3A_125 = tpu.memref_squeeze %dma_start3A_124 : memref<1x128xi32, #tpu.memory_space<vmem>> -> memref<128xi32, #tpu.memory_space<vmem>>
          %dma_start3A_126 = arith.constant 0 : i32
          %dma_start3A_127 = arith.constant 0 : i32
          %dma_start3A_128 = tpu.memref_slice %arg6[%dma_start3A_126, %dma_start3A_127] : memref<10000x128xf32, #tpu.memory_space<hbm>> -> memref<10000x128xf32, #tpu.memory_space<hbm>>
          tpu.enqueue_indirect_dma source(%dma_start3A_128 : memref<10000x128xf32, #tpu.memory_space<hbm>>) target(%arg15 : memref<128x128xf32, #tpu.memory_space<vmem>>) offsets(%dma_start3A_125 : memref<128xi32, #tpu.memory_space<vmem>>) semaphore(%arg18 : memref<!tpu.dma_semaphore, #tpu.memory_space<semaphore_mem>>)
        } else {
        }
      } else {
      }
    }
    %scan3A_41 = arith.constant 20 : i32
    %barrier3A_42 = arith.constant 0 : index
    tpu.barrier barrier_id(%barrier3A_42)
    %mul3A_43 = arith.constant 640 : i32
    %mul3A_44 = arith.muli %arg1, %mul3A_43 : i32
    %mul3A_45 = arith.constant 640 : i32
    %mul3A_46 = arith.muli %arg1, %mul3A_45 : i32
    "tpu.region"() ({
      %run_scoped3A = tpu.sem_alloc : memref<!tpu.dma_semaphore, #tpu.memory_space<semaphore_mem>>
      %dma_start3A_93 = arith.constant 0 : i32
      %dma_start3A_94 = tpu.memref_slice %arg10[%arg0, %mul3A_46, %dma_start3A_93] : memref<2x10240x128xf32, #tpu.memory_space<hbm>> -> memref<1x640x128xf32, #tpu.memory_space<hbm>>
      %dma_start3A_95 = tpu.memref_squeeze %dma_start3A_94 : memref<1x640x128xf32, #tpu.memory_space<hbm>> -> memref<640x128xf32, #tpu.memory_space<hbm>>
      %dma_start3A_96 = arith.constant 0 : i32
      %dma_start3A_97 = tpu.memref_slice %arg17[%mul3A_44, %dma_start3A_96] : memref<10240x128xf32, #tpu.memory_space<vmem_shared>> -> memref<640x128xf32, #tpu.memory_space<vmem_shared>>
      tpu.enqueue_dma source(%dma_start3A_97 : memref<640x128xf32, #tpu.memory_space<vmem_shared>>) target(%dma_start3A_95 : memref<640x128xf32, #tpu.memory_space<hbm>>) target_semaphore(%run_scoped3A : memref<!tpu.dma_semaphore, #tpu.memory_space<semaphore_mem>>)
      %dma_wait3A = arith.constant 0 : i32
      %dma_wait3A_98 = tpu.memref_slice %arg10[%arg0, %mul3A_46, %dma_wait3A] : memref<2x10240x128xf32, #tpu.memory_space<hbm>> -> memref<1x640x128xf32, #tpu.memory_space<hbm>>
      %dma_wait3A_99 = tpu.memref_squeeze %dma_wait3A_98 : memref<1x640x128xf32, #tpu.memory_space<hbm>> -> memref<640x128xf32, #tpu.memory_space<hbm>>
      %dma_wait3A_100 = arith.constant 0 : i32
      %dma_wait3A_101 = tpu.memref_slice %arg17[%mul3A_44, %dma_wait3A_100] : memref<10240x128xf32, #tpu.memory_space<vmem_shared>> -> memref<640x128xf32, #tpu.memory_space<vmem_shared>>
      tpu.wait_dma2 semaphore(%run_scoped3A : memref<!tpu.dma_semaphore, #tpu.memory_space<semaphore_mem>>) src(%dma_wait3A_101 : memref<640x128xf32, #tpu.memory_space<vmem_shared>>) dst(%dma_wait3A_99 : memref<640x128xf32, #tpu.memory_space<hbm>>)
      tpu.yield
    }) : () -> ()
    %mul3A_47 = arith.constant 640 : i32
    %mul3A_48 = arith.muli %arg1, %mul3A_47 : i32
    %mul3A_49 = arith.constant 640 : i32
    %mul3A_50 = arith.muli %arg1, %mul3A_49 : i32
    "tpu.region"() ({
      %run_scoped3A = tpu.sem_alloc : memref<!tpu.dma_semaphore, #tpu.memory_space<semaphore_mem>>
      %dma_start3A_93 = arith.constant 0 : i32
      %dma_start3A_94 = tpu.memref_slice %arg17[%mul3A_50, %dma_start3A_93] : memref<10240x128xf32, #tpu.memory_space<vmem_shared>> -> memref<640x128xf32, #tpu.memory_space<vmem_shared>>
      %dma_start3A_95 = arith.constant 0 : i32
      %dma_start3A_96 = tpu.memref_slice %arg4[%mul3A_48, %dma_start3A_95] : memref<10240x128xf32, #tpu.memory_space<hbm>> -> memref<640x128xf32, #tpu.memory_space<hbm>>
      tpu.enqueue_dma source(%dma_start3A_96 : memref<640x128xf32, #tpu.memory_space<hbm>>) target(%dma_start3A_94 : memref<640x128xf32, #tpu.memory_space<vmem_shared>>) target_semaphore(%run_scoped3A : memref<!tpu.dma_semaphore, #tpu.memory_space<semaphore_mem>>)
      %dma_wait3A = arith.constant 0 : i32
      %dma_wait3A_97 = tpu.memref_slice %arg17[%mul3A_50, %dma_wait3A] : memref<10240x128xf32, #tpu.memory_space<vmem_shared>> -> memref<640x128xf32, #tpu.memory_space<vmem_shared>>
      %dma_wait3A_98 = arith.constant 0 : i32
      %dma_wait3A_99 = tpu.memref_slice %arg4[%mul3A_48, %dma_wait3A_98] : memref<10240x128xf32, #tpu.memory_space<hbm>> -> memref<640x128xf32, #tpu.memory_space<hbm>>
      tpu.wait_dma2 semaphore(%run_scoped3A : memref<!tpu.dma_semaphore, #tpu.memory_space<semaphore_mem>>) src(%dma_wait3A_99 : memref<640x128xf32, #tpu.memory_space<hbm>>) dst(%dma_wait3A_97 : memref<640x128xf32, #tpu.memory_space<vmem_shared>>)
      tpu.yield
    }) : () -> ()
    %barrier3A_51 = arith.constant 0 : index
    tpu.barrier barrier_id(%barrier3A_51)
    %dma_start3A_52 = arith.constant 0 : i32
    %dma_start3A_53 = arith.constant 0 : i32
    %dma_start3A_54 = tpu.memref_slice %arg13[%dma_start3A_52, %dma_start3A_53] : memref<40x128xi32, #tpu.memory_space<vmem>> -> memref<1x128xi32, #tpu.memory_space<vmem>>
    %dma_start3A_55 = tpu.memref_squeeze %dma_start3A_54 : memref<1x128xi32, #tpu.memory_space<vmem>> -> memref<128xi32, #tpu.memory_space<vmem>>
    %dma_start3A_56 = arith.constant 0 : i32
    %dma_start3A_57 = arith.constant 0 : i32
    %dma_start3A_58 = tpu.memref_slice %arg7[%dma_start3A_56, %dma_start3A_57] : memref<10000x128xf32, #tpu.memory_space<hbm>> -> memref<10000x128xf32, #tpu.memory_space<hbm>>
    tpu.enqueue_indirect_dma source(%dma_start3A_58 : memref<10000x128xf32, #tpu.memory_space<hbm>>) target(%arg15 : memref<128x128xf32, #tpu.memory_space<vmem>>) offsets(%dma_start3A_55 : memref<128xi32, #tpu.memory_space<vmem>>) semaphore(%arg18 : memref<!tpu.dma_semaphore, #tpu.memory_space<semaphore_mem>>)
    %scan3A_59 = arith.constant 0 : i32
    %scan3A_60 = arith.constant 0 : i32
    %scan3A_61 = arith.constant 20 : i32
    %scan3A_62 = arith.addi %scan3A_60, %scan3A_61 : i32
    %scan3A_63 = arith.constant 1 : i32
    scf.for %scan3A_93 = %scan3A_60 to %scan3A_62 step %scan3A_63  : i32 {
      %mul3A_94 = arith.constant 2 : i32
      %mul3A_95 = arith.muli %scan3A_93, %mul3A_94 : i32
      %add3A_96 = arith.constant 0 : i32
      %add3A_97 = arith.addi %mul3A_95, %add3A_96 : i32
      %lt3A = arith.cmpi slt, %add3A_97, %select_n3A_3 : i32
      %convert_element_type3A = arith.extui %lt3A : i1 to i32
      %cond3A = arith.constant 0 : i32
      %cond3A_98 = arith.cmpi ne, %convert_element_type3A, %cond3A : i32
      scf.if %cond3A_98 {
        %dma_wait3A = arith.constant 0 : i32
        %dma_wait3A_107 = tpu.memref_slice %arg13[%add3A_97, %dma_wait3A] : memref<40x128xi32, #tpu.memory_space<vmem>> -> memref<1x128xi32, #tpu.memory_space<vmem>>
        %dma_wait3A_108 = tpu.memref_squeeze %dma_wait3A_107 : memref<1x128xi32, #tpu.memory_space<vmem>> -> memref<128xi32, #tpu.memory_space<vmem>>
        %dma_wait3A_109 = arith.constant 0 : i32
        %dma_wait3A_110 = arith.constant 0 : i32
        %dma_wait3A_111 = tpu.memref_slice %arg7[%dma_wait3A_109, %dma_wait3A_110] : memref<10000x128xf32, #tpu.memory_space<hbm>> -> memref<10000x128xf32, #tpu.memory_space<hbm>>
        tpu.wait_indirect_dma semaphore(%arg18 : memref<!tpu.dma_semaphore, #tpu.memory_space<semaphore_mem>>) src(%dma_wait3A_111 : memref<10000x128xf32, #tpu.memory_space<hbm>>) dst(%arg15 : memref<128x128xf32, #tpu.memory_space<vmem>>)
        "tpu.region"() ({
          %run_scoped3A = tpu.sem_alloc : memref<!tpu.dma_semaphore, #tpu.memory_space<semaphore_mem>>
          %dma_start3A_119 = arith.constant 0 : i32
          %dma_start3A_120 = tpu.memref_slice %arg14[%add3A_97, %dma_start3A_119] : memref<40x128xi32, #tpu.memory_space<vmem>> -> memref<1x128xi32, #tpu.memory_space<vmem>>
          %dma_start3A_121 = tpu.memref_squeeze %dma_start3A_120 : memref<1x128xi32, #tpu.memory_space<vmem>> -> memref<128xi32, #tpu.memory_space<vmem>>
          %dma_start3A_122 = arith.constant 0 : i32
          %dma_start3A_123 = arith.constant 0 : i32
          %dma_start3A_124 = tpu.memref_slice %arg17[%dma_start3A_122, %dma_start3A_123] : memref<10240x128xf32, #tpu.memory_space<vmem_shared>> -> memref<10240x128xf32, #tpu.memory_space<vmem_shared>>
          tpu.enqueue_indirect_dma source(%arg15 : memref<128x128xf32, #tpu.memory_space<vmem>>) target(%dma_start3A_124 : memref<10240x128xf32, #tpu.memory_space<vmem_shared>>) offsets(%dma_start3A_121 : memref<128xi32, #tpu.memory_space<vmem>>) semaphore(%run_scoped3A : memref<!tpu.dma_semaphore, #tpu.memory_space<semaphore_mem>>) {add = true}
          %dma_wait3A_125 = arith.constant 0 : i32
          %dma_wait3A_126 = tpu.memref_slice %arg14[%add3A_97, %dma_wait3A_125] : memref<40x128xi32, #tpu.memory_space<vmem>> -> memref<1x128xi32, #tpu.memory_space<vmem>>
          %dma_wait3A_127 = tpu.memref_squeeze %dma_wait3A_126 : memref<1x128xi32, #tpu.memory_space<vmem>> -> memref<128xi32, #tpu.memory_space<vmem>>
          %dma_wait3A_128 = arith.constant 0 : i32
          %dma_wait3A_129 = arith.constant 0 : i32
          %dma_wait3A_130 = tpu.memref_slice %arg17[%dma_wait3A_128, %dma_wait3A_129] : memref<10240x128xf32, #tpu.memory_space<vmem_shared>> -> memref<10240x128xf32, #tpu.memory_space<vmem_shared>>
          tpu.wait_indirect_dma semaphore(%run_scoped3A : memref<!tpu.dma_semaphore, #tpu.memory_space<semaphore_mem>>) src(%arg15 : memref<128x128xf32, #tpu.memory_space<vmem>>) dst(%dma_wait3A_130 : memref<10240x128xf32, #tpu.memory_space<vmem_shared>>)
          tpu.yield
        }) : () -> ()
        %add3A_112 = arith.constant 2 : i32
        %add3A_113 = arith.addi %add3A_97, %add3A_112 : i32
        %sub3A = arith.constant 1 : i32
        %sub3A_114 = arith.subi %add3A_113, %sub3A : i32
        %lt3A_115 = arith.cmpi slt, %sub3A_114, %select_n3A_3 : i32
        %convert_element_type3A_116 = arith.extui %lt3A_115 : i1 to i32
        %cond3A_117 = arith.constant 0 : i32
        %cond3A_118 = arith.cmpi ne, %convert_element_type3A_116, %cond3A_117 : i32
        scf.if %cond3A_118 {
          %add3A_119 = arith.constant 2 : i32
          %add3A_120 = arith.addi %add3A_97, %add3A_119 : i32
          %sub3A_121 = arith.constant 1 : i32
          %sub3A_122 = arith.subi %add3A_120, %sub3A_121 : i32
          %dma_start3A_123 = arith.constant 0 : i32
          %dma_start3A_124 = tpu.memref_slice %arg13[%sub3A_122, %dma_start3A_123] : memref<40x128xi32, #tpu.memory_space<vmem>> -> memref<1x128xi32, #tpu.memory_space<vmem>>
          %dma_start3A_125 = tpu.memref_squeeze %dma_start3A_124 : memref<1x128xi32, #tpu.memory_space<vmem>> -> memref<128xi32, #tpu.memory_space<vmem>>
          %dma_start3A_126 = arith.constant 0 : i32
          %dma_start3A_127 = arith.constant 0 : i32
          %dma_start3A_128 = tpu.memref_slice %arg7[%dma_start3A_126, %dma_start3A_127] : memref<10000x128xf32, #tpu.memory_space<hbm>> -> memref<10000x128xf32, #tpu.memory_space<hbm>>
          tpu.enqueue_indirect_dma source(%dma_start3A_128 : memref<10000x128xf32, #tpu.memory_space<hbm>>) target(%arg16 : memref<128x128xf32, #tpu.memory_space<vmem>>) offsets(%dma_start3A_125 : memref<128xi32, #tpu.memory_space<vmem>>) semaphore(%arg19 : memref<!tpu.dma_semaphore, #tpu.memory_space<semaphore_mem>>)
        } else {
        }
      } else {
      }
      %mul3A_99 = arith.constant 2 : i32
      %mul3A_100 = arith.muli %scan3A_93, %mul3A_99 : i32
      %add3A_101 = arith.constant 1 : i32
      %add3A_102 = arith.addi %mul3A_100, %add3A_101 : i32
      %lt3A_103 = arith.cmpi slt, %add3A_102, %select_n3A_3 : i32
      %convert_element_type3A_104 = arith.extui %lt3A_103 : i1 to i32
      %cond3A_105 = arith.constant 0 : i32
      %cond3A_106 = arith.cmpi ne, %convert_element_type3A_104, %cond3A_105 : i32
      scf.if %cond3A_106 {
        %dma_wait3A = arith.constant 0 : i32
        %dma_wait3A_107 = tpu.memref_slice %arg13[%add3A_102, %dma_wait3A] : memref<40x128xi32, #tpu.memory_space<vmem>> -> memref<1x128xi32, #tpu.memory_space<vmem>>
        %dma_wait3A_108 = tpu.memref_squeeze %dma_wait3A_107 : memref<1x128xi32, #tpu.memory_space<vmem>> -> memref<128xi32, #tpu.memory_space<vmem>>
        %dma_wait3A_109 = arith.constant 0 : i32
        %dma_wait3A_110 = arith.constant 0 : i32
        %dma_wait3A_111 = tpu.memref_slice %arg7[%dma_wait3A_109, %dma_wait3A_110] : memref<10000x128xf32, #tpu.memory_space<hbm>> -> memref<10000x128xf32, #tpu.memory_space<hbm>>
        tpu.wait_indirect_dma semaphore(%arg19 : memref<!tpu.dma_semaphore, #tpu.memory_space<semaphore_mem>>) src(%dma_wait3A_111 : memref<10000x128xf32, #tpu.memory_space<hbm>>) dst(%arg16 : memref<128x128xf32, #tpu.memory_space<vmem>>)
        "tpu.region"() ({
          %run_scoped3A = tpu.sem_alloc : memref<!tpu.dma_semaphore, #tpu.memory_space<semaphore_mem>>
          %dma_start3A_119 = arith.constant 0 : i32
          %dma_start3A_120 = tpu.memref_slice %arg14[%add3A_102, %dma_start3A_119] : memref<40x128xi32, #tpu.memory_space<vmem>> -> memref<1x128xi32, #tpu.memory_space<vmem>>
          %dma_start3A_121 = tpu.memref_squeeze %dma_start3A_120 : memref<1x128xi32, #tpu.memory_space<vmem>> -> memref<128xi32, #tpu.memory_space<vmem>>
          %dma_start3A_122 = arith.constant 0 : i32
          %dma_start3A_123 = arith.constant 0 : i32
          %dma_start3A_124 = tpu.memref_slice %arg17[%dma_start3A_122, %dma_start3A_123] : memref<10240x128xf32, #tpu.memory_space<vmem_shared>> -> memref<10240x128xf32, #tpu.memory_space<vmem_shared>>
          tpu.enqueue_indirect_dma source(%arg16 : memref<128x128xf32, #tpu.memory_space<vmem>>) target(%dma_start3A_124 : memref<10240x128xf32, #tpu.memory_space<vmem_shared>>) offsets(%dma_start3A_121 : memref<128xi32, #tpu.memory_space<vmem>>) semaphore(%run_scoped3A : memref<!tpu.dma_semaphore, #tpu.memory_space<semaphore_mem>>) {add = true}
          %dma_wait3A_125 = arith.constant 0 : i32
          %dma_wait3A_126 = tpu.memref_slice %arg14[%add3A_102, %dma_wait3A_125] : memref<40x128xi32, #tpu.memory_space<vmem>> -> memref<1x128xi32, #tpu.memory_space<vmem>>
          %dma_wait3A_127 = tpu.memref_squeeze %dma_wait3A_126 : memref<1x128xi32, #tpu.memory_space<vmem>> -> memref<128xi32, #tpu.memory_space<vmem>>
          %dma_wait3A_128 = arith.constant 0 : i32
          %dma_wait3A_129 = arith.constant 0 : i32
          %dma_wait3A_130 = tpu.memref_slice %arg17[%dma_wait3A_128, %dma_wait3A_129] : memref<10240x128xf32, #tpu.memory_space<vmem_shared>> -> memref<10240x128xf32, #tpu.memory_space<vmem_shared>>
          tpu.wait_indirect_dma semaphore(%run_scoped3A : memref<!tpu.dma_semaphore, #tpu.memory_space<semaphore_mem>>) src(%arg16 : memref<128x128xf32, #tpu.memory_space<vmem>>) dst(%dma_wait3A_130 : memref<10240x128xf32, #tpu.memory_space<vmem_shared>>)
          tpu.yield
        }) : () -> ()
        %add3A_112 = arith.constant 2 : i32
        %add3A_113 = arith.addi %add3A_102, %add3A_112 : i32
        %sub3A = arith.constant 1 : i32
        %sub3A_114 = arith.subi %add3A_113, %sub3A : i32
        %lt3A_115 = arith.cmpi slt, %sub3A_114, %select_n3A_3 : i32
        %convert_element_type3A_116 = arith.extui %lt3A_115 : i1 to i32
        %cond3A_117 = arith.constant 0 : i32
        %cond3A_118 = arith.cmpi ne, %convert_element_type3A_116, %cond3A_117 : i32
        scf.if %cond3A_118 {
          %add3A_119 = arith.constant 2 : i32
          %add3A_120 = arith.addi %add3A_102, %add3A_119 : i32
          %sub3A_121 = arith.constant 1 : i32
          %sub3A_122 = arith.subi %add3A_120, %sub3A_121 : i32
          %dma_start3A_123 = arith.constant 0 : i32
          %dma_start3A_124 = tpu.memref_slice %arg13[%sub3A_122, %dma_start3A_123] : memref<40x128xi32, #tpu.memory_space<vmem>> -> memref<1x128xi32, #tpu.memory_space<vmem>>
          %dma_start3A_125 = tpu.memref_squeeze %dma_start3A_124 : memref<1x128xi32, #tpu.memory_space<vmem>> -> memref<128xi32, #tpu.memory_space<vmem>>
          %dma_start3A_126 = arith.constant 0 : i32
          %dma_start3A_127 = arith.constant 0 : i32
          %dma_start3A_128 = tpu.memref_slice %arg7[%dma_start3A_126, %dma_start3A_127] : memref<10000x128xf32, #tpu.memory_space<hbm>> -> memref<10000x128xf32, #tpu.memory_space<hbm>>
          tpu.enqueue_indirect_dma source(%dma_start3A_128 : memref<10000x128xf32, #tpu.memory_space<hbm>>) target(%arg15 : memref<128x128xf32, #tpu.memory_space<vmem>>) offsets(%dma_start3A_125 : memref<128xi32, #tpu.memory_space<vmem>>) semaphore(%arg18 : memref<!tpu.dma_semaphore, #tpu.memory_space<semaphore_mem>>)
        } else {
        }
      } else {
      }
    }
    %scan3A_64 = arith.constant 20 : i32
    %barrier3A_65 = arith.constant 0 : index
    tpu.barrier barrier_id(%barrier3A_65)
    %mul3A_66 = arith.constant 640 : i32
    %mul3A_67 = arith.muli %arg1, %mul3A_66 : i32
    %mul3A_68 = arith.constant 640 : i32
    %mul3A_69 = arith.muli %arg1, %mul3A_68 : i32
    "tpu.region"() ({
      %run_scoped3A = tpu.sem_alloc : memref<!tpu.dma_semaphore, #tpu.memory_space<semaphore_mem>>
      %dma_start3A_93 = arith.constant 0 : i32
      %dma_start3A_94 = tpu.memref_slice %arg11[%arg0, %mul3A_69, %dma_start3A_93] : memref<2x10240x128xf32, #tpu.memory_space<hbm>> -> memref<1x640x128xf32, #tpu.memory_space<hbm>>
      %dma_start3A_95 = tpu.memref_squeeze %dma_start3A_94 : memref<1x640x128xf32, #tpu.memory_space<hbm>> -> memref<640x128xf32, #tpu.memory_space<hbm>>
      %dma_start3A_96 = arith.constant 0 : i32
      %dma_start3A_97 = tpu.memref_slice %arg17[%mul3A_67, %dma_start3A_96] : memref<10240x128xf32, #tpu.memory_space<vmem_shared>> -> memref<640x128xf32, #tpu.memory_space<vmem_shared>>
      tpu.enqueue_dma source(%dma_start3A_97 : memref<640x128xf32, #tpu.memory_space<vmem_shared>>) target(%dma_start3A_95 : memref<640x128xf32, #tpu.memory_space<hbm>>) target_semaphore(%run_scoped3A : memref<!tpu.dma_semaphore, #tpu.memory_space<semaphore_mem>>)
      %dma_wait3A = arith.constant 0 : i32
      %dma_wait3A_98 = tpu.memref_slice %arg11[%arg0, %mul3A_69, %dma_wait3A] : memref<2x10240x128xf32, #tpu.memory_space<hbm>> -> memref<1x640x128xf32, #tpu.memory_space<hbm>>
      %dma_wait3A_99 = tpu.memref_squeeze %dma_wait3A_98 : memref<1x640x128xf32, #tpu.memory_space<hbm>> -> memref<640x128xf32, #tpu.memory_space<hbm>>
      %dma_wait3A_100 = arith.constant 0 : i32
      %dma_wait3A_101 = tpu.memref_slice %arg17[%mul3A_67, %dma_wait3A_100] : memref<10240x128xf32, #tpu.memory_space<vmem_shared>> -> memref<640x128xf32, #tpu.memory_space<vmem_shared>>
      tpu.wait_dma2 semaphore(%run_scoped3A : memref<!tpu.dma_semaphore, #tpu.memory_space<semaphore_mem>>) src(%dma_wait3A_101 : memref<640x128xf32, #tpu.memory_space<vmem_shared>>) dst(%dma_wait3A_99 : memref<640x128xf32, #tpu.memory_space<hbm>>)
      tpu.yield
    }) : () -> ()
    %mul3A_70 = arith.constant 640 : i32
    %mul3A_71 = arith.muli %arg1, %mul3A_70 : i32
    %mul3A_72 = arith.constant 640 : i32
    %mul3A_73 = arith.muli %arg1, %mul3A_72 : i32
    "tpu.region"() ({
      %run_scoped3A = tpu.sem_alloc : memref<!tpu.dma_semaphore, #tpu.memory_space<semaphore_mem>>
      %dma_start3A_93 = arith.constant 0 : i32
      %dma_start3A_94 = tpu.memref_slice %arg17[%mul3A_73, %dma_start3A_93] : memref<10240x128xf32, #tpu.memory_space<vmem_shared>> -> memref<640x128xf32, #tpu.memory_space<vmem_shared>>
      %dma_start3A_95 = arith.constant 0 : i32
      %dma_start3A_96 = tpu.memref_slice %arg4[%mul3A_71, %dma_start3A_95] : memref<10240x128xf32, #tpu.memory_space<hbm>> -> memref<640x128xf32, #tpu.memory_space<hbm>>
      tpu.enqueue_dma source(%dma_start3A_96 : memref<640x128xf32, #tpu.memory_space<hbm>>) target(%dma_start3A_94 : memref<640x128xf32, #tpu.memory_space<vmem_shared>>) target_semaphore(%run_scoped3A : memref<!tpu.dma_semaphore, #tpu.memory_space<semaphore_mem>>)
      %dma_wait3A = arith.constant 0 : i32
      %dma_wait3A_97 = tpu.memref_slice %arg17[%mul3A_73, %dma_wait3A] : memref<10240x128xf32, #tpu.memory_space<vmem_shared>> -> memref<640x128xf32, #tpu.memory_space<vmem_shared>>
      %dma_wait3A_98 = arith.constant 0 : i32
      %dma_wait3A_99 = tpu.memref_slice %arg4[%mul3A_71, %dma_wait3A_98] : memref<10240x128xf32, #tpu.memory_space<hbm>> -> memref<640x128xf32, #tpu.memory_space<hbm>>
      tpu.wait_dma2 semaphore(%run_scoped3A : memref<!tpu.dma_semaphore, #tpu.memory_space<semaphore_mem>>) src(%dma_wait3A_99 : memref<640x128xf32, #tpu.memory_space<hbm>>) dst(%dma_wait3A_97 : memref<640x128xf32, #tpu.memory_space<vmem_shared>>)
      tpu.yield
    }) : () -> ()
    %barrier3A_74 = arith.constant 0 : index
    tpu.barrier barrier_id(%barrier3A_74)
    %dma_start3A_75 = arith.constant 0 : i32
    %dma_start3A_76 = arith.constant 0 : i32
    %dma_start3A_77 = tpu.memref_slice %arg13[%dma_start3A_75, %dma_start3A_76] : memref<40x128xi32, #tpu.memory_space<vmem>> -> memref<1x128xi32, #tpu.memory_space<vmem>>
    %dma_start3A_78 = tpu.memref_squeeze %dma_start3A_77 : memref<1x128xi32, #tpu.memory_space<vmem>> -> memref<128xi32, #tpu.memory_space<vmem>>
    %dma_start3A_79 = arith.constant 0 : i32
    %dma_start3A_80 = arith.constant 0 : i32
    %dma_start3A_81 = tpu.memref_slice %arg8[%dma_start3A_79, %dma_start3A_80] : memref<10000x128xf32, #tpu.memory_space<hbm>> -> memref<10000x128xf32, #tpu.memory_space<hbm>>
    tpu.enqueue_indirect_dma source(%dma_start3A_81 : memref<10000x128xf32, #tpu.memory_space<hbm>>) target(%arg15 : memref<128x128xf32, #tpu.memory_space<vmem>>) offsets(%dma_start3A_78 : memref<128xi32, #tpu.memory_space<vmem>>) semaphore(%arg18 : memref<!tpu.dma_semaphore, #tpu.memory_space<semaphore_mem>>)
    %scan3A_82 = arith.constant 0 : i32
    %scan3A_83 = arith.constant 0 : i32
    %scan3A_84 = arith.constant 20 : i32
    %scan3A_85 = arith.addi %scan3A_83, %scan3A_84 : i32
    %scan3A_86 = arith.constant 1 : i32
    scf.for %scan3A_93 = %scan3A_83 to %scan3A_85 step %scan3A_86  : i32 {
      %mul3A_94 = arith.constant 2 : i32
      %mul3A_95 = arith.muli %scan3A_93, %mul3A_94 : i32
      %add3A_96 = arith.constant 0 : i32
      %add3A_97 = arith.addi %mul3A_95, %add3A_96 : i32
      %lt3A = arith.cmpi slt, %add3A_97, %select_n3A_3 : i32
      %convert_element_type3A = arith.extui %lt3A : i1 to i32
      %cond3A = arith.constant 0 : i32
      %cond3A_98 = arith.cmpi ne, %convert_element_type3A, %cond3A : i32
      scf.if %cond3A_98 {
        %dma_wait3A = arith.constant 0 : i32
        %dma_wait3A_107 = tpu.memref_slice %arg13[%add3A_97, %dma_wait3A] : memref<40x128xi32, #tpu.memory_space<vmem>> -> memref<1x128xi32, #tpu.memory_space<vmem>>
        %dma_wait3A_108 = tpu.memref_squeeze %dma_wait3A_107 : memref<1x128xi32, #tpu.memory_space<vmem>> -> memref<128xi32, #tpu.memory_space<vmem>>
        %dma_wait3A_109 = arith.constant 0 : i32
        %dma_wait3A_110 = arith.constant 0 : i32
        %dma_wait3A_111 = tpu.memref_slice %arg8[%dma_wait3A_109, %dma_wait3A_110] : memref<10000x128xf32, #tpu.memory_space<hbm>> -> memref<10000x128xf32, #tpu.memory_space<hbm>>
        tpu.wait_indirect_dma semaphore(%arg18 : memref<!tpu.dma_semaphore, #tpu.memory_space<semaphore_mem>>) src(%dma_wait3A_111 : memref<10000x128xf32, #tpu.memory_space<hbm>>) dst(%arg15 : memref<128x128xf32, #tpu.memory_space<vmem>>)
        "tpu.region"() ({
          %run_scoped3A = tpu.sem_alloc : memref<!tpu.dma_semaphore, #tpu.memory_space<semaphore_mem>>
          %dma_start3A_119 = arith.constant 0 : i32
          %dma_start3A_120 = tpu.memref_slice %arg14[%add3A_97, %dma_start3A_119] : memref<40x128xi32, #tpu.memory_space<vmem>> -> memref<1x128xi32, #tpu.memory_space<vmem>>
          %dma_start3A_121 = tpu.memref_squeeze %dma_start3A_120 : memref<1x128xi32, #tpu.memory_space<vmem>> -> memref<128xi32, #tpu.memory_space<vmem>>
          %dma_start3A_122 = arith.constant 0 : i32
          %dma_start3A_123 = arith.constant 0 : i32
          %dma_start3A_124 = tpu.memref_slice %arg17[%dma_start3A_122, %dma_start3A_123] : memref<10240x128xf32, #tpu.memory_space<vmem_shared>> -> memref<10240x128xf32, #tpu.memory_space<vmem_shared>>
          tpu.enqueue_indirect_dma source(%arg15 : memref<128x128xf32, #tpu.memory_space<vmem>>) target(%dma_start3A_124 : memref<10240x128xf32, #tpu.memory_space<vmem_shared>>) offsets(%dma_start3A_121 : memref<128xi32, #tpu.memory_space<vmem>>) semaphore(%run_scoped3A : memref<!tpu.dma_semaphore, #tpu.memory_space<semaphore_mem>>) {add = true}
          %dma_wait3A_125 = arith.constant 0 : i32
          %dma_wait3A_126 = tpu.memref_slice %arg14[%add3A_97, %dma_wait3A_125] : memref<40x128xi32, #tpu.memory_space<vmem>> -> memref<1x128xi32, #tpu.memory_space<vmem>>
          %dma_wait3A_127 = tpu.memref_squeeze %dma_wait3A_126 : memref<1x128xi32, #tpu.memory_space<vmem>> -> memref<128xi32, #tpu.memory_space<vmem>>
          %dma_wait3A_128 = arith.constant 0 : i32
          %dma_wait3A_129 = arith.constant 0 : i32
          %dma_wait3A_130 = tpu.memref_slice %arg17[%dma_wait3A_128, %dma_wait3A_129] : memref<10240x128xf32, #tpu.memory_space<vmem_shared>> -> memref<10240x128xf32, #tpu.memory_space<vmem_shared>>
          tpu.wait_indirect_dma semaphore(%run_scoped3A : memref<!tpu.dma_semaphore, #tpu.memory_space<semaphore_mem>>) src(%arg15 : memref<128x128xf32, #tpu.memory_space<vmem>>) dst(%dma_wait3A_130 : memref<10240x128xf32, #tpu.memory_space<vmem_shared>>)
          tpu.yield
        }) : () -> ()
        %add3A_112 = arith.constant 2 : i32
        %add3A_113 = arith.addi %add3A_97, %add3A_112 : i32
        %sub3A = arith.constant 1 : i32
        %sub3A_114 = arith.subi %add3A_113, %sub3A : i32
        %lt3A_115 = arith.cmpi slt, %sub3A_114, %select_n3A_3 : i32
        %convert_element_type3A_116 = arith.extui %lt3A_115 : i1 to i32
        %cond3A_117 = arith.constant 0 : i32
        %cond3A_118 = arith.cmpi ne, %convert_element_type3A_116, %cond3A_117 : i32
        scf.if %cond3A_118 {
          %add3A_119 = arith.constant 2 : i32
          %add3A_120 = arith.addi %add3A_97, %add3A_119 : i32
          %sub3A_121 = arith.constant 1 : i32
          %sub3A_122 = arith.subi %add3A_120, %sub3A_121 : i32
          %dma_start3A_123 = arith.constant 0 : i32
          %dma_start3A_124 = tpu.memref_slice %arg13[%sub3A_122, %dma_start3A_123] : memref<40x128xi32, #tpu.memory_space<vmem>> -> memref<1x128xi32, #tpu.memory_space<vmem>>
          %dma_start3A_125 = tpu.memref_squeeze %dma_start3A_124 : memref<1x128xi32, #tpu.memory_space<vmem>> -> memref<128xi32, #tpu.memory_space<vmem>>
          %dma_start3A_126 = arith.constant 0 : i32
          %dma_start3A_127 = arith.constant 0 : i32
          %dma_start3A_128 = tpu.memref_slice %arg8[%dma_start3A_126, %dma_start3A_127] : memref<10000x128xf32, #tpu.memory_space<hbm>> -> memref<10000x128xf32, #tpu.memory_space<hbm>>
          tpu.enqueue_indirect_dma source(%dma_start3A_128 : memref<10000x128xf32, #tpu.memory_space<hbm>>) target(%arg16 : memref<128x128xf32, #tpu.memory_space<vmem>>) offsets(%dma_start3A_125 : memref<128xi32, #tpu.memory_space<vmem>>) semaphore(%arg19 : memref<!tpu.dma_semaphore, #tpu.memory_space<semaphore_mem>>)
        } else {
        }
      } else {
      }
      %mul3A_99 = arith.constant 2 : i32
      %mul3A_100 = arith.muli %scan3A_93, %mul3A_99 : i32
      %add3A_101 = arith.constant 1 : i32
      %add3A_102 = arith.addi %mul3A_100, %add3A_101 : i32
      %lt3A_103 = arith.cmpi slt, %add3A_102, %select_n3A_3 : i32
      %convert_element_type3A_104 = arith.extui %lt3A_103 : i1 to i32
      %cond3A_105 = arith.constant 0 : i32
      %cond3A_106 = arith.cmpi ne, %convert_element_type3A_104, %cond3A_105 : i32
      scf.if %cond3A_106 {
        %dma_wait3A = arith.constant 0 : i32
        %dma_wait3A_107 = tpu.memref_slice %arg13[%add3A_102, %dma_wait3A] : memref<40x128xi32, #tpu.memory_space<vmem>> -> memref<1x128xi32, #tpu.memory_space<vmem>>
        %dma_wait3A_108 = tpu.memref_squeeze %dma_wait3A_107 : memref<1x128xi32, #tpu.memory_space<vmem>> -> memref<128xi32, #tpu.memory_space<vmem>>
        %dma_wait3A_109 = arith.constant 0 : i32
        %dma_wait3A_110 = arith.constant 0 : i32
        %dma_wait3A_111 = tpu.memref_slice %arg8[%dma_wait3A_109, %dma_wait3A_110] : memref<10000x128xf32, #tpu.memory_space<hbm>> -> memref<10000x128xf32, #tpu.memory_space<hbm>>
        tpu.wait_indirect_dma semaphore(%arg19 : memref<!tpu.dma_semaphore, #tpu.memory_space<semaphore_mem>>) src(%dma_wait3A_111 : memref<10000x128xf32, #tpu.memory_space<hbm>>) dst(%arg16 : memref<128x128xf32, #tpu.memory_space<vmem>>)
        "tpu.region"() ({
          %run_scoped3A = tpu.sem_alloc : memref<!tpu.dma_semaphore, #tpu.memory_space<semaphore_mem>>
          %dma_start3A_119 = arith.constant 0 : i32
          %dma_start3A_120 = tpu.memref_slice %arg14[%add3A_102, %dma_start3A_119] : memref<40x128xi32, #tpu.memory_space<vmem>> -> memref<1x128xi32, #tpu.memory_space<vmem>>
          %dma_start3A_121 = tpu.memref_squeeze %dma_start3A_120 : memref<1x128xi32, #tpu.memory_space<vmem>> -> memref<128xi32, #tpu.memory_space<vmem>>
          %dma_start3A_122 = arith.constant 0 : i32
          %dma_start3A_123 = arith.constant 0 : i32
          %dma_start3A_124 = tpu.memref_slice %arg17[%dma_start3A_122, %dma_start3A_123] : memref<10240x128xf32, #tpu.memory_space<vmem_shared>> -> memref<10240x128xf32, #tpu.memory_space<vmem_shared>>
          tpu.enqueue_indirect_dma source(%arg16 : memref<128x128xf32, #tpu.memory_space<vmem>>) target(%dma_start3A_124 : memref<10240x128xf32, #tpu.memory_space<vmem_shared>>) offsets(%dma_start3A_121 : memref<128xi32, #tpu.memory_space<vmem>>) semaphore(%run_scoped3A : memref<!tpu.dma_semaphore, #tpu.memory_space<semaphore_mem>>) {add = true}
          %dma_wait3A_125 = arith.constant 0 : i32
          %dma_wait3A_126 = tpu.memref_slice %arg14[%add3A_102, %dma_wait3A_125] : memref<40x128xi32, #tpu.memory_space<vmem>> -> memref<1x128xi32, #tpu.memory_space<vmem>>
          %dma_wait3A_127 = tpu.memref_squeeze %dma_wait3A_126 : memref<1x128xi32, #tpu.memory_space<vmem>> -> memref<128xi32, #tpu.memory_space<vmem>>
          %dma_wait3A_128 = arith.constant 0 : i32
          %dma_wait3A_129 = arith.constant 0 : i32
          %dma_wait3A_130 = tpu.memref_slice %arg17[%dma_wait3A_128, %dma_wait3A_129] : memref<10240x128xf32, #tpu.memory_space<vmem_shared>> -> memref<10240x128xf32, #tpu.memory_space<vmem_shared>>
          tpu.wait_indirect_dma semaphore(%run_scoped3A : memref<!tpu.dma_semaphore, #tpu.memory_space<semaphore_mem>>) src(%arg16 : memref<128x128xf32, #tpu.memory_space<vmem>>) dst(%dma_wait3A_130 : memref<10240x128xf32, #tpu.memory_space<vmem_shared>>)
          tpu.yield
        }) : () -> ()
        %add3A_112 = arith.constant 2 : i32
        %add3A_113 = arith.addi %add3A_102, %add3A_112 : i32
        %sub3A = arith.constant 1 : i32
        %sub3A_114 = arith.subi %add3A_113, %sub3A : i32
        %lt3A_115 = arith.cmpi slt, %sub3A_114, %select_n3A_3 : i32
        %convert_element_type3A_116 = arith.extui %lt3A_115 : i1 to i32
        %cond3A_117 = arith.constant 0 : i32
        %cond3A_118 = arith.cmpi ne, %convert_element_type3A_116, %cond3A_117 : i32
        scf.if %cond3A_118 {
          %add3A_119 = arith.constant 2 : i32
          %add3A_120 = arith.addi %add3A_102, %add3A_119 : i32
          %sub3A_121 = arith.constant 1 : i32
          %sub3A_122 = arith.subi %add3A_120, %sub3A_121 : i32
          %dma_start3A_123 = arith.constant 0 : i32
          %dma_start3A_124 = tpu.memref_slice %arg13[%sub3A_122, %dma_start3A_123] : memref<40x128xi32, #tpu.memory_space<vmem>> -> memref<1x128xi32, #tpu.memory_space<vmem>>
          %dma_start3A_125 = tpu.memref_squeeze %dma_start3A_124 : memref<1x128xi32, #tpu.memory_space<vmem>> -> memref<128xi32, #tpu.memory_space<vmem>>
          %dma_start3A_126 = arith.constant 0 : i32
          %dma_start3A_127 = arith.constant 0 : i32
          %dma_start3A_128 = tpu.memref_slice %arg8[%dma_start3A_126, %dma_start3A_127] : memref<10000x128xf32, #tpu.memory_space<hbm>> -> memref<10000x128xf32, #tpu.memory_space<hbm>>
          tpu.enqueue_indirect_dma source(%dma_start3A_128 : memref<10000x128xf32, #tpu.memory_space<hbm>>) target(%arg15 : memref<128x128xf32, #tpu.memory_space<vmem>>) offsets(%dma_start3A_125 : memref<128xi32, #tpu.memory_space<vmem>>) semaphore(%arg18 : memref<!tpu.dma_semaphore, #tpu.memory_space<semaphore_mem>>)
        } else {
        }
      } else {
      }
    }
    %scan3A_87 = arith.constant 20 : i32
    %barrier3A_88 = arith.constant 0 : index
    tpu.barrier barrier_id(%barrier3A_88)
    %mul3A_89 = arith.constant 640 : i32
    %mul3A_90 = arith.muli %arg1, %mul3A_89 : i32
    %mul3A_91 = arith.constant 640 : i32
    %mul3A_92 = arith.muli %arg1, %mul3A_91 : i32
    "tpu.region"() ({
      %run_scoped3A = tpu.sem_alloc : memref<!tpu.dma_semaphore, #tpu.memory_space<semaphore_mem>>
      %dma_start3A_93 = arith.constant 0 : i32
      %dma_start3A_94 = tpu.memref_slice %arg12[%arg0, %mul3A_92, %dma_start3A_93] : memref<2x10240x128xf32, #tpu.memory_space<hbm>> -> memref<1x640x128xf32, #tpu.memory_space<hbm>>
      %dma_start3A_95 = tpu.memref_squeeze %dma_start3A_94 : memref<1x640x128xf32, #tpu.memory_space<hbm>> -> memref<640x128xf32, #tpu.memory_space<hbm>>
      %dma_start3A_96 = arith.constant 0 : i32
      %dma_start3A_97 = tpu.memref_slice %arg17[%mul3A_90, %dma_start3A_96] : memref<10240x128xf32, #tpu.memory_space<vmem_shared>> -> memref<640x128xf32, #tpu.memory_space<vmem_shared>>
      tpu.enqueue_dma source(%dma_start3A_97 : memref<640x128xf32, #tpu.memory_space<vmem_shared>>) target(%dma_start3A_95 : memref<640x128xf32, #tpu.memory_space<hbm>>) target_semaphore(%run_scoped3A : memref<!tpu.dma_semaphore, #tpu.memory_space<semaphore_mem>>)
      %dma_wait3A = arith.constant 0 : i32
      %dma_wait3A_98 = tpu.memref_slice %arg12[%arg0, %mul3A_92, %dma_wait3A] : memref<2x10240x128xf32, #tpu.memory_space<hbm>> -> memref<1x640x128xf32, #tpu.memory_space<hbm>>
      %dma_wait3A_99 = tpu.memref_squeeze %dma_wait3A_98 : memref<1x640x128xf32, #tpu.memory_space<hbm>> -> memref<640x128xf32, #tpu.memory_space<hbm>>
      %dma_wait3A_100 = arith.constant 0 : i32
      %dma_wait3A_101 = tpu.memref_slice %arg17[%mul3A_90, %dma_wait3A_100] : memref<10240x128xf32, #tpu.memory_space<vmem_shared>> -> memref<640x128xf32, #tpu.memory_space<vmem_shared>>
      tpu.wait_dma2 semaphore(%run_scoped3A : memref<!tpu.dma_semaphore, #tpu.memory_space<semaphore_mem>>) src(%dma_wait3A_101 : memref<640x128xf32, #tpu.memory_space<vmem_shared>>) dst(%dma_wait3A_99 : memref<640x128xf32, #tpu.memory_space<hbm>>)
      tpu.yield
    }) : () -> ()
    return
  }
}

module attributes {stable_mosaic.version = 14 : i64} {
  func.func @_l1_body(%arg0: i32, %arg1: memref<2x400x128xf32, #tpu.memory_space<vmem>>, %arg2: memref<2x400x128xf32, #tpu.memory_space<vmem>>, %arg3: memref<400x128xf32, #tpu.memory_space<vmem>>, %arg4: memref<128x512xf32, #tpu.memory_space<vmem>>, %arg5: memref<128x512xf32, #tpu.memory_space<vmem>>, %arg6: memref<1x512xf32, #tpu.memory_space<vmem>>, %arg7: memref<400x128xf32, #tpu.memory_space<vmem>>, %arg8: memref<400x128xf32, #tpu.memory_space<vmem>>, %arg9: memref<400x128xf32, #tpu.memory_space<vmem>>, %arg10: memref<400x128xf32, #tpu.memory_space<vmem>>, %arg11: memref<400x16xf32, #tpu.memory_space<vmem>>) attributes {dimension_semantics = [#tpu.dimension_semantics<arbitrary>], iteration_bounds = array<i64: 25>, scalar_prefetch = 0 : i64, scratch_operands = 0 : i64, tpu.core_type = #tpu.core_type<tc>, window_params = [{transform_indices = @transform_0, window_bounds = array<i64: 2, 400, 128>}, {transform_indices = @transform_1, window_bounds = array<i64: 2, 400, 128>}, {transform_indices = @transform_2, window_bounds = array<i64: 400, 128>}, {pipeline_mode = #tpu.pipeline_mode<synchronous>, transform_indices = @transform_3, window_bounds = array<i64: 128, 512>}, {pipeline_mode = #tpu.pipeline_mode<synchronous>, transform_indices = @transform_4, window_bounds = array<i64: 128, 512>}, {pipeline_mode = #tpu.pipeline_mode<synchronous>, transform_indices = @transform_5, window_bounds = array<i64: 1, 512>}, {transform_indices = @transform_6, window_bounds = array<i64: 400, 128>}, {transform_indices = @transform_7, window_bounds = array<i64: 400, 128>}, {transform_indices = @transform_8, window_bounds = array<i64: 400, 128>}, {transform_indices = @transform_9, window_bounds = array<i64: 400, 128>}, {transform_indices = @transform_10, window_bounds = array<i64: 400, 16>}]} {
    %get3A = arith.constant 0 : index
    %get3A_0 = arith.constant 0 : index
    %get3A_1 = arith.constant 0 : index
    %get3A_2 = vector.load %arg2[%get3A, %get3A_0, %get3A_1] : memref<2x400x128xf32, #tpu.memory_space<vmem>>, vector<1x400x128xf32>
    %get3A_3 = vector.shape_cast %get3A_2 : vector<1x400x128xf32> to vector<400x128xf32>
    %get3A_4 = arith.constant 1 : index
    %get3A_5 = arith.constant 0 : index
    %get3A_6 = arith.constant 0 : index
    %get3A_7 = vector.load %arg2[%get3A_4, %get3A_5, %get3A_6] : memref<2x400x128xf32, #tpu.memory_space<vmem>>, vector<1x400x128xf32>
    %get3A_8 = vector.shape_cast %get3A_7 : vector<1x400x128xf32> to vector<400x128xf32>
    %add3A = arith.addf %get3A_3, %get3A_8 : vector<400x128xf32>
    %slice3A = vector.extract_strided_slice %add3A {offsets = [0, 0], sizes = [400, 16], strides = [1, 1]} : vector<400x128xf32> to vector<400x16xf32>
    %max3A = arith.constant 1.000000e+00 : f32
    %max3A_9 = vector.broadcast %max3A : f32 to vector<400x16xf32>
    %max3A_10 = arith.maximumf %slice3A, %max3A_9 : vector<400x16xf32>
    %div3A = arith.constant 1.000000e+00 : f32
    %div3A_11 = vector.broadcast %div3A : f32 to vector<400x16xf32>
    %div3A_12 = arith.divf %div3A_11, %max3A_10 : vector<400x16xf32>
    %get3A_13 = arith.constant 0 : index
    %get3A_14 = arith.constant 0 : index
    %get3A_15 = arith.constant 0 : index
    %get3A_16 = vector.load %arg1[%get3A_13, %get3A_14, %get3A_15] : memref<2x400x128xf32, #tpu.memory_space<vmem>>, vector<1x400x128xf32>
    %get3A_17 = vector.shape_cast %get3A_16 : vector<1x400x128xf32> to vector<400x128xf32>
    %get3A_18 = arith.constant 1 : index
    %get3A_19 = arith.constant 0 : index
    %get3A_20 = arith.constant 0 : index
    %get3A_21 = vector.load %arg1[%get3A_18, %get3A_19, %get3A_20] : memref<2x400x128xf32, #tpu.memory_space<vmem>>, vector<1x400x128xf32>
    %get3A_22 = vector.shape_cast %get3A_21 : vector<1x400x128xf32> to vector<400x128xf32>
    %add3A_23 = arith.addf %get3A_17, %get3A_22 : vector<400x128xf32>
    %slice3A_24 = vector.extract_strided_slice %div3A_12 {offsets = [0, 0], sizes = [400, 1], strides = [1, 1]} : vector<400x16xf32> to vector<400x1xf32>
    %mul3A = vector.broadcast %slice3A_24 : vector<400x1xf32> to vector<400x128xf32>
    %mul3A_25 = arith.mulf %add3A_23, %mul3A : vector<400x128xf32>
    %get3A_26 = arith.constant 0 : index
    %get3A_27 = arith.constant 0 : index
    %get3A_28 = vector.load %arg4[%get3A_26, %get3A_27] : memref<128x512xf32, #tpu.memory_space<vmem>>, vector<128x512xf32>
    %dot_general3A = arith.constant dense<0.000000e+00> : vector<400x512xf32>
    %dot_general3A_29 = tpu.matmul %mul3A_25, %get3A_28, %dot_general3A {dimension_numbers = #tpu.dot_dimension_numbers<[1], [0], [0], [1], [0, 0, 1, 1], [], []>, transpose_lhs_hint = false} : vector<400x128xf32>, vector<128x512xf32>, vector<400x512xf32> -> vector<400x512xf32>
    %get3A_30 = arith.constant 0 : index
    %get3A_31 = arith.constant 0 : index
    %get3A_32 = vector.load %arg3[%get3A_30, %get3A_31] : memref<400x128xf32, #tpu.memory_space<vmem>>, vector<400x128xf32>
    %get3A_33 = arith.constant 0 : index
    %get3A_34 = arith.constant 0 : index
    %get3A_35 = vector.load %arg5[%get3A_33, %get3A_34] : memref<128x512xf32, #tpu.memory_space<vmem>>, vector<128x512xf32>
    %dot_general3A_36 = arith.constant dense<0.000000e+00> : vector<400x512xf32>
    %dot_general3A_37 = tpu.matmul %get3A_32, %get3A_35, %dot_general3A_36 {dimension_numbers = #tpu.dot_dimension_numbers<[1], [0], [0], [1], [0, 0, 1, 1], [], []>, transpose_lhs_hint = false} : vector<400x128xf32>, vector<128x512xf32>, vector<400x512xf32> -> vector<400x512xf32>
    %add3A_38 = arith.addf %dot_general3A_29, %dot_general3A_37 : vector<400x512xf32>
    %get3A_39 = arith.constant 0 : index
    %get3A_40 = arith.constant 0 : index
    %get3A_41 = vector.load %arg6[%get3A_39, %get3A_40] : memref<1x512xf32, #tpu.memory_space<vmem>>, vector<1x512xf32>
    %get3A_42 = vector.shape_cast %get3A_41 : vector<1x512xf32> to vector<512xf32>
    %broadcast_in_dim3A = vector.shape_cast %get3A_42 : vector<512xf32> to vector<1x512xf32>
    %add3A_43 = vector.broadcast %broadcast_in_dim3A : vector<1x512xf32> to vector<400x512xf32>
    %add3A_44 = arith.addf %add3A_38, %add3A_43 : vector<400x512xf32>
    %max3A_45 = arith.constant 0.000000e+00 : f32
    %max3A_46 = vector.broadcast %max3A_45 : f32 to vector<400x512xf32>
    %max3A_47 = arith.maximumf %add3A_44, %max3A_46 : vector<400x512xf32>
    %slice3A_48 = vector.extract_strided_slice %max3A_47 {offsets = [0, 0], sizes = [400, 128], strides = [1, 1]} : vector<400x512xf32> to vector<400x128xf32>
    %swap3A = arith.constant 0 : index
    %swap3A_49 = arith.constant 0 : index
    %swap3A_50 = vector.load %arg7[%swap3A, %swap3A_49] : memref<400x128xf32, #tpu.memory_space<vmem>>, vector<400x128xf32>
    tpu.vector_store %arg7[%swap3A, %swap3A_49], %slice3A_48 {strides = array<i32>} : memref<400x128xf32, #tpu.memory_space<vmem>>, vector<400x128xf32>,
    %slice3A_51 = vector.extract_strided_slice %max3A_47 {offsets = [0, 128], sizes = [400, 128], strides = [1, 1]} : vector<400x512xf32> to vector<400x128xf32>
    %swap3A_52 = arith.constant 0 : index
    %swap3A_53 = arith.constant 0 : index
    %swap3A_54 = vector.load %arg8[%swap3A_52, %swap3A_53] : memref<400x128xf32, #tpu.memory_space<vmem>>, vector<400x128xf32>
    tpu.vector_store %arg8[%swap3A_52, %swap3A_53], %slice3A_51 {strides = array<i32>} : memref<400x128xf32, #tpu.memory_space<vmem>>, vector<400x128xf32>,
    %slice3A_55 = vector.extract_strided_slice %max3A_47 {offsets = [0, 256], sizes = [400, 128], strides = [1, 1]} : vector<400x512xf32> to vector<400x128xf32>
    %swap3A_56 = arith.constant 0 : index
    %swap3A_57 = arith.constant 0 : index
    %swap3A_58 = vector.load %arg9[%swap3A_56, %swap3A_57] : memref<400x128xf32, #tpu.memory_space<vmem>>, vector<400x128xf32>
    tpu.vector_store %arg9[%swap3A_56, %swap3A_57], %slice3A_55 {strides = array<i32>} : memref<400x128xf32, #tpu.memory_space<vmem>>, vector<400x128xf32>,
    %slice3A_59 = vector.extract_strided_slice %max3A_47 {offsets = [0, 384], sizes = [400, 128], strides = [1, 1]} : vector<400x512xf32> to vector<400x128xf32>
    %swap3A_60 = arith.constant 0 : index
    %swap3A_61 = arith.constant 0 : index
    %swap3A_62 = vector.load %arg10[%swap3A_60, %swap3A_61] : memref<400x128xf32, #tpu.memory_space<vmem>>, vector<400x128xf32>
    tpu.vector_store %arg10[%swap3A_60, %swap3A_61], %slice3A_59 {strides = array<i32>} : memref<400x128xf32, #tpu.memory_space<vmem>>, vector<400x128xf32>,
    %swap3A_63 = arith.constant 0 : index
    %swap3A_64 = arith.constant 0 : index
    %swap3A_65 = vector.load %arg11[%swap3A_63, %swap3A_64] : memref<400x16xf32, #tpu.memory_space<vmem>>, vector<400x16xf32>
    tpu.vector_store %arg11[%swap3A_63, %swap3A_64], %div3A_12 {strides = array<i32>} : memref<400x16xf32, #tpu.memory_space<vmem>>, vector<400x16xf32>,
    return
  }
  func.func @transform_0(%arg0: i32) -> (i32, i32, i32) {
    %c0_i32 = arith.constant 0 : i32
    %c0_i32_0 = arith.constant 0 : i32
    %c0_i32_1 = arith.constant 0 : i32
    return %c0_i32, %arg0, %c0_i32_0 : i32, i32, i32
  }
  func.func @transform_1(%arg0: i32) -> (i32, i32, i32) {
    %c0_i32 = arith.constant 0 : i32
    %c0_i32_0 = arith.constant 0 : i32
    %c0_i32_1 = arith.constant 0 : i32
    return %c0_i32, %arg0, %c0_i32_0 : i32, i32, i32
  }
  func.func @transform_2(%arg0: i32) -> (i32, i32) {
    %c0_i32 = arith.constant 0 : i32
    %c0_i32_0 = arith.constant 0 : i32
    return %arg0, %c0_i32 : i32, i32
  }
  func.func @transform_3(%arg0: i32) -> (i32, i32) {
    %c0_i32 = arith.constant 0 : i32
    %c0_i32_0 = arith.constant 0 : i32
    %c0_i32_1 = arith.constant 0 : i32
    return %c0_i32, %c0_i32_0 : i32, i32
  }
  func.func @transform_4(%arg0: i32) -> (i32, i32) {
    %c0_i32 = arith.constant 0 : i32
    %c0_i32_0 = arith.constant 0 : i32
    %c0_i32_1 = arith.constant 0 : i32
    return %c0_i32, %c0_i32_0 : i32, i32
  }
  func.func @transform_5(%arg0: i32) -> (i32, i32) {
    %c0_i32 = arith.constant 0 : i32
    %c0_i32_0 = arith.constant 0 : i32
    %c0_i32_1 = arith.constant 0 : i32
    return %c0_i32, %c0_i32_0 : i32, i32
  }
  func.func @transform_6(%arg0: i32) -> (i32, i32) {
    %c0_i32 = arith.constant 0 : i32
    %c0_i32_0 = arith.constant 0 : i32
    return %arg0, %c0_i32 : i32, i32
  }
  func.func @transform_7(%arg0: i32) -> (i32, i32) {
    %c0_i32 = arith.constant 0 : i32
    %c0_i32_0 = arith.constant 0 : i32
    return %arg0, %c0_i32 : i32, i32
  }
  func.func @transform_8(%arg0: i32) -> (i32, i32) {
    %c0_i32 = arith.constant 0 : i32
    %c0_i32_0 = arith.constant 0 : i32
    return %arg0, %c0_i32 : i32, i32
  }
  func.func @transform_9(%arg0: i32) -> (i32, i32) {
    %c0_i32 = arith.constant 0 : i32
    %c0_i32_0 = arith.constant 0 : i32
    return %arg0, %c0_i32 : i32, i32
  }
  func.func @transform_10(%arg0: i32) -> (i32, i32) {
    %c0_i32 = arith.constant 0 : i32
    %c0_i32_0 = arith.constant 0 : i32
    return %arg0, %c0_i32 : i32, i32
  }
}

module attributes {stable_mosaic.version = 14 : i64} {
  func.func @_l2_body(%arg0: i32, %arg1: memref<2x400x128xf32, #tpu.memory_space<vmem>>, %arg2: memref<2x400x128xf32, #tpu.memory_space<vmem>>, %arg3: memref<2x400x128xf32, #tpu.memory_space<vmem>>, %arg4: memref<2x400x128xf32, #tpu.memory_space<vmem>>, %arg5: memref<400x128xf32, #tpu.memory_space<vmem>>, %arg6: memref<400x128xf32, #tpu.memory_space<vmem>>, %arg7: memref<400x128xf32, #tpu.memory_space<vmem>>, %arg8: memref<400x128xf32, #tpu.memory_space<vmem>>, %arg9: memref<400x16xf32, #tpu.memory_space<vmem>>, %arg10: memref<4x128x1024xf32, #tpu.memory_space<vmem>>, %arg11: memref<4x128x1024xf32, #tpu.memory_space<vmem>>, %arg12: memref<1x1024xf32, #tpu.memory_space<vmem>>, %arg13: memref<8x128x128xf32, #tpu.memory_space<vmem>>, %arg14: memref<8x128x16xf32, #tpu.memory_space<vmem>>, %arg15: memref<1x16xf32, #tpu.memory_space<vmem>>, %arg16: memref<400x128xf32, #tpu.memory_space<vmem>>, %arg17: memref<400x16xf32, #tpu.memory_space<vmem>>) attributes {dimension_semantics = [#tpu.dimension_semantics<arbitrary>], iteration_bounds = array<i64: 25>, scalar_prefetch = 0 : i64, scratch_operands = 0 : i64, tpu.core_type = #tpu.core_type<tc>, window_params = [{transform_indices = @transform_0, window_bounds = array<i64: 2, 400, 128>}, {transform_indices = @transform_1, window_bounds = array<i64: 2, 400, 128>}, {transform_indices = @transform_2, window_bounds = array<i64: 2, 400, 128>}, {transform_indices = @transform_3, window_bounds = array<i64: 2, 400, 128>}, {transform_indices = @transform_4, window_bounds = array<i64: 400, 128>}, {transform_indices = @transform_5, window_bounds = array<i64: 400, 128>}, {transform_indices = @transform_6, window_bounds = array<i64: 400, 128>}, {transform_indices = @transform_7, window_bounds = array<i64: 400, 128>}, {transform_indices = @transform_8, window_bounds = array<i64: 400, 16>}, {pipeline_mode = #tpu.pipeline_mode<synchronous>, transform_indices = @transform_9, window_bounds = array<i64: 4, 128, 1024>}, {pipeline_mode = #tpu.pipeline_mode<synchronous>, transform_indices = @transform_10, window_bounds = array<i64: 4, 128, 1024>}, {pipeline_mode = #tpu.pipeline_mode<synchronous>, transform_indices = @transform_11, window_bounds = array<i64: 1, 1024>}, {pipeline_mode = #tpu.pipeline_mode<synchronous>, transform_indices = @transform_12, window_bounds = array<i64: 8, 128, 128>}, {pipeline_mode = #tpu.pipeline_mode<synchronous>, transform_indices = @transform_13, window_bounds = array<i64: 8, 128, 16>}, {pipeline_mode = #tpu.pipeline_mode<synchronous>, transform_indices = @transform_14, window_bounds = array<i64: 1, 16>}, {transform_indices = @transform_15, window_bounds = array<i64: 400, 128>}, {transform_indices = @transform_16, window_bounds = array<i64: 400, 16>}]} {
    %get3A = arith.constant 0 : index
    %get3A_0 = arith.constant 0 : index
    %get3A_1 = vector.load %arg9[%get3A, %get3A_0] : memref<400x16xf32, #tpu.memory_space<vmem>>, vector<400x16xf32>
    %slice3A = vector.extract_strided_slice %get3A_1 {offsets = [0, 0], sizes = [400, 1], strides = [1, 1]} : vector<400x16xf32> to vector<400x1xf32>
    %get3A_2 = arith.constant 0 : index
    %get3A_3 = arith.constant 0 : index
    %get3A_4 = vector.load %arg12[%get3A_2, %get3A_3] : memref<1x1024xf32, #tpu.memory_space<vmem>>, vector<1x1024xf32>
    %get3A_5 = vector.shape_cast %get3A_4 : vector<1x1024xf32> to vector<1024xf32>
    %broadcast_in_dim3A = vector.shape_cast %get3A_5 : vector<1024xf32> to vector<1x1024xf32>
    %get3A_6 = arith.constant 0 : index
    %get3A_7 = arith.constant 0 : index
    %get3A_8 = arith.constant 0 : index
    %get3A_9 = vector.load %arg1[%get3A_6, %get3A_7, %get3A_8] : memref<2x400x128xf32, #tpu.memory_space<vmem>>, vector<1x400x128xf32>
    %get3A_10 = vector.shape_cast %get3A_9 : vector<1x400x128xf32> to vector<400x128xf32>
    %get3A_11 = arith.constant 1 : index
    %get3A_12 = arith.constant 0 : index
    %get3A_13 = arith.constant 0 : index
    %get3A_14 = vector.load %arg1[%get3A_11, %get3A_12, %get3A_13] : memref<2x400x128xf32, #tpu.memory_space<vmem>>, vector<1x400x128xf32>
    %get3A_15 = vector.shape_cast %get3A_14 : vector<1x400x128xf32> to vector<400x128xf32>
    %add3A = arith.addf %get3A_10, %get3A_15 : vector<400x128xf32>
    %mul3A = vector.broadcast %slice3A : vector<400x1xf32> to vector<400x128xf32>
    %mul3A_16 = arith.mulf %add3A, %mul3A : vector<400x128xf32>
    %get3A_17 = arith.constant 0 : index
    %get3A_18 = arith.constant 0 : index
    %get3A_19 = arith.constant 0 : index
    %get3A_20 = vector.load %arg10[%get3A_17, %get3A_18, %get3A_19] : memref<4x128x1024xf32, #tpu.memory_space<vmem>>, vector<1x128x1024xf32>
    %get3A_21 = vector.shape_cast %get3A_20 : vector<1x128x1024xf32> to vector<128x1024xf32>
    %dot_general3A = arith.constant dense<0.000000e+00> : vector<400x1024xf32>
    %dot_general3A_22 = tpu.matmul %mul3A_16, %get3A_21, %dot_general3A {dimension_numbers = #tpu.dot_dimension_numbers<[1], [0], [0], [1], [0, 0, 1, 1], [], []>, transpose_lhs_hint = false} : vector<400x128xf32>, vector<128x1024xf32>, vector<400x1024xf32> -> vector<400x1024xf32>
    %add3A_23 = vector.broadcast %broadcast_in_dim3A : vector<1x1024xf32> to vector<400x1024xf32>
    %add3A_24 = arith.addf %add3A_23, %dot_general3A_22 : vector<400x1024xf32>
    %get3A_25 = arith.constant 0 : index
    %get3A_26 = arith.constant 0 : index
    %get3A_27 = vector.load %arg5[%get3A_25, %get3A_26] : memref<400x128xf32, #tpu.memory_space<vmem>>, vector<400x128xf32>
    %get3A_28 = arith.constant 0 : index
    %get3A_29 = arith.constant 0 : index
    %get3A_30 = arith.constant 0 : index
    %get3A_31 = vector.load %arg11[%get3A_28, %get3A_29, %get3A_30] : memref<4x128x1024xf32, #tpu.memory_space<vmem>>, vector<1x128x1024xf32>
    %get3A_32 = vector.shape_cast %get3A_31 : vector<1x128x1024xf32> to vector<128x1024xf32>
    %dot_general3A_33 = arith.constant dense<0.000000e+00> : vector<400x1024xf32>
    %dot_general3A_34 = tpu.matmul %get3A_27, %get3A_32, %dot_general3A_33 {dimension_numbers = #tpu.dot_dimension_numbers<[1], [0], [0], [1], [0, 0, 1, 1], [], []>, transpose_lhs_hint = false} : vector<400x128xf32>, vector<128x1024xf32>, vector<400x1024xf32> -> vector<400x1024xf32>
    %add3A_35 = arith.addf %add3A_24, %dot_general3A_34 : vector<400x1024xf32>
    %get3A_36 = arith.constant 0 : index
    %get3A_37 = arith.constant 0 : index
    %get3A_38 = arith.constant 0 : index
    %get3A_39 = vector.load %arg2[%get3A_36, %get3A_37, %get3A_38] : memref<2x400x128xf32, #tpu.memory_space<vmem>>, vector<1x400x128xf32>
    %get3A_40 = vector.shape_cast %get3A_39 : vector<1x400x128xf32> to vector<400x128xf32>
    %get3A_41 = arith.constant 1 : index
    %get3A_42 = arith.constant 0 : index
    %get3A_43 = arith.constant 0 : index
    %get3A_44 = vector.load %arg2[%get3A_41, %get3A_42, %get3A_43] : memref<2x400x128xf32, #tpu.memory_space<vmem>>, vector<1x400x128xf32>
    %get3A_45 = vector.shape_cast %get3A_44 : vector<1x400x128xf32> to vector<400x128xf32>
    %add3A_46 = arith.addf %get3A_40, %get3A_45 : vector<400x128xf32>
    %mul3A_47 = vector.broadcast %slice3A : vector<400x1xf32> to vector<400x128xf32>
    %mul3A_48 = arith.mulf %add3A_46, %mul3A_47 : vector<400x128xf32>
    %get3A_49 = arith.constant 1 : index
    %get3A_50 = arith.constant 0 : index
    %get3A_51 = arith.constant 0 : index
    %get3A_52 = vector.load %arg10[%get3A_49, %get3A_50, %get3A_51] : memref<4x128x1024xf32, #tpu.memory_space<vmem>>, vector<1x128x1024xf32>
    %get3A_53 = vector.shape_cast %get3A_52 : vector<1x128x1024xf32> to vector<128x1024xf32>
    %dot_general3A_54 = arith.constant dense<0.000000e+00> : vector<400x1024xf32>
    %dot_general3A_55 = tpu.matmul %mul3A_48, %get3A_53, %dot_general3A_54 {dimension_numbers = #tpu.dot_dimension_numbers<[1], [0], [0], [1], [0, 0, 1, 1], [], []>, transpose_lhs_hint = false} : vector<400x128xf32>, vector<128x1024xf32>, vector<400x1024xf32> -> vector<400x1024xf32>
    %add3A_56 = arith.addf %add3A_35, %dot_general3A_55 : vector<400x1024xf32>
    %get3A_57 = arith.constant 0 : index
    %get3A_58 = arith.constant 0 : index
    %get3A_59 = vector.load %arg6[%get3A_57, %get3A_58] : memref<400x128xf32, #tpu.memory_space<vmem>>, vector<400x128xf32>
    %get3A_60 = arith.constant 1 : index
    %get3A_61 = arith.constant 0 : index
    %get3A_62 = arith.constant 0 : index
    %get3A_63 = vector.load %arg11[%get3A_60, %get3A_61, %get3A_62] : memref<4x128x1024xf32, #tpu.memory_space<vmem>>, vector<1x128x1024xf32>
    %get3A_64 = vector.shape_cast %get3A_63 : vector<1x128x1024xf32> to vector<128x1024xf32>
    %dot_general3A_65 = arith.constant dense<0.000000e+00> : vector<400x1024xf32>
    %dot_general3A_66 = tpu.matmul %get3A_59, %get3A_64, %dot_general3A_65 {dimension_numbers = #tpu.dot_dimension_numbers<[1], [0], [0], [1], [0, 0, 1, 1], [], []>, transpose_lhs_hint = false} : vector<400x128xf32>, vector<128x1024xf32>, vector<400x1024xf32> -> vector<400x1024xf32>
    %add3A_67 = arith.addf %add3A_56, %dot_general3A_66 : vector<400x1024xf32>
    %get3A_68 = arith.constant 0 : index
    %get3A_69 = arith.constant 0 : index
    %get3A_70 = arith.constant 0 : index
    %get3A_71 = vector.load %arg3[%get3A_68, %get3A_69, %get3A_70] : memref<2x400x128xf32, #tpu.memory_space<vmem>>, vector<1x400x128xf32>
    %get3A_72 = vector.shape_cast %get3A_71 : vector<1x400x128xf32> to vector<400x128xf32>
    %get3A_73 = arith.constant 1 : index
    %get3A_74 = arith.constant 0 : index
    %get3A_75 = arith.constant 0 : index
    %get3A_76 = vector.load %arg3[%get3A_73, %get3A_74, %get3A_75] : memref<2x400x128xf32, #tpu.memory_space<vmem>>, vector<1x400x128xf32>
    %get3A_77 = vector.shape_cast %get3A_76 : vector<1x400x128xf32> to vector<400x128xf32>
    %add3A_78 = arith.addf %get3A_72, %get3A_77 : vector<400x128xf32>
    %mul3A_79 = vector.broadcast %slice3A : vector<400x1xf32> to vector<400x128xf32>
    %mul3A_80 = arith.mulf %add3A_78, %mul3A_79 : vector<400x128xf32>
    %get3A_81 = arith.constant 2 : index
    %get3A_82 = arith.constant 0 : index
    %get3A_83 = arith.constant 0 : index
    %get3A_84 = vector.load %arg10[%get3A_81, %get3A_82, %get3A_83] : memref<4x128x1024xf32, #tpu.memory_space<vmem>>, vector<1x128x1024xf32>
    %get3A_85 = vector.shape_cast %get3A_84 : vector<1x128x1024xf32> to vector<128x1024xf32>
    %dot_general3A_86 = arith.constant dense<0.000000e+00> : vector<400x1024xf32>
    %dot_general3A_87 = tpu.matmul %mul3A_80, %get3A_85, %dot_general3A_86 {dimension_numbers = #tpu.dot_dimension_numbers<[1], [0], [0], [1], [0, 0, 1, 1], [], []>, transpose_lhs_hint = false} : vector<400x128xf32>, vector<128x1024xf32>, vector<400x1024xf32> -> vector<400x1024xf32>
    %add3A_88 = arith.addf %add3A_67, %dot_general3A_87 : vector<400x1024xf32>
    %get3A_89 = arith.constant 0 : index
    %get3A_90 = arith.constant 0 : index
    %get3A_91 = vector.load %arg7[%get3A_89, %get3A_90] : memref<400x128xf32, #tpu.memory_space<vmem>>, vector<400x128xf32>
    %get3A_92 = arith.constant 2 : index
    %get3A_93 = arith.constant 0 : index
    %get3A_94 = arith.constant 0 : index
    %get3A_95 = vector.load %arg11[%get3A_92, %get3A_93, %get3A_94] : memref<4x128x1024xf32, #tpu.memory_space<vmem>>, vector<1x128x1024xf32>
    %get3A_96 = vector.shape_cast %get3A_95 : vector<1x128x1024xf32> to vector<128x1024xf32>
    %dot_general3A_97 = arith.constant dense<0.000000e+00> : vector<400x1024xf32>
    %dot_general3A_98 = tpu.matmul %get3A_91, %get3A_96, %dot_general3A_97 {dimension_numbers = #tpu.dot_dimension_numbers<[1], [0], [0], [1], [0, 0, 1, 1], [], []>, transpose_lhs_hint = false} : vector<400x128xf32>, vector<128x1024xf32>, vector<400x1024xf32> -> vector<400x1024xf32>
    %add3A_99 = arith.addf %add3A_88, %dot_general3A_98 : vector<400x1024xf32>
    %get3A_100 = arith.constant 0 : index
    %get3A_101 = arith.constant 0 : index
    %get3A_102 = arith.constant 0 : index
    %get3A_103 = vector.load %arg4[%get3A_100, %get3A_101, %get3A_102] : memref<2x400x128xf32, #tpu.memory_space<vmem>>, vector<1x400x128xf32>
    %get3A_104 = vector.shape_cast %get3A_103 : vector<1x400x128xf32> to vector<400x128xf32>
    %get3A_105 = arith.constant 1 : index
    %get3A_106 = arith.constant 0 : index
    %get3A_107 = arith.constant 0 : index
    %get3A_108 = vector.load %arg4[%get3A_105, %get3A_106, %get3A_107] : memref<2x400x128xf32, #tpu.memory_space<vmem>>, vector<1x400x128xf32>
    %get3A_109 = vector.shape_cast %get3A_108 : vector<1x400x128xf32> to vector<400x128xf32>
    %add3A_110 = arith.addf %get3A_104, %get3A_109 : vector<400x128xf32>
    %mul3A_111 = vector.broadcast %slice3A : vector<400x1xf32> to vector<400x128xf32>
    %mul3A_112 = arith.mulf %add3A_110, %mul3A_111 : vector<400x128xf32>
    %get3A_113 = arith.constant 3 : index
    %get3A_114 = arith.constant 0 : index
    %get3A_115 = arith.constant 0 : index
    %get3A_116 = vector.load %arg10[%get3A_113, %get3A_114, %get3A_115] : memref<4x128x1024xf32, #tpu.memory_space<vmem>>, vector<1x128x1024xf32>
    %get3A_117 = vector.shape_cast %get3A_116 : vector<1x128x1024xf32> to vector<128x1024xf32>
    %dot_general3A_118 = arith.constant dense<0.000000e+00> : vector<400x1024xf32>
    %dot_general3A_119 = tpu.matmul %mul3A_112, %get3A_117, %dot_general3A_118 {dimension_numbers = #tpu.dot_dimension_numbers<[1], [0], [0], [1], [0, 0, 1, 1], [], []>, transpose_lhs_hint = false} : vector<400x128xf32>, vector<128x1024xf32>, vector<400x1024xf32> -> vector<400x1024xf32>
    %add3A_120 = arith.addf %add3A_99, %dot_general3A_119 : vector<400x1024xf32>
    %get3A_121 = arith.constant 0 : index
    %get3A_122 = arith.constant 0 : index
    %get3A_123 = vector.load %arg8[%get3A_121, %get3A_122] : memref<400x128xf32, #tpu.memory_space<vmem>>, vector<400x128xf32>
    %get3A_124 = arith.constant 3 : index
    %get3A_125 = arith.constant 0 : index
    %get3A_126 = arith.constant 0 : index
    %get3A_127 = vector.load %arg11[%get3A_124, %get3A_125, %get3A_126] : memref<4x128x1024xf32, #tpu.memory_space<vmem>>, vector<1x128x1024xf32>
    %get3A_128 = vector.shape_cast %get3A_127 : vector<1x128x1024xf32> to vector<128x1024xf32>
    %dot_general3A_129 = arith.constant dense<0.000000e+00> : vector<400x1024xf32>
    %dot_general3A_130 = tpu.matmul %get3A_123, %get3A_128, %dot_general3A_129 {dimension_numbers = #tpu.dot_dimension_numbers<[1], [0], [0], [1], [0, 0, 1, 1], [], []>, transpose_lhs_hint = false} : vector<400x128xf32>, vector<128x1024xf32>, vector<400x1024xf32> -> vector<400x1024xf32>
    %add3A_131 = arith.addf %add3A_120, %dot_general3A_130 : vector<400x1024xf32>
    %max3A = arith.constant 0.000000e+00 : f32
    %max3A_132 = vector.broadcast %max3A : f32 to vector<400x1024xf32>
    %max3A_133 = arith.maximumf %add3A_131, %max3A_132 : vector<400x1024xf32>
    %broadcast_in_dim3A_134 = arith.constant 0.000000e+00 : f32
    %broadcast_in_dim3A_135 = vector.broadcast %broadcast_in_dim3A_134 : f32 to vector<400x128xf32>
    %get3A_136 = arith.constant 0 : index
    %get3A_137 = arith.constant 0 : index
    %get3A_138 = vector.load %arg15[%get3A_136, %get3A_137] : memref<1x16xf32, #tpu.memory_space<vmem>>, vector<1x16xf32>
    %get3A_139 = vector.shape_cast %get3A_138 : vector<1x16xf32> to vector<16xf32>
    %broadcast_in_dim3A_140 = vector.shape_cast %get3A_139 : vector<16xf32> to vector<1x16xf32>
    %slice3A_141 = vector.extract_strided_slice %max3A_133 {offsets = [0, 0], sizes = [400, 128], strides = [1, 1]} : vector<400x1024xf32> to vector<400x128xf32>
    %get3A_142 = arith.constant 0 : index
    %get3A_143 = arith.constant 0 : index
    %get3A_144 = arith.constant 0 : index
    %get3A_145 = vector.load %arg13[%get3A_142, %get3A_143, %get3A_144] : memref<8x128x128xf32, #tpu.memory_space<vmem>>, vector<1x128x128xf32>
    %get3A_146 = vector.shape_cast %get3A_145 : vector<1x128x128xf32> to vector<128x128xf32>
    %dot_general3A_147 = arith.constant dense<0.000000e+00> : vector<400x128xf32>
    %dot_general3A_148 = tpu.matmul %slice3A_141, %get3A_146, %dot_general3A_147 {dimension_numbers = #tpu.dot_dimension_numbers<[1], [0], [0], [1], [0, 0, 1, 1], [], []>, transpose_lhs_hint = false} : vector<400x128xf32>, vector<128x128xf32>, vector<400x128xf32> -> vector<400x128xf32>
    %add3A_149 = arith.addf %broadcast_in_dim3A_135, %dot_general3A_148 : vector<400x128xf32>
    %get3A_150 = arith.constant 0 : index
    %get3A_151 = arith.constant 0 : index
    %get3A_152 = arith.constant 0 : index
    %get3A_153 = vector.load %arg14[%get3A_150, %get3A_151, %get3A_152] : memref<8x128x16xf32, #tpu.memory_space<vmem>>, vector<1x128x16xf32>
    %get3A_154 = vector.shape_cast %get3A_153 : vector<1x128x16xf32> to vector<128x16xf32>
    %dot_general3A_155 = arith.constant dense<0.000000e+00> : vector<400x16xf32>
    %dot_general3A_156 = tpu.matmul %slice3A_141, %get3A_154, %dot_general3A_155 {dimension_numbers = #tpu.dot_dimension_numbers<[1], [0], [0], [1], [0, 0, 1, 1], [], []>, transpose_lhs_hint = false} : vector<400x128xf32>, vector<128x16xf32>, vector<400x16xf32> -> vector<400x16xf32>
    %add3A_157 = vector.broadcast %broadcast_in_dim3A_140 : vector<1x16xf32> to vector<400x16xf32>
    %add3A_158 = arith.addf %add3A_157, %dot_general3A_156 : vector<400x16xf32>
    %slice3A_159 = vector.extract_strided_slice %max3A_133 {offsets = [0, 128], sizes = [400, 128], strides = [1, 1]} : vector<400x1024xf32> to vector<400x128xf32>
    %get3A_160 = arith.constant 1 : index
    %get3A_161 = arith.constant 0 : index
    %get3A_162 = arith.constant 0 : index
    %get3A_163 = vector.load %arg13[%get3A_160, %get3A_161, %get3A_162] : memref<8x128x128xf32, #tpu.memory_space<vmem>>, vector<1x128x128xf32>
    %get3A_164 = vector.shape_cast %get3A_163 : vector<1x128x128xf32> to vector<128x128xf32>
    %dot_general3A_165 = arith.constant dense<0.000000e+00> : vector<400x128xf32>
    %dot_general3A_166 = tpu.matmul %slice3A_159, %get3A_164, %dot_general3A_165 {dimension_numbers = #tpu.dot_dimension_numbers<[1], [0], [0], [1], [0, 0, 1, 1], [], []>, transpose_lhs_hint = false} : vector<400x128xf32>, vector<128x128xf32>, vector<400x128xf32> -> vector<400x128xf32>
    %add3A_167 = arith.addf %add3A_149, %dot_general3A_166 : vector<400x128xf32>
    %get3A_168 = arith.constant 1 : index
    %get3A_169 = arith.constant 0 : index
    %get3A_170 = arith.constant 0 : index
    %get3A_171 = vector.load %arg14[%get3A_168, %get3A_169, %get3A_170] : memref<8x128x16xf32, #tpu.memory_space<vmem>>, vector<1x128x16xf32>
    %get3A_172 = vector.shape_cast %get3A_171 : vector<1x128x16xf32> to vector<128x16xf32>
    %dot_general3A_173 = arith.constant dense<0.000000e+00> : vector<400x16xf32>
    %dot_general3A_174 = tpu.matmul %slice3A_159, %get3A_172, %dot_general3A_173 {dimension_numbers = #tpu.dot_dimension_numbers<[1], [0], [0], [1], [0, 0, 1, 1], [], []>, transpose_lhs_hint = false} : vector<400x128xf32>, vector<128x16xf32>, vector<400x16xf32> -> vector<400x16xf32>
    %add3A_175 = arith.addf %add3A_158, %dot_general3A_174 : vector<400x16xf32>
    %slice3A_176 = vector.extract_strided_slice %max3A_133 {offsets = [0, 256], sizes = [400, 128], strides = [1, 1]} : vector<400x1024xf32> to vector<400x128xf32>
    %get3A_177 = arith.constant 2 : index
    %get3A_178 = arith.constant 0 : index
    %get3A_179 = arith.constant 0 : index
    %get3A_180 = vector.load %arg13[%get3A_177, %get3A_178, %get3A_179] : memref<8x128x128xf32, #tpu.memory_space<vmem>>, vector<1x128x128xf32>
    %get3A_181 = vector.shape_cast %get3A_180 : vector<1x128x128xf32> to vector<128x128xf32>
    %dot_general3A_182 = arith.constant dense<0.000000e+00> : vector<400x128xf32>
    %dot_general3A_183 = tpu.matmul %slice3A_176, %get3A_181, %dot_general3A_182 {dimension_numbers = #tpu.dot_dimension_numbers<[1], [0], [0], [1], [0, 0, 1, 1], [], []>, transpose_lhs_hint = false} : vector<400x128xf32>, vector<128x128xf32>, vector<400x128xf32> -> vector<400x128xf32>
    %add3A_184 = arith.addf %add3A_167, %dot_general3A_183 : vector<400x128xf32>
    %get3A_185 = arith.constant 2 : index
    %get3A_186 = arith.constant 0 : index
    %get3A_187 = arith.constant 0 : index
    %get3A_188 = vector.load %arg14[%get3A_185, %get3A_186, %get3A_187] : memref<8x128x16xf32, #tpu.memory_space<vmem>>, vector<1x128x16xf32>
    %get3A_189 = vector.shape_cast %get3A_188 : vector<1x128x16xf32> to vector<128x16xf32>
    %dot_general3A_190 = arith.constant dense<0.000000e+00> : vector<400x16xf32>
    %dot_general3A_191 = tpu.matmul %slice3A_176, %get3A_189, %dot_general3A_190 {dimension_numbers = #tpu.dot_dimension_numbers<[1], [0], [0], [1], [0, 0, 1, 1], [], []>, transpose_lhs_hint = false} : vector<400x128xf32>, vector<128x16xf32>, vector<400x16xf32> -> vector<400x16xf32>
    %add3A_192 = arith.addf %add3A_175, %dot_general3A_191 : vector<400x16xf32>
    %slice3A_193 = vector.extract_strided_slice %max3A_133 {offsets = [0, 384], sizes = [400, 128], strides = [1, 1]} : vector<400x1024xf32> to vector<400x128xf32>
    %get3A_194 = arith.constant 3 : index
    %get3A_195 = arith.constant 0 : index
    %get3A_196 = arith.constant 0 : index
    %get3A_197 = vector.load %arg13[%get3A_194, %get3A_195, %get3A_196] : memref<8x128x128xf32, #tpu.memory_space<vmem>>, vector<1x128x128xf32>
    %get3A_198 = vector.shape_cast %get3A_197 : vector<1x128x128xf32> to vector<128x128xf32>
    %dot_general3A_199 = arith.constant dense<0.000000e+00> : vector<400x128xf32>
    %dot_general3A_200 = tpu.matmul %slice3A_193, %get3A_198, %dot_general3A_199 {dimension_numbers = #tpu.dot_dimension_numbers<[1], [0], [0], [1], [0, 0, 1, 1], [], []>, transpose_lhs_hint = false} : vector<400x128xf32>, vector<128x128xf32>, vector<400x128xf32> -> vector<400x128xf32>
    %add3A_201 = arith.addf %add3A_184, %dot_general3A_200 : vector<400x128xf32>
    %get3A_202 = arith.constant 3 : index
    %get3A_203 = arith.constant 0 : index
    %get3A_204 = arith.constant 0 : index
    %get3A_205 = vector.load %arg14[%get3A_202, %get3A_203, %get3A_204] : memref<8x128x16xf32, #tpu.memory_space<vmem>>, vector<1x128x16xf32>
    %get3A_206 = vector.shape_cast %get3A_205 : vector<1x128x16xf32> to vector<128x16xf32>
    %dot_general3A_207 = arith.constant dense<0.000000e+00> : vector<400x16xf32>
    %dot_general3A_208 = tpu.matmul %slice3A_193, %get3A_206, %dot_general3A_207 {dimension_numbers = #tpu.dot_dimension_numbers<[1], [0], [0], [1], [0, 0, 1, 1], [], []>, transpose_lhs_hint = false} : vector<400x128xf32>, vector<128x16xf32>, vector<400x16xf32> -> vector<400x16xf32>
    %add3A_209 = arith.addf %add3A_192, %dot_general3A_208 : vector<400x16xf32>
    %slice3A_210 = vector.extract_strided_slice %max3A_133 {offsets = [0, 512], sizes = [400, 128], strides = [1, 1]} : vector<400x1024xf32> to vector<400x128xf32>
    %get3A_211 = arith.constant 4 : index
    %get3A_212 = arith.constant 0 : index
    %get3A_213 = arith.constant 0 : index
    %get3A_214 = vector.load %arg13[%get3A_211, %get3A_212, %get3A_213] : memref<8x128x128xf32, #tpu.memory_space<vmem>>, vector<1x128x128xf32>
    %get3A_215 = vector.shape_cast %get3A_214 : vector<1x128x128xf32> to vector<128x128xf32>
    %dot_general3A_216 = arith.constant dense<0.000000e+00> : vector<400x128xf32>
    %dot_general3A_217 = tpu.matmul %slice3A_210, %get3A_215, %dot_general3A_216 {dimension_numbers = #tpu.dot_dimension_numbers<[1], [0], [0], [1], [0, 0, 1, 1], [], []>, transpose_lhs_hint = false} : vector<400x128xf32>, vector<128x128xf32>, vector<400x128xf32> -> vector<400x128xf32>
    %add3A_218 = arith.addf %add3A_201, %dot_general3A_217 : vector<400x128xf32>
    %get3A_219 = arith.constant 4 : index
    %get3A_220 = arith.constant 0 : index
    %get3A_221 = arith.constant 0 : index
    %get3A_222 = vector.load %arg14[%get3A_219, %get3A_220, %get3A_221] : memref<8x128x16xf32, #tpu.memory_space<vmem>>, vector<1x128x16xf32>
    %get3A_223 = vector.shape_cast %get3A_222 : vector<1x128x16xf32> to vector<128x16xf32>
    %dot_general3A_224 = arith.constant dense<0.000000e+00> : vector<400x16xf32>
    %dot_general3A_225 = tpu.matmul %slice3A_210, %get3A_223, %dot_general3A_224 {dimension_numbers = #tpu.dot_dimension_numbers<[1], [0], [0], [1], [0, 0, 1, 1], [], []>, transpose_lhs_hint = false} : vector<400x128xf32>, vector<128x16xf32>, vector<400x16xf32> -> vector<400x16xf32>
    %add3A_226 = arith.addf %add3A_209, %dot_general3A_225 : vector<400x16xf32>
    %slice3A_227 = vector.extract_strided_slice %max3A_133 {offsets = [0, 640], sizes = [400, 128], strides = [1, 1]} : vector<400x1024xf32> to vector<400x128xf32>
    %get3A_228 = arith.constant 5 : index
    %get3A_229 = arith.constant 0 : index
    %get3A_230 = arith.constant 0 : index
    %get3A_231 = vector.load %arg13[%get3A_228, %get3A_229, %get3A_230] : memref<8x128x128xf32, #tpu.memory_space<vmem>>, vector<1x128x128xf32>
    %get3A_232 = vector.shape_cast %get3A_231 : vector<1x128x128xf32> to vector<128x128xf32>
    %dot_general3A_233 = arith.constant dense<0.000000e+00> : vector<400x128xf32>
    %dot_general3A_234 = tpu.matmul %slice3A_227, %get3A_232, %dot_general3A_233 {dimension_numbers = #tpu.dot_dimension_numbers<[1], [0], [0], [1], [0, 0, 1, 1], [], []>, transpose_lhs_hint = false} : vector<400x128xf32>, vector<128x128xf32>, vector<400x128xf32> -> vector<400x128xf32>
    %add3A_235 = arith.addf %add3A_218, %dot_general3A_234 : vector<400x128xf32>
    %get3A_236 = arith.constant 5 : index
    %get3A_237 = arith.constant 0 : index
    %get3A_238 = arith.constant 0 : index
    %get3A_239 = vector.load %arg14[%get3A_236, %get3A_237, %get3A_238] : memref<8x128x16xf32, #tpu.memory_space<vmem>>, vector<1x128x16xf32>
    %get3A_240 = vector.shape_cast %get3A_239 : vector<1x128x16xf32> to vector<128x16xf32>
    %dot_general3A_241 = arith.constant dense<0.000000e+00> : vector<400x16xf32>
    %dot_general3A_242 = tpu.matmul %slice3A_227, %get3A_240, %dot_general3A_241 {dimension_numbers = #tpu.dot_dimension_numbers<[1], [0], [0], [1], [0, 0, 1, 1], [], []>, transpose_lhs_hint = false} : vector<400x128xf32>, vector<128x16xf32>, vector<400x16xf32> -> vector<400x16xf32>
    %add3A_243 = arith.addf %add3A_226, %dot_general3A_242 : vector<400x16xf32>
    %slice3A_244 = vector.extract_strided_slice %max3A_133 {offsets = [0, 768], sizes = [400, 128], strides = [1, 1]} : vector<400x1024xf32> to vector<400x128xf32>
    %get3A_245 = arith.constant 6 : index
    %get3A_246 = arith.constant 0 : index
    %get3A_247 = arith.constant 0 : index
    %get3A_248 = vector.load %arg13[%get3A_245, %get3A_246, %get3A_247] : memref<8x128x128xf32, #tpu.memory_space<vmem>>, vector<1x128x128xf32>
    %get3A_249 = vector.shape_cast %get3A_248 : vector<1x128x128xf32> to vector<128x128xf32>
    %dot_general3A_250 = arith.constant dense<0.000000e+00> : vector<400x128xf32>
    %dot_general3A_251 = tpu.matmul %slice3A_244, %get3A_249, %dot_general3A_250 {dimension_numbers = #tpu.dot_dimension_numbers<[1], [0], [0], [1], [0, 0, 1, 1], [], []>, transpose_lhs_hint = false} : vector<400x128xf32>, vector<128x128xf32>, vector<400x128xf32> -> vector<400x128xf32>
    %add3A_252 = arith.addf %add3A_235, %dot_general3A_251 : vector<400x128xf32>
    %get3A_253 = arith.constant 6 : index
    %get3A_254 = arith.constant 0 : index
    %get3A_255 = arith.constant 0 : index
    %get3A_256 = vector.load %arg14[%get3A_253, %get3A_254, %get3A_255] : memref<8x128x16xf32, #tpu.memory_space<vmem>>, vector<1x128x16xf32>
    %get3A_257 = vector.shape_cast %get3A_256 : vector<1x128x16xf32> to vector<128x16xf32>
    %dot_general3A_258 = arith.constant dense<0.000000e+00> : vector<400x16xf32>
    %dot_general3A_259 = tpu.matmul %slice3A_244, %get3A_257, %dot_general3A_258 {dimension_numbers = #tpu.dot_dimension_numbers<[1], [0], [0], [1], [0, 0, 1, 1], [], []>, transpose_lhs_hint = false} : vector<400x128xf32>, vector<128x16xf32>, vector<400x16xf32> -> vector<400x16xf32>
    %add3A_260 = arith.addf %add3A_243, %dot_general3A_259 : vector<400x16xf32>
    %slice3A_261 = vector.extract_strided_slice %max3A_133 {offsets = [0, 896], sizes = [400, 128], strides = [1, 1]} : vector<400x1024xf32> to vector<400x128xf32>
    %get3A_262 = arith.constant 7 : index
    %get3A_263 = arith.constant 0 : index
    %get3A_264 = arith.constant 0 : index
    %get3A_265 = vector.load %arg13[%get3A_262, %get3A_263, %get3A_264] : memref<8x128x128xf32, #tpu.memory_space<vmem>>, vector<1x128x128xf32>
    %get3A_266 = vector.shape_cast %get3A_265 : vector<1x128x128xf32> to vector<128x128xf32>
    %dot_general3A_267 = arith.constant dense<0.000000e+00> : vector<400x128xf32>
    %dot_general3A_268 = tpu.matmul %slice3A_261, %get3A_266, %dot_general3A_267 {dimension_numbers = #tpu.dot_dimension_numbers<[1], [0], [0], [1], [0, 0, 1, 1], [], []>, transpose_lhs_hint = false} : vector<400x128xf32>, vector<128x128xf32>, vector<400x128xf32> -> vector<400x128xf32>
    %add3A_269 = arith.addf %add3A_252, %dot_general3A_268 : vector<400x128xf32>
    %get3A_270 = arith.constant 7 : index
    %get3A_271 = arith.constant 0 : index
    %get3A_272 = arith.constant 0 : index
    %get3A_273 = vector.load %arg14[%get3A_270, %get3A_271, %get3A_272] : memref<8x128x16xf32, #tpu.memory_space<vmem>>, vector<1x128x16xf32>
    %get3A_274 = vector.shape_cast %get3A_273 : vector<1x128x16xf32> to vector<128x16xf32>
    %dot_general3A_275 = arith.constant dense<0.000000e+00> : vector<400x16xf32>
    %dot_general3A_276 = tpu.matmul %slice3A_261, %get3A_274, %dot_general3A_275 {dimension_numbers = #tpu.dot_dimension_numbers<[1], [0], [0], [1], [0, 0, 1, 1], [], []>, transpose_lhs_hint = false} : vector<400x128xf32>, vector<128x16xf32>, vector<400x16xf32> -> vector<400x16xf32>
    %add3A_277 = arith.addf %add3A_260, %dot_general3A_276 : vector<400x16xf32>
    %swap3A = arith.constant 0 : index
    %swap3A_278 = arith.constant 0 : index
    %swap3A_279 = vector.load %arg16[%swap3A, %swap3A_278] : memref<400x128xf32, #tpu.memory_space<vmem>>, vector<400x128xf32>
    tpu.vector_store %arg16[%swap3A, %swap3A_278], %add3A_269 {strides = array<i32>} : memref<400x128xf32, #tpu.memory_space<vmem>>, vector<400x128xf32>,
    %swap3A_280 = arith.constant 0 : index
    %swap3A_281 = arith.constant 0 : index
    %swap3A_282 = vector.load %arg17[%swap3A_280, %swap3A_281] : memref<400x16xf32, #tpu.memory_space<vmem>>, vector<400x16xf32>
    tpu.vector_store %arg17[%swap3A_280, %swap3A_281], %add3A_277 {strides = array<i32>} : memref<400x16xf32, #tpu.memory_space<vmem>>, vector<400x16xf32>,
    return
  }
  func.func @transform_0(%arg0: i32) -> (i32, i32, i32) {
    %c0_i32 = arith.constant 0 : i32
    %c0_i32_0 = arith.constant 0 : i32
    %c0_i32_1 = arith.constant 0 : i32
    return %c0_i32, %arg0, %c0_i32_0 : i32, i32, i32
  }
  func.func @transform_1(%arg0: i32) -> (i32, i32, i32) {
    %c0_i32 = arith.constant 0 : i32
    %c0_i32_0 = arith.constant 0 : i32
    %c0_i32_1 = arith.constant 0 : i32
    return %c0_i32, %arg0, %c0_i32_0 : i32, i32, i32
  }
  func.func @transform_2(%arg0: i32) -> (i32, i32, i32) {
    %c0_i32 = arith.constant 0 : i32
    %c0_i32_0 = arith.constant 0 : i32
    %c0_i32_1 = arith.constant 0 : i32
    return %c0_i32, %arg0, %c0_i32_0 : i32, i32, i32
  }
  func.func @transform_3(%arg0: i32) -> (i32, i32, i32) {
    %c0_i32 = arith.constant 0 : i32
    %c0_i32_0 = arith.constant 0 : i32
    %c0_i32_1 = arith.constant 0 : i32
    return %c0_i32, %arg0, %c0_i32_0 : i32, i32, i32
  }
  func.func @transform_4(%arg0: i32) -> (i32, i32) {
    %c0_i32 = arith.constant 0 : i32
    %c0_i32_0 = arith.constant 0 : i32
    return %arg0, %c0_i32 : i32, i32
  }
  func.func @transform_5(%arg0: i32) -> (i32, i32) {
    %c0_i32 = arith.constant 0 : i32
    %c0_i32_0 = arith.constant 0 : i32
    return %arg0, %c0_i32 : i32, i32
  }
  func.func @transform_6(%arg0: i32) -> (i32, i32) {
    %c0_i32 = arith.constant 0 : i32
    %c0_i32_0 = arith.constant 0 : i32
    return %arg0, %c0_i32 : i32, i32
  }
  func.func @transform_7(%arg0: i32) -> (i32, i32) {
    %c0_i32 = arith.constant 0 : i32
    %c0_i32_0 = arith.constant 0 : i32
    return %arg0, %c0_i32 : i32, i32
  }
  func.func @transform_8(%arg0: i32) -> (i32, i32) {
    %c0_i32 = arith.constant 0 : i32
    %c0_i32_0 = arith.constant 0 : i32
    return %arg0, %c0_i32 : i32, i32
  }
  func.func @transform_9(%arg0: i32) -> (i32, i32, i32) {
    %c0_i32 = arith.constant 0 : i32
    %c0_i32_0 = arith.constant 0 : i32
    %c0_i32_1 = arith.constant 0 : i32
    %c0_i32_2 = arith.constant 0 : i32
    return %c0_i32, %c0_i32_0, %c0_i32_1 : i32, i32, i32
  }
  func.func @transform_10(%arg0: i32) -> (i32, i32, i32) {
    %c0_i32 = arith.constant 0 : i32
    %c0_i32_0 = arith.constant 0 : i32
    %c0_i32_1 = arith.constant 0 : i32
    %c0_i32_2 = arith.constant 0 : i32
    return %c0_i32, %c0_i32_0, %c0_i32_1 : i32, i32, i32
  }
  func.func @transform_11(%arg0: i32) -> (i32, i32) {
    %c0_i32 = arith.constant 0 : i32
    %c0_i32_0 = arith.constant 0 : i32
    %c0_i32_1 = arith.constant 0 : i32
    return %c0_i32, %c0_i32_0 : i32, i32
  }
  func.func @transform_12(%arg0: i32) -> (i32, i32, i32) {
    %c0_i32 = arith.constant 0 : i32
    %c0_i32_0 = arith.constant 0 : i32
    %c0_i32_1 = arith.constant 0 : i32
    %c0_i32_2 = arith.constant 0 : i32
    return %c0_i32, %c0_i32_0, %c0_i32_1 : i32, i32, i32
  }
  func.func @transform_13(%arg0: i32) -> (i32, i32, i32) {
    %c0_i32 = arith.constant 0 : i32
    %c0_i32_0 = arith.constant 0 : i32
    %c0_i32_1 = arith.constant 0 : i32
    %c0_i32_2 = arith.constant 0 : i32
    return %c0_i32, %c0_i32_0, %c0_i32_1 : i32, i32, i32
  }
  func.func @transform_14(%arg0: i32) -> (i32, i32) {
    %c0_i32 = arith.constant 0 : i32
    %c0_i32_0 = arith.constant 0 : i32
    %c0_i32_1 = arith.constant 0 : i32
    return %c0_i32, %c0_i32_0 : i32, i32
  }
  func.func @transform_15(%arg0: i32) -> (i32, i32) {
    %c0_i32 = arith.constant 0 : i32
    %c0_i32_0 = arith.constant 0 : i32
    return %arg0, %c0_i32 : i32, i32
  }
  func.func @transform_16(%arg0: i32) -> (i32, i32) {
    %c0_i32 = arith.constant 0 : i32
    %c0_i32_0 = arith.constant 0 : i32
    return %arg0, %c0_i32 : i32, i32
  }
}

module attributes {stable_mosaic.version = 14 : i64} {
  func.func @_l3_body(%arg0: i32, %arg1: memref<2x400x128xf32, #tpu.memory_space<vmem>>, %arg2: memref<400x16xf32, #tpu.memory_space<vmem>>, %arg3: memref<400x16xf32, #tpu.memory_space<vmem>>, %arg4: memref<400x16xf32, #tpu.memory_space<vmem>>) attributes {dimension_semantics = [#tpu.dimension_semantics<arbitrary>], iteration_bounds = array<i64: 25>, scalar_prefetch = 0 : i64, scratch_operands = 0 : i64, tpu.core_type = #tpu.core_type<tc>, window_params = [{transform_indices = @transform_0, window_bounds = array<i64: 2, 400, 128>}, {transform_indices = @transform_1, window_bounds = array<i64: 400, 16>}, {transform_indices = @transform_2, window_bounds = array<i64: 400, 16>}, {transform_indices = @transform_3, window_bounds = array<i64: 400, 16>}]} {
    %get3A = arith.constant 0 : index
    %get3A_0 = arith.constant 0 : index
    %get3A_1 = arith.constant 0 : index
    %get3A_2 = vector.load %arg1[%get3A, %get3A_0, %get3A_1] : memref<2x400x128xf32, #tpu.memory_space<vmem>>, vector<1x400x128xf32>
    %get3A_3 = vector.shape_cast %get3A_2 : vector<1x400x128xf32> to vector<400x128xf32>
    %get3A_4 = arith.constant 1 : index
    %get3A_5 = arith.constant 0 : index
    %get3A_6 = arith.constant 0 : index
    %get3A_7 = vector.load %arg1[%get3A_4, %get3A_5, %get3A_6] : memref<2x400x128xf32, #tpu.memory_space<vmem>>, vector<1x400x128xf32>
    %get3A_8 = vector.shape_cast %get3A_7 : vector<1x400x128xf32> to vector<400x128xf32>
    %add3A = arith.addf %get3A_3, %get3A_8 : vector<400x128xf32>
    %slice3A = vector.extract_strided_slice %add3A {offsets = [0, 0], sizes = [400, 16], strides = [1, 1]} : vector<400x128xf32> to vector<400x16xf32>
    %get3A_9 = arith.constant 0 : index
    %get3A_10 = arith.constant 0 : index
    %get3A_11 = vector.load %arg3[%get3A_9, %get3A_10] : memref<400x16xf32, #tpu.memory_space<vmem>>, vector<400x16xf32>
    %mul3A = arith.mulf %slice3A, %get3A_11 : vector<400x16xf32>
    %get3A_12 = arith.constant 0 : index
    %get3A_13 = arith.constant 0 : index
    %get3A_14 = vector.load %arg2[%get3A_12, %get3A_13] : memref<400x16xf32, #tpu.memory_space<vmem>>, vector<400x16xf32>
    %add3A_15 = arith.addf %mul3A, %get3A_14 : vector<400x16xf32>
    %max3A = arith.constant 0.000000e+00 : f32
    %max3A_16 = vector.broadcast %max3A : f32 to vector<400x16xf32>
    %max3A_17 = arith.maximumf %add3A_15, %max3A_16 : vector<400x16xf32>
    %swap3A = arith.constant 0 : index
    %swap3A_18 = arith.constant 0 : index
    %swap3A_19 = vector.load %arg4[%swap3A, %swap3A_18] : memref<400x16xf32, #tpu.memory_space<vmem>>, vector<400x16xf32>
    tpu.vector_store %arg4[%swap3A, %swap3A_18], %max3A_17 {strides = array<i32>} : memref<400x16xf32, #tpu.memory_space<vmem>>, vector<400x16xf32>,
    return
  }
  func.func @transform_0(%arg0: i32) -> (i32, i32, i32) {
    %c0_i32 = arith.constant 0 : i32
    %c0_i32_0 = arith.constant 0 : i32
    %c0_i32_1 = arith.constant 0 : i32
    return %c0_i32, %arg0, %c0_i32_0 : i32, i32, i32
  }
  func.func @transform_1(%arg0: i32) -> (i32, i32) {
    %c0_i32 = arith.constant 0 : i32
    %c0_i32_0 = arith.constant 0 : i32
    return %arg0, %c0_i32 : i32, i32
  }
  func.func @transform_2(%arg0: i32) -> (i32, i32) {
    %c0_i32 = arith.constant 0 : i32
    %c0_i32_0 = arith.constant 0 : i32
    return %arg0, %c0_i32 : i32, i32
  }
  func.func @transform_3(%arg0: i32) -> (i32, i32) {
    %c0_i32 = arith.constant 0 : i32
    %c0_i32_0 = arith.constant 0 : i32
    return %arg0, %c0_i32 : i32, i32
  }
}

</mosaic_0001>

<sc_bundles>
// kernel: kernel.12.cloned.1.call-start
scs
__scs_entry_jumppad:
0x0: {  	(pc) =	sbr.rel $0x88, $3  }
0x1: {  	(tag) =	ssettag $0x0;
	lr =	simm.s32 $0x1  }
0x2: {  	[smem:$0x3F96] =	sst lr;
	_ =	strace $0xD0000000  }
0x3: {  	_ = 	snop  }
0x4: {  	_ = 	snop  }
0x5: {  	_ = 	snop  }
0x6: {  	_ = 	snop  }
0x7: {  	_ = 	snop  }
__scs_overlays_trampoline_lowered:
0x8: {  	[smem:$0x3FA5] =	sst s0  }
0x9: {  	[smem:$0x3FA6] =	sst s1  }
0xa: {  	[smem:$0x3FA7] =	sst s2  }
0xb: {  	[smem:$0x3FA8] =	sst s3  }
0xc: {  	[smem:$0x3FA9] =	sst s4  }
0xd: {  	[smem:$0x3FAA] =	sst s5  }
0xe: {  	[smem:$0x3FAB] =	sst s6  }
0xf: {  	[smem:$0x3FAC] =	sst s7  }
0x10: {  	[smem:$0x3FAD] =	sst s8  }
0x11: {  	[smem:$0x3FAE] =	sst s9;
	s0 =	simm.s32 @!p0 $0x0  }
0x12: {  	s1 =	sld [smem:$0x3F94];
	s0 =	simm.s32 @p0 $0x1  }
0x13: {  	[smem:$0x3FAF] =	sst s0;
	s0 =	simm.s32 @!p1 $0x0  }
0x14: {  	s2 =	sld [smem:$0x3F93];
	s0 =	simm.s32 @p1 $0x1  }
0x15: {  	[smem:$0x3FB0] =	sst s0;
	s0 =	simm.s32 @!p2 $0x0  }
0x16: {  	s3 =	sld [smem:$0x3FDB];
	s0 =	simm.s32 @p2 $0x1  }
0x17: {  	s4 =	simm.s32 $0x1BF5;
	[smem:$0x3FB2] =	sst s0  }
0x18: {  	s0 =	sld [smem:$0x3F95];
	_ =	swait.ge [sflag:s4], $0x0  }
0x19: {  	s7 =	sld [smem:$0x3F96]  }
0x1a: {  	s8 =	sadd.s32 $0xFFFFE003, lr  }
0x1b: {  	s9 =	sadd.s32 $0xFFFFFEF7, lr;
	s5 =	simm.s32 $0xFFFFFFFF;
	p2 =	slt.u32 s8, $0xFFFFF086  }
0x1c: {  	p1 =	slt.u32 s9, $0xF7A;
	s5 =	simm.s32 @!p2 $0x0  }
0x1d: {  	s5 =	simm.s32 @p1 $0x1;
	p0 =	seq.s32 s7, s2  }
0x1e: {  	s7 =	smul.u32 @!p0 $0xF7A, s2;
	p2 =	seq.s32 @!p0 s5, $0x0  }
0x1f: {  	s9 =	smul.u32 $0xF7A, s1;
	s8 =	simm.s32 @!p0 $0x1BF5;
	p2 =	por !p2, p0  }
0x20: {  	[sflag:s8] =	ssyncset.s32 @!p0 $0xFFFFF086;
	s6 =	sadd.s32 @!p0 s3, s7;
	s7 =	simm.s32 @!p0 $0x108  }
0x21: {  	s3 =	sadd.s32 s3, s9;
	s6 =	sadd.s32 @!p0 $0x88, s6;
	s7 =	simm.s32 @p2 $0x1082  }
0x22: {  	[simem:s7], [sflag:s8] =	dma.local @!p0 [hbm:s6], $0xF7A  }
0x23: {  	s9 =	sor.u32 $0xD0000000, s2;
	s6 =	simm.s32 $0x108;
	_ =	swait.ge @!p0 [sflag:s8], $0x0  }
0x24: {  	s3 =	sadd.s32 $0x88, s3;
	s6 =	simm.s32 @!p1 $0x1082;
	[sflag:s4] =	ssyncset.s32 $0xFFFFF086  }
0x25: {  	[simem:s6], [sflag:s4] =	dma.local [hbm:s3], $0xF7A  }
0x26: {  	[smem:$0x3F96] =	sst s1;
	(tag) =	ssettag s2;
	_ =	strace s9  }
0x27: {  	s1 =	sld [smem:$0x3FA6]  }
0x28: {  	s2 =	sld [smem:$0x3FA7]  }
0x29: {  	s4 =	sld [smem:$0x3FA9]  }
0x2a: {  	p0 =	seq.s32 s5, $0x0;
	s5 =	sld [smem:$0x3FAA]  }
0x2b: {  	s6 =	sld [smem:$0x3FAB]  }
0x2c: {  	s7 =	sld [smem:$0x3FAC]  }
0x2d: {  	s3 =	simm.s32 $0x108;
	s8 =	sld [smem:$0x3FAD]  }
0x2e: {  	s3 =	simm.s32 @!p0 $0x1082;
	s9 =	sld [smem:$0x3FAE]  }
0x2f: {  	lr =	sadd.s32 s0, s3;
	s0 =	sld [smem:$0x3FA5]  }
0x30: {  	s3 =	sld [smem:$0x3FA8]  }
0x31: {  	[smem:$0x3FB1] =	sst s10  }
0x32: {  	s10 =	sld [smem:$0x3FAF];
	_ =	sdelay $0x3  }
0x33: {  	p0 =	seq.s32 s10, $0x1;
	s10 =	sld [smem:$0x3FB1];
	_ =	sdelay $0x3  }
0x34: {  	[smem:$0x3FB1] =	sst s10  }
0x35: {  	s10 =	sld [smem:$0x3FB0];
	_ =	sdelay $0x3  }
0x36: {  	p1 =	seq.s32 s10, $0x1;
	s10 =	sld [smem:$0x3FB1];
	_ =	sdelay $0x3  }
0x37: {  	[smem:$0x3FB1] =	sst s10  }
0x38: {  	s10 =	sld [smem:$0x3FB2]  }
0x39: {  	_ = 	snop;
	(pc) =	sbr.ind lr, $3  }
0x3a: {  	_ = 	snop  }
0x3b: {  	_ = 	snop  }
0x3c: {  	p2 =	seq.s32 s10, $0x1;
	s10 =	sld [smem:$0x3FB1]  }
0x3d: {  	_ =	shalt  }
0x3e: {  	_ =	shalt  }
0x3f: {  	_ =	shalt  }
0x40: {  	_ =	shalt  }
0x41: {  	_ =	shalt  }
0x42: {  	_ =	shalt  }
0x43: {  	_ =	shalt  }
0x44: {  	_ =	shalt  }
0x45: {  	_ =	shalt  }
0x46: {  	_ =	shalt  }
0x47: {  	_ =	shalt  }
0x48: {  	_ =	shalt  }
0x49: {  	_ =	shalt  }
0x4a: {  	_ =	shalt  }
0x4b: {  	_ =	shalt  }
0x4c: {  	_ =	shalt  }
0x4d: {  	_ =	shalt  }
0x4e: {  	_ =	shalt  }
0x4f: {  	_ =	shalt  }
0x50: {  	_ =	shalt  }
0x51: {  	_ =	shalt  }
0x52: {  	_ =	shalt  }
0x53: {  	_ =	shalt  }
0x54: {  	_ =	shalt  }
0x55: {  	_ =	shalt  }
0x56: {  	_ =	shalt  }
0x57: {  	_ =	shalt  }
0x58: {  	_ =	shalt  }
0x59: {  	_ =	shalt  }
0x5a: {  	_ =	shalt  }
0x5b: {  	_ =	shalt  }
0x5c: {  	_ =	shalt  }
0x5d: {  	_ =	shalt  }
0x5e: {  	_ =	shalt  }
0x5f: {  	_ =	shalt  }
0x60: {  	_ =	shalt  }
0x61: {  	_ =	shalt  }
0x62: {  	_ =	shalt  }
0x63: {  	_ =	shalt  }
0x64: {  	_ =	shalt  }
0x65: {  	_ =	shalt  }
0x66: {  	_ =	shalt  }
0x67: {  	_ =	shalt  }
0x68: {  	_ =	shalt  }
0x69: {  	_ =	shalt  }
0x6a: {  	_ =	shalt  }
0x6b: {  	_ =	shalt  }
0x6c: {  	_ =	shalt  }
0x6d: {  	_ =	shalt  }
0x6e: {  	_ =	shalt  }
0x6f: {  	_ =	shalt  }
0x70: {  	_ =	shalt  }
0x71: {  	_ =	shalt  }
0x72: {  	_ =	shalt  }
0x73: {  	_ =	shalt  }
0x74: {  	_ =	shalt  }
0x75: {  	_ =	shalt  }
0x76: {  	_ =	shalt  }
0x77: {  	_ =	shalt  }
0x78: {  	_ =	shalt  }
0x79: {  	_ =	shalt  }
0x7a: {  	_ =	shalt  }
0x7b: {  	_ =	shalt  }
0x7c: {  	_ =	shalt  }
0x7d: {  	_ =	shalt  }
0x7e: {  	_ =	shalt  }
0x7f: {  	_ =	shalt  }
0x80: {  	_ =	shalt  }
0x81: {  	_ =	shalt  }
0x82: {  	_ =	shalt  }
0x83: {  	_ =	shalt  }
0x84: {  	_ =	shalt  }
0x85: {  	_ =	shalt  }
0x86: {  	_ =	shalt  }
0x87: {  	_ =	shalt  }
.Lfunc_end0:
.L_simem_size_0:
called_computation.1_lowered:
.L_overlay_start_0:
0x88: {  	s2 =	sld [smem:$0x3FD9]  }
0x89: {  	s3 =	sld [smem:$0x3FFE];
	_ =	sdelay $0x1  }
0x8a: {  	s1 =	srdreg.scid  }
0x8b: {  	s0 =	sand.u32 $0x1, s1  }
0x8c: {  	s17 =	sshll.u32 s0, $0xA;
	s2 =	sadd.s32 s3, s2  }
0x8d: {  	s2 =	sadd.s32 s2, s17  }
0x8e: {  	[smem:$0x3FBD] =	sst s2  }
0x8f: {  	_ = 	snop  }
0x90: {  	s2 =	sld [smem:$0x3FD0];
	(tm) =	ssettm $0x1  }
0x91: {  	s18 =	sld [smem:$0x3FFB];
	_ =	sdelay $0x3  }
0x92: {  	_ =	strace s18  }
0x93: {  	s3 =	sld [smem:$0x3FFC];
	_ =	sdelay $0x3  }
0x94: {  	_ =	strace s3  }
0x95: {  	s3 =	sld [smem:$0x3FFD];
	_ =	sdelay $0x3  }
0x96: {  	_ =	strace s3  }
0x97: {  	_ =	strace $0x8FFFFFFF  }
0x98: {  	s19 =	sld [smem:$0x3FDB];
	_ =	sdelay $0x1  }
0x99: {  	s4 =	simm.s32 $_scs_section_size  }
0x9a: {  	s5 =	simm.s32 $_size__tile_overlayer_lowered;
	s6 =	simm.s32 $_tile_overlayer_lowered  }
0x9b: {  	s22 =	simm.s32 $0x1BFF;
	s21 =	sshll.u32 s6, $0x1;
	s3 =	sadd.s32 s4, s19  }
0x9c: {  	s7 =	simm.s32 $0x0;
	s20 =	sshll.u32 s5, $0x1;
	s5 =	sadd.s32 s21, s3  }
0x9d: {  	[timem:s7], [sflag:s22] =	dma.local [hbm:s5], s20  }
0x9e: {  	_ =	swait.ge [sflag:s22], s20  }
0x9f: {  	s4 =	ssub.s32 $0x0, s20;
	[sflag:s22] =	ssyncset.done $0x0  }
0xa0: {  	[sflag:s22] =	ssyncadd.s32 s4;
	_ =	sdelay $0x1  }
0xa1: {  	s23 =	simm.s32 $0x1B8B  }
0xa2: {  	_ =	swait.ge [sflag:s23], $0x1  }
0xa3: {  	[sflag:s23] =	ssyncset.done $0x0  }
0xa4: {  	s25 =	simm.s32 $0x1B8E;
	s24 =	sld [smem:$0x3FFE];
	[sflag:s23] =	ssyncadd.s32 $0xFFFFFFFF  }
0xa5: {  	s26 =	simm.s32 $execute0_lowered;
	[smem:$0x3FD2] =	sst s25  }
0xa6: {  	s5 =	sshll.u32 s26, $0x1;
	_ =	strace $0x80000046;
	[dreg:$0x1] =	wrdreg $0xFFFFFFFF  }
0xa7: {  	s28 =	simm.s32 $_size_execute0_lowered;
	s3 =	sadd.s32 s3, s5;
	[dreg:$0x0] =	wrdreg $0x0  }
0xa8: {  	s5 =	sshll.u32 s28, $0x1;
	[dreg:$0x2] =	wrdreg s3  }
0xa9: {  	[dreg:$0x3] =	wrdreg s5  }
0xaa: {  	[dreg:$0x4] =	wrdreg $0xC0  }
0xab: {  	_ =	task [dreg:s7], $0x5FFFF  }
0xac: {  	[dreg:$0x1] =	wrdreg $0xFFFFFFFF  }
0xad: {  	[dreg:$0x0] =	wrdreg $0x60  }
0xae: {  	[dreg:$0x2] =	wrdreg s24  }
0xaf: {  	[dreg:$0x3] =	wrdreg s2  }
0xb0: {  	[dreg:$0x4] =	wrdreg $0x54000  }
0xb1: {  	[dreg:$0x5] =	wrdreg $0xA  }
0xb2: {  	_ =	task.clear_ibuf [dreg:s7], $0x6FFFF;
	_ =	strace $0x90000046  }
0xb3: {  	s29 =	simm.s32 $0xA;
	_ =	strace $0x80000048  }
0xb4: {  	_ =	swait.ge [sflag:s29], $0x1  }
0xb5: {  	[sflag:s29] =	ssyncadd.s32 $0xFFFFFFFF  }
0xb6: {  	_ =	strace $0x90000048  }
0xb7: {  	_ =	sfence  }
0xb8: {  	s30 =	sld [smem:$0x0];
	_ =	sdelay $0x2  }
0xb9: {  	s31 =	sshll.u32 s1, $0xD;
	s1 =	sshrl.u32 s1, $0x2  }
0xba: {  	s3 =	sand.u32 $0x4000, s31;
	s1 =	sadd.s32 s1, s30  }
0xbb: {  	s0 =	sor.u32 s3, s0;
	s1 =	sshll.u32 s1, $0x11  }
0xbc: {  	s0 =	sor.u32 s1, s0  }
0xbd: {  	s0 =	sadd.s32 $0x8F2B, s0  }
0xbe: {  	[sflag:s0] =	ssyncadd.remote.s32 $0x1  }
0xbf: {  	_ =	sfence.sel $0xFFFF  }
0xc0: {  	[dreg:$0x0] =	wrdreg $0xFFFFFFFF;
	(pc) =	sbr.abs _section_cstart, $3  }
0xc1: {  	[dreg:$0x1] =	wrdreg $0xFFFFFFFF  }
0xc2: {  	_ =	task.clear_ibuf [dreg:s7], $0x2FFFF;
	_ =	strace $0x9FFFFFFF  }
0xc3: {  	(tm) =	ssettm $0x7FFFFFFF  }
tec
execute0_lowered:
.L_overlay_start_1:
0x0: {  	(tag) =	ssettag $0x1  }
0x1: {  	s6 =	rddreg [dreg:$0x0]  }
0x2: {  	s2 =	rddreg [dreg:$0x1]  }
0x3: {  	s0 =	srdreg.scid;
	s3 =	rddreg [dreg:$0x2];
	s4 =	simm.s32 $0x0  }
0x4: {  	s13 =	simm.s32 $0x80;
	s5 =	sand.u32 $0x1, s0;
	s0 =	stileid.u32  }
0x5: {  	s14 =	simm.s32 $0x0;
	[smem:$0x7FF] =	sst s4;
	s8 =	smul.u32 $0x14000, s0  }
0x6: {  	s1 =	sshll.u32 s5, $0x4;
	s9 =	smul.u32 $0x140000, s5;
	s5 =	ssub.s32 $0x2, s5  }
0x7: {  	s29 =	smul.u32 $0x50000, s0;
	s31 =	sshll.u32 s0, $0x6;
	s1 =	sor.u32 s0, s1  }
0x8: {  	s11 =	sshrl.u32 s5, $0x1;
	s7 =	smul.u32 $0x280, s1;
	s1 =	rddreg [dreg:$0x3]  }
0x9: {  	_ =	strace $0x80000047;
	s10 =	sshrl.u32 s8, $0x3;
	s8 =	sadd.s32 s8, s9  }
0xa: {  	s11 =	ssub.s32 s5, s11;
	s30 =	sshrl.u32 s29, $0x2;
	s9 =	simm.s32 $0x1  }
0xb: {  	s10 =	sadd.s32 s10, s6;
	s8 =	sshrl.u32 s8, $0x3;
	s12 =	sadd.s32 s30, s3  }
0xc: {  	s7 =	sadd.s32 s7, s6;
	s8 =	sadd.s32 s8, s6;
	s6 =	sadd.s32 $0x9400, s10  }
0xd: {  	s10 =	simm.s32 $0x1400;
	s12 =	sshrl.u32 s12, $0x3;
	s5 =	sadd.s32 $0x4400, s7  }
0xe: {  	s7 =	sadd.s32 $0x31400, s8;
	s8 =	smax.u32 s11, $0x1;
	s11 =	sor.u32 $0x1C01, s31  }
.LBB2_1:
0xf: {  	[tilespmem:s4], [sflag:$0x1] =	stream.linear.gather [hbm4b:s5+s4], $0x1400, $0x38;
	[tilespmem:$0x19400] =	vst v63  }
0x10: {  	_ =	swait.ge [sflag:s9], $0x1400  }
0x11: {  	[sflag:s9] =	ssyncset.done $0x0  }
0x12: {  	[sflag:s9] =	ssyncadd.s32 $0xFFFFEC00  }
0x13: {  	[tilespmem:s10], [sflag:$0x1] =	stream.linear.gather [hbm4b:s2+s4], $0x4000, $0x38;
	[tilespmem:$0x19400] =	vst v63  }
0x14: {  	_ =	swait.ge [sflag:s9], $0x4000  }
0x15: {  	[sflag:s9] =	ssyncset.done $0x0  }
0x16: {  	[sflag:s9] =	ssyncadd.s32 $0xFFFFC000  }
0x17: {  	[spmem:s12], [sflag:s11] =	dma.local [hbm:s6], $0x2800  }
0x18: {  	_ =	swait.ge [sflag:s9], $0x2800  }
0x19: {  	[sflag:s9] =	ssyncset.done $0x0  }
0x1a: {  	[sflag:s9] =	ssyncadd.s32 $0xFFFFD800  }
0x1b: {  	s15 =	simm.s32 $0x0;
	[bflag:$0x0] =	sbarrier.arrive $0xFFFF  }
0x1c: {  	[spmem:s3] =	stream.indirect.scatter.add.f32 [tilespmem:s10], [sflag:$0x1], $0x80, s15, s13, $0xb8;
	[tilespmem:$0x19400] =	vst v63  }
0x1d: {  	_ =	swait.ge [sflag:s9], $0x4000  }
0x1e: {  	s15 =	simm.s32 $0x200;
	[sflag:s9] =	ssyncset.done $0x0  }
.LBB2_2:
0x1f: {  	s16 =	sshra.s32 s15, $0x2;
	[sflag:s9] =	ssyncadd.s32 $0xFFFFC000;
	p0 =	sne.s32 s15, $0x4E00  }
0x20: {  	[spmem:s3] =	stream.indirect.scatter.add.f32 [tilespmem:s10], [sflag:$0x1], $0x80, s16, s13, $0xb8;
	[tilespmem:$0x19400] =	vst v63  }
.Ltmp0:
0x21: {  	_ = 	snop;
	(pc) =	sbr.rel @p0 .LBB2_2-.Ltmp0, $4  }
0x22: {  	_ = 	snop  }
0x23: {  	s15 =	sadd.s32 $0x200, s15  }
0x24: {  	_ =	swait.ge [sflag:s9], $0x4000  }
0x25: {  	[sflag:s9] =	ssyncset.done $0x0  }
0x26: {  	s14 =	sadd.s32 $0x1, s14  }
0x27: {  	[sflag:s9] =	ssyncadd.s32 $0xFFFFC000;
	p0 =	sne.s32 s14, s8  }
.Ltmp1:
0x28: {  	[bflag:$0x0] =	sbarrier.arrive $0xFFFF;
	(pc) =	sbr.rel @p0 .LBB2_1-.Ltmp1, $4  }
0x29: {  	[hbm:s7], [sflag:s11] =	dma.local [spmem:s12], $0x2800  }
0x2a: {  	_ =	swait.ge [sflag:s9], $0x2800  }
0x2b: {  	[sflag:s9] =	ssyncset.done $0x0  }
0x2c: {  	[sflag:s9] =	ssyncadd.s32 $0xFFFFD800  }
0x2d: {  	_ =	sfence.sel $0x180000  }
0x2e: {  	[bflag:$0x0] =	sbarrier.arrive $0xFFFF  }
0x2f: {  	p0 =	sne.s32 s0, $0x0;
	_ =	strace $0x90000047  }
0x30: {  	s0 =	sadd.s32 @!p0 $0x100000, s1;
	[bflag:$0x2] =	sbarrier.arrive $0xFFFF  }
0x31: {  	[sflag:s0] =	ssyncadd.tile.s32 @!p0 $0x1;
	_ =	shalt  }
.Lfunc_end2:
_tile_overlayer_lowered:
.L_overlay_start_2:
0x32: {  	(tag) =	ssettag $0x2  }
0x33: {  	s0 =	rddreg [dreg:$0x0];
	s2 =	stileid.u32  }
0x34: {  	s1 =	rddreg [dreg:$0x1];
	p0 =	sne.s32 s2, $0x0  }
0x35: {  	s3 =	rddreg [dreg:$0x2];
	[bflag:$0x3] =	sbarrier.arrive $0xFFFF;
	s2 =	simm.s32 @!p0 $0x1C01  }
0x36: {  	[timem:s3], [sflag:s2] =	dma.local @!p0 [hbm:s0], s1  }
0x37: {  	s0 =	simm.s32 @!p0 $0x1  }
0x38: {  	_ =	swait.ge @!p0 [sflag:s0], s1  }
0x39: {  	s1 =	ssub.s32 @!p0 $0x0, s1;
	[sflag:s0] =	ssyncset.done @!p0 $0x0  }
0x3a: {  	[sflag:s0] =	ssyncadd.s32 @!p0 s1  }
0x3b: {  	[bflag:$0x3] =	sbarrier.arrive $0xFFFF  }
0x3c: {  	_ =	shalt  }

// kernel: kernel.15.cloned.1.call-start
scs
__scs_entry_jumppad:
0x0: {  	(pc) =	sbr.rel $0x88, $3  }
0x1: {  	(tag) =	ssettag $0x0;
	lr =	simm.s32 $0x1  }
0x2: {  	[smem:$0x3F96] =	sst lr;
	_ =	strace $0xD0000000  }
0x3: {  	_ = 	snop  }
0x4: {  	_ = 	snop  }
0x5: {  	_ = 	snop  }
0x6: {  	_ = 	snop  }
0x7: {  	_ = 	snop  }
__scs_overlays_trampoline_lowered:
0x8: {  	[smem:$0x3FA5] =	sst s0  }
0x9: {  	[smem:$0x3FA6] =	sst s1  }
0xa: {  	[smem:$0x3FA7] =	sst s2  }
0xb: {  	[smem:$0x3FA8] =	sst s3  }
0xc: {  	[smem:$0x3FA9] =	sst s4  }
0xd: {  	[smem:$0x3FAA] =	sst s5  }
0xe: {  	[smem:$0x3FAB] =	sst s6  }
0xf: {  	[smem:$0x3FAC] =	sst s7  }
0x10: {  	[smem:$0x3FAD] =	sst s8  }
0x11: {  	[smem:$0x3FAE] =	sst s9;
	s0 =	simm.s32 @!p0 $0x0  }
0x12: {  	s1 =	sld [smem:$0x3F94];
	s0 =	simm.s32 @p0 $0x1  }
0x13: {  	[smem:$0x3FAF] =	sst s0;
	s0 =	simm.s32 @!p1 $0x0  }
0x14: {  	s2 =	sld [smem:$0x3F93];
	s0 =	simm.s32 @p1 $0x1  }
0x15: {  	[smem:$0x3FB0] =	sst s0;
	s0 =	simm.s32 @!p2 $0x0  }
0x16: {  	s3 =	sld [smem:$0x3FDB];
	s0 =	simm.s32 @p2 $0x1  }
0x17: {  	s4 =	simm.s32 $0x1BF5;
	[smem:$0x3FB2] =	sst s0  }
0x18: {  	s0 =	sld [smem:$0x3F95];
	_ =	swait.ge [sflag:s4], $0x0  }
0x19: {  	s7 =	sld [smem:$0x3F96]  }
0x1a: {  	s8 =	sadd.s32 $0xFFFFE003, lr  }
0x1b: {  	s9 =	sadd.s32 $0xFFFFFEF7, lr;
	s5 =	simm.s32 $0xFFFFFFFF;
	p2 =	slt.u32 s8, $0xFFFFF086  }
0x1c: {  	p1 =	slt.u32 s9, $0xF7A;
	s5 =	simm.s32 @!p2 $0x0  }
0x1d: {  	s5 =	simm.s32 @p1 $0x1;
	p0 =	seq.s32 s7, s2  }
0x1e: {  	s7 =	smul.u32 @!p0 $0xF7A, s2;
	p2 =	seq.s32 @!p0 s5, $0x0  }
0x1f: {  	s9 =	smul.u32 $0xF7A, s1;
	s8 =	simm.s32 @!p0 $0x1BF5;
	p2 =	por !p2, p0  }
0x20: {  	[sflag:s8] =	ssyncset.s32 @!p0 $0xFFFFF086;
	s6 =	sadd.s32 @!p0 s3, s7;
	s7 =	simm.s32 @!p0 $0x108  }
0x21: {  	s3 =	sadd.s32 s3, s9;
	s6 =	sadd.s32 @!p0 $0x88, s6;
	s7 =	simm.s32 @p2 $0x1082  }
0x22: {  	[simem:s7], [sflag:s8] =	dma.local @!p0 [hbm:s6], $0xF7A  }
0x23: {  	s9 =	sor.u32 $0xD0000000, s2;
	s6 =	simm.s32 $0x108;
	_ =	swait.ge @!p0 [sflag:s8], $0x0  }
0x24: {  	s3 =	sadd.s32 $0x88, s3;
	s6 =	simm.s32 @!p1 $0x1082;
	[sflag:s4] =	ssyncset.s32 $0xFFFFF086  }
0x25: {  	[simem:s6], [sflag:s4] =	dma.local [hbm:s3], $0xF7A  }
0x26: {  	[smem:$0x3F96] =	sst s1;
	(tag) =	ssettag s2;
	_ =	strace s9  }
0x27: {  	s1 =	sld [smem:$0x3FA6]  }
0x28: {  	s2 =	sld [smem:$0x3FA7]  }
0x29: {  	s4 =	sld [smem:$0x3FA9]  }
0x2a: {  	p0 =	seq.s32 s5, $0x0;
	s5 =	sld [smem:$0x3FAA]  }
0x2b: {  	s6 =	sld [smem:$0x3FAB]  }
0x2c: {  	s7 =	sld [smem:$0x3FAC]  }
0x2d: {  	s3 =	simm.s32 $0x108;
	s8 =	sld [smem:$0x3FAD]  }
0x2e: {  	s3 =	simm.s32 @!p0 $0x1082;
	s9 =	sld [smem:$0x3FAE]  }
0x2f: {  	lr =	sadd.s32 s0, s3;
	s0 =	sld [smem:$0x3FA5]  }
0x30: {  	s3 =	sld [smem:$0x3FA8]  }
0x31: {  	[smem:$0x3FB1] =	sst s10  }
0x32: {  	s10 =	sld [smem:$0x3FAF];
	_ =	sdelay $0x3  }
0x33: {  	p0 =	seq.s32 s10, $0x1;
	s10 =	sld [smem:$0x3FB1];
	_ =	sdelay $0x3  }
0x34: {  	[smem:$0x3FB1] =	sst s10  }
0x35: {  	s10 =	sld [smem:$0x3FB0];
	_ =	sdelay $0x3  }
0x36: {  	p1 =	seq.s32 s10, $0x1;
	s10 =	sld [smem:$0x3FB1];
	_ =	sdelay $0x3  }
0x37: {  	[smem:$0x3FB1] =	sst s10  }
0x38: {  	s10 =	sld [smem:$0x3FB2]  }
0x39: {  	_ = 	snop;
	(pc) =	sbr.ind lr, $3  }
0x3a: {  	_ = 	snop  }
0x3b: {  	_ = 	snop  }
0x3c: {  	p2 =	seq.s32 s10, $0x1;
	s10 =	sld [smem:$0x3FB1]  }
0x3d: {  	_ =	shalt  }
0x3e: {  	_ =	shalt  }
0x3f: {  	_ =	shalt  }
0x40: {  	_ =	shalt  }
0x41: {  	_ =	shalt  }
0x42: {  	_ =	shalt  }
0x43: {  	_ =	shalt  }
0x44: {  	_ =	shalt  }
0x45: {  	_ =	shalt  }
0x46: {  	_ =	shalt  }
0x47: {  	_ =	shalt  }
0x48: {  	_ =	shalt  }
0x49: {  	_ =	shalt  }
0x4a: {  	_ =	shalt  }
0x4b: {  	_ =	shalt  }
0x4c: {  	_ =	shalt  }
0x4d: {  	_ =	shalt  }
0x4e: {  	_ =	shalt  }
0x4f: {  	_ =	shalt  }
0x50: {  	_ =	shalt  }
0x51: {  	_ =	shalt  }
0x52: {  	_ =	shalt  }
0x53: {  	_ =	shalt  }
0x54: {  	_ =	shalt  }
0x55: {  	_ =	shalt  }
0x56: {  	_ =	shalt  }
0x57: {  	_ =	shalt  }
0x58: {  	_ =	shalt  }
0x59: {  	_ =	shalt  }
0x5a: {  	_ =	shalt  }
0x5b: {  	_ =	shalt  }
0x5c: {  	_ =	shalt  }
0x5d: {  	_ =	shalt  }
0x5e: {  	_ =	shalt  }
0x5f: {  	_ =	shalt  }
0x60: {  	_ =	shalt  }
0x61: {  	_ =	shalt  }
0x62: {  	_ =	shalt  }
0x63: {  	_ =	shalt  }
0x64: {  	_ =	shalt  }
0x65: {  	_ =	shalt  }
0x66: {  	_ =	shalt  }
0x67: {  	_ =	shalt  }
0x68: {  	_ =	shalt  }
0x69: {  	_ =	shalt  }
0x6a: {  	_ =	shalt  }
0x6b: {  	_ =	shalt  }
0x6c: {  	_ =	shalt  }
0x6d: {  	_ =	shalt  }
0x6e: {  	_ =	shalt  }
0x6f: {  	_ =	shalt  }
0x70: {  	_ =	shalt  }
0x71: {  	_ =	shalt  }
0x72: {  	_ =	shalt  }
0x73: {  	_ =	shalt  }
0x74: {  	_ =	shalt  }
0x75: {  	_ =	shalt  }
0x76: {  	_ =	shalt  }
0x77: {  	_ =	shalt  }
0x78: {  	_ =	shalt  }
0x79: {  	_ =	shalt  }
0x7a: {  	_ =	shalt  }
0x7b: {  	_ =	shalt  }
0x7c: {  	_ =	shalt  }
0x7d: {  	_ =	shalt  }
0x7e: {  	_ =	shalt  }
0x7f: {  	_ =	shalt  }
0x80: {  	_ =	shalt  }
0x81: {  	_ =	shalt  }
0x82: {  	_ =	shalt  }
0x83: {  	_ =	shalt  }
0x84: {  	_ =	shalt  }
0x85: {  	_ =	shalt  }
0x86: {  	_ =	shalt  }
0x87: {  	_ =	shalt  }
.Lfunc_end0:
.L_simem_size_0:
called_computation.2_lowered:
.L_overlay_start_0:
0x88: {  	s2 =	sld [smem:$0x3FD9]  }
0x89: {  	s3 =	sld [smem:$0x3FFE];
	_ =	sdelay $0x1  }
0x8a: {  	s1 =	srdreg.scid  }
0x8b: {  	s0 =	sand.u32 $0x1, s1  }
0x8c: {  	s16 =	sshll.u32 s0, $0xA;
	s2 =	sadd.s32 s3, s2  }
0x8d: {  	s2 =	sadd.s32 s2, s16  }
0x8e: {  	[smem:$0x3FBD] =	sst s2  }
0x8f: {  	_ = 	snop  }
0x90: {  	(tm) =	ssettm $0x1  }
0x91: {  	s17 =	sld [smem:$0x3FFB];
	_ =	sdelay $0x3  }
0x92: {  	_ =	strace s17  }
0x93: {  	s2 =	sld [smem:$0x3FFC];
	_ =	sdelay $0x3  }
0x94: {  	_ =	strace s2  }
0x95: {  	s2 =	sld [smem:$0x3FFD];
	_ =	sdelay $0x3  }
0x96: {  	_ =	strace s2  }
0x97: {  	_ =	strace $0x8FFFFFFF  }
0x98: {  	s18 =	sld [smem:$0x3FDB];
	_ =	sdelay $0x1  }
0x99: {  	s19 =	simm.s32 $_scs_section_size  }
0x9a: {  	s4 =	simm.s32 $_size__tile_overlayer_lowered;
	s5 =	simm.s32 $_tile_overlayer_lowered  }
0x9b: {  	s22 =	simm.s32 $0x1BFF;
	s21 =	sshll.u32 s5, $0x1;
	s2 =	sadd.s32 s19, s18  }
0x9c: {  	s6 =	simm.s32 $0x0;
	s20 =	sshll.u32 s4, $0x1;
	s4 =	sadd.s32 s21, s2  }
0x9d: {  	[timem:s6], [sflag:s22] =	dma.local [hbm:s4], s20  }
0x9e: {  	_ =	swait.ge [sflag:s22], s20  }
0x9f: {  	s3 =	ssub.s32 $0x0, s20;
	[sflag:s22] =	ssyncset.done $0x0  }
0xa0: {  	[sflag:s22] =	ssyncadd.s32 s3;
	_ =	sdelay $0x1  }
0xa1: {  	s23 =	simm.s32 $0x1B8B  }
0xa2: {  	_ =	swait.ge [sflag:s23], $0x1  }
0xa3: {  	[sflag:s23] =	ssyncset.done $0x0  }
0xa4: {  	s25 =	simm.s32 $0x1B8E;
	s24 =	sld [smem:$0x3FFE];
	[sflag:s23] =	ssyncadd.s32 $0xFFFFFFFF  }
0xa5: {  	s26 =	simm.s32 $execute0_lowered;
	[smem:$0x3FD2] =	sst s25  }
0xa6: {  	s4 =	sshll.u32 s26, $0x1;
	_ =	strace $0x8000004C;
	[dreg:$0x1] =	wrdreg $0xFFFFFFFF  }
0xa7: {  	s28 =	simm.s32 $_size_execute0_lowered;
	s2 =	sadd.s32 s2, s4;
	[dreg:$0x0] =	wrdreg $0x0  }
0xa8: {  	s4 =	sshll.u32 s28, $0x1;
	[dreg:$0x2] =	wrdreg s2  }
0xa9: {  	[dreg:$0x3] =	wrdreg s4  }
0xaa: {  	[dreg:$0x4] =	wrdreg $0xC0  }
0xab: {  	_ =	task [dreg:s6], $0x5FFFF  }
0xac: {  	[dreg:$0x1] =	wrdreg $0xFFFFFFFF  }
0xad: {  	[dreg:$0x0] =	wrdreg $0x60  }
0xae: {  	[dreg:$0x2] =	wrdreg s24  }
0xaf: {  	[dreg:$0x3] =	wrdreg $0xA8000  }
0xb0: {  	[dreg:$0x4] =	wrdreg $0x9  }
0xb1: {  	_ =	task.clear_ibuf [dreg:s6], $0x5FFFF;
	_ =	strace $0x9000004C  }
0xb2: {  	s29 =	simm.s32 $0x9;
	_ =	strace $0x8000004E  }
0xb3: {  	_ =	swait.ge [sflag:s29], $0x1  }
0xb4: {  	[sflag:s29] =	ssyncadd.s32 $0xFFFFFFFF  }
0xb5: {  	_ =	strace $0x9000004E  }
0xb6: {  	_ =	sfence  }
0xb7: {  	s30 =	sld [smem:$0x0];
	_ =	sdelay $0x2  }
0xb8: {  	s31 =	sshll.u32 s1, $0xD;
	s1 =	sshrl.u32 s1, $0x2  }
0xb9: {  	s3 =	sand.u32 $0x4000, s31;
	s1 =	sadd.s32 s1, s30  }
0xba: {  	s0 =	sor.u32 s3, s0;
	s1 =	sshll.u32 s1, $0x11  }
0xbb: {  	s0 =	sor.u32 s1, s0  }
0xbc: {  	s0 =	sadd.s32 $0x8F2B, s0  }
0xbd: {  	[sflag:s0] =	ssyncadd.remote.s32 $0x1  }
0xbe: {  	_ =	sfence.sel $0xFFFF  }
0xbf: {  	[dreg:$0x0] =	wrdreg $0xFFFFFFFF;
	(pc) =	sbr.abs _section_cstart, $3  }
0xc0: {  	[dreg:$0x1] =	wrdreg $0xFFFFFFFF  }
0xc1: {  	_ =	task.clear_ibuf [dreg:s6], $0x2FFFF;
	_ =	strace $0x9FFFFFFF  }
0xc2: {  	(tm) =	ssettm $0x7FFFFFFF  }
0xc3: {  	_ =	shalt  }
tec
execute0_lowered:
.L_overlay_start_1:
0x0: {  	(tag) =	ssettag $0x1  }
0x1: {  	s8 =	rddreg [dreg:$0x0]  }
0x2: {  	s0 =	srdreg.scid;
	s2 =	rddreg [dreg:$0x1]  }
0x3: {  	s3 =	simm.s32 $0x0;
	s16 =	simm.s32 $0x3;
	s17 =	simm.s32 $0x1400  }
0x4: {  	s20 =	simm.s32 $0x80;
	s21 =	simm.s32 $0x2800;
	s22 =	simm.s32 $0x1  }
0x5: {  	s23 =	simm.s32 $0x6800;
	s24 =	simm.s32 $0x2;
	s28 =	simm.s32 $0x2780  }
0x6: {  	s29 =	simm.s32 $0x0;
	s7 =	sand.u32 $0x1, s0;
	s0 =	stileid.u32  }
0x7: {  	[smem:$0x7FF] =	sst s3;
	s5 =	sadd.s32 $0x58600, s8;
	s6 =	sadd.s32 $0x8B400, s8  }
0x8: {  	s1 =	sshll.u32 s7, $0x4;
	s9 =	smul.u32 $0x14000, s0;
	_ =	strace $0x8000004D  }
0x9: {  	s11 =	smul.u32 $0x140000, s7;
	s26 =	ssub.s32 $0x2, s7;
	s7 =	sadd.s32 $0xB2600, s8  }
0xa: {  	s30 =	smul.u32 $0x50000, s0;
	s18 =	sshll.u32 s0, $0x6;
	s4 =	sor.u32 s0, s1  }
0xb: {  	s13 =	sshrl.u32 s26, $0x1;
	s18 =	sor.u32 $0x1C03, s18;
	s4 =	smul.u32 $0x280, s4  }
0xc: {  	s25 =	sshrl.u32 s9, $0x3;
	s9 =	sadd.s32 s9, s11;
	s15 =	ssub.s32 s26, s13  }
0xd: {  	s31 =	sshrl.u32 s30, $0x2;
	s26 =	simm.s32 $0x1380;
	s12 =	sadd.s32 s25, s8  }
0xe: {  	s9 =	sshrl.u32 s9, $0x3;
	s19 =	sadd.s32 s31, s2;
	s25 =	simm.s32 $0x2700  }
0xf: {  	s10 =	sadd.s32 s4, s8;
	s4 =	sadd.s32 $0x31400, s8;
	s14 =	sadd.s32 s9, s8  }
0x10: {  	s8 =	sadd.s32 $0x81400, s10;
	s9 =	sadd.s32 $0x86400, s10;
	s10 =	sadd.s32 $0x9400, s12  }
0x11: {  	s15 =	smax.u32 s15, $0x1;
	s11 =	sadd.s32 $0x102600, s14;
	s12 =	sadd.s32 $0x152600, s14  }
0x12: {  	s19 =	sshrl.u32 s19, $0x3;
	s13 =	sadd.s32 $0x1A2600, s14;
	s14 =	sadd.s32 $0x1F2600, s14  }
.LBB2_1:
0x13: {  	[tilespmem:s3], [sflag:$0x3] =	stream.linear.gather [hbm4b:s8+s3], $0x1400, $0x38;
	[tilespmem:$0x1E800] =	vst v63  }
0x14: {  	_ =	swait.ge [sflag:s16], $0x1400  }
0x15: {  	[sflag:s16] =	ssyncset.done $0x0  }
0x16: {  	[sflag:s16] =	ssyncadd.s32 $0xFFFFEC00  }
0x17: {  	[tilespmem:s17], [sflag:$0x3] =	stream.linear.gather [hbm4b:s9+s3], $0x1400, $0x38;
	[tilespmem:$0x1E800] =	vst v63  }
0x18: {  	_ =	swait.ge [sflag:s16], $0x1400  }
0x19: {  	[sflag:s16] =	ssyncset.done $0x0  }
0x1a: {  	[sflag:s16] =	ssyncadd.s32 $0xFFFFEC00  }
0x1b: {  	[spmem:s19], [sflag:s18] =	dma.local [hbm:s10], $0x2800  }
0x1c: {  	_ =	swait.ge [sflag:s16], $0x2800  }
0x1d: {  	[sflag:s16] =	ssyncset.done $0x0  }
0x1e: {  	[sflag:s16] =	ssyncadd.s32 $0xFFFFD800  }
0x1f: {  	[bflag:$0x0] =	sbarrier.arrive $0xFFFF  }
0x20: {  	[tilespmem:s21], [sflag:$0x1] =	stream.indirect.gather [hbm4b:s4+s20], $0x80, s3, s20, $0xb8;
	[tilespmem:$0x1E800] =	vst v63  }
0x21: {  	_ =	swait.ge [sflag:s22], $0x4000  }
0x22: {  	[sflag:s22] =	ssyncset.done $0x0  }
0x23: {  	s30 =	simm.s32 $0x1400;
	[sflag:s22] =	ssyncadd.s32 $0xFFFFC000  }
0x24: {  	[spmem:s2] =	stream.indirect.scatter.add.f32 [tilespmem:s21], [sflag:$0x3], $0x80, s30, s20, $0xb8;
	[tilespmem:$0x1E800] =	vst v63  }
0x25: {  	_ =	swait.ge [sflag:s16], $0x4000  }
0x26: {  	[sflag:s16] =	ssyncset.done $0x0  }
0x27: {  	s30 =	simm.s32 $0x80;
	[sflag:s16] =	ssyncadd.s32 $0xFFFFC000  }
0x28: {  	[tilespmem:s23], [sflag:$0x2] =	stream.indirect.gather [hbm4b:s4+s20], $0x80, s30, s20, $0xb8;
	[tilespmem:$0x1E800] =	vst v63  }
0x29: {  	_ =	swait.ge [sflag:s24], $0x4000  }
0x2a: {  	[sflag:s24] =	ssyncset.done $0x0  }
0x2b: {  	s30 =	simm.s32 $0x1480;
	[sflag:s24] =	ssyncadd.s32 $0xFFFFC000  }
0x2c: {  	[spmem:s2] =	stream.indirect.scatter.add.f32 [tilespmem:s23], [sflag:$0x3], $0x80, s30, s20, $0xb8;
	[tilespmem:$0x1E800] =	vst v63  }
0x2d: {  	_ =	swait.ge [sflag:s16], $0x4000  }
0x2e: {  	[sflag:s16] =	ssyncset.done $0x0  }
0x2f: {  	s31 =	simm.s32 $0x100;
	s30 =	simm.s32 $0x400;
	[sflag:s16] =	ssyncadd.s32 $0xFFFFC000  }
.LBB2_2:
0x30: {  	[tilespmem:s21], [sflag:$0x1] =	stream.indirect.gather [hbm4b:s4+s20], $0x80, s31, s20, $0xb8;
	[tilespmem:$0x1E800] =	vst v63  }
0x31: {  	s31 =	smov.u32 s30  }
0x32: {  	p0 =	sne.s32 s30, $0x4800;
	s30 =	sadd.s32 $0x400, s30;
	_ =	swait.ge [sflag:s22], $0x4000  }
0x33: {  	s31 =	sshra.s32 s31, $0x2;
	[sflag:s22] =	ssyncset.done $0x0  }
0x34: {  	s1 =	sadd.s32 $0x1400, s31;
	[sflag:s22] =	ssyncadd.s32 $0xFFFFC000  }
0x35: {  	[spmem:s2] =	stream.indirect.scatter.add.f32 [tilespmem:s21], [sflag:$0x3], $0x80, s1, s20, $0xb8;
	[tilespmem:$0x1E800] =	vst v63  }
0x36: {  	_ =	swait.ge [sflag:s16], $0x4000  }
0x37: {  	[sflag:s16] =	ssyncset.done $0x0  }
0x38: {  	s1 =	sadd.s32 $0x80, s31;
	[sflag:s16] =	ssyncadd.s32 $0xFFFFC000  }
0x39: {  	[tilespmem:s23], [sflag:$0x2] =	stream.indirect.gather [hbm4b:s4+s20], $0x80, s1, s20, $0xb8;
	[tilespmem:$0x1E800] =	vst v63  }
0x3a: {  	_ =	swait.ge [sflag:s24], $0x4000  }
0x3b: {  	[sflag:s24] =	ssyncset.done $0x0  }
.Ltmp0:
0x3c: {  	s1 =	sadd.s32 $0x1480, s31;
	[sflag:s24] =	ssyncadd.s32 $0xFFFFC000;
	(pc) =	sbr.rel @p0 .LBB2_2-.Ltmp0, $4  }
0x3d: {  	[spmem:s2] =	stream.indirect.scatter.add.f32 [tilespmem:s23], [sflag:$0x3], $0x80, s1, s20, $0xb8;
	[tilespmem:$0x1E800] =	vst v63  }
0x3e: {  	_ =	swait.ge [sflag:s16], $0x4000  }
0x3f: {  	[sflag:s16] =	ssyncset.done $0x0  }
0x40: {  	s31 =	sadd.s32 $0x100, s31;
	[sflag:s16] =	ssyncadd.s32 $0xFFFFC000  }
0x41: {  	[tilespmem:s21], [sflag:$0x1] =	stream.indirect.gather [hbm4b:s4+s20], $0x80, s31, s20, $0xb8;
	[tilespmem:$0x1E800] =	vst v63  }
0x42: {  	_ =	swait.ge [sflag:s22], $0x4000  }
0x43: {  	[sflag:s22] =	ssyncset.done $0x0  }
0x44: {  	[sflag:s22] =	ssyncadd.s32 $0xFFFFC000  }
0x45: {  	[spmem:s2] =	stream.indirect.scatter.add.f32 [tilespmem:s21], [sflag:$0x3], $0x80, s25, s20, $0xb8;
	[tilespmem:$0x1E800] =	vst v63  }
0x46: {  	_ =	swait.ge [sflag:s16], $0x4000  }
0x47: {  	[sflag:s16] =	ssyncset.done $0x0  }
0x48: {  	[sflag:s16] =	ssyncadd.s32 $0xFFFFC000  }
0x49: {  	[tilespmem:s23], [sflag:$0x2] =	stream.indirect.gather [hbm4b:s4+s20], $0x80, s26, s20, $0xb8;
	[tilespmem:$0x1E800] =	vst v63  }
0x4a: {  	_ =	swait.ge [sflag:s24], $0x4000  }
0x4b: {  	[sflag:s24] =	ssyncset.done $0x0  }
0x4c: {  	[sflag:s24] =	ssyncadd.s32 $0xFFFFC000  }
0x4d: {  	[spmem:s2] =	stream.indirect.scatter.add.f32 [tilespmem:s23], [sflag:$0x3], $0x80, s28, s20, $0xb8;
	[tilespmem:$0x1E800] =	vst v63  }
0x4e: {  	_ =	swait.ge [sflag:s16], $0x4000  }
0x4f: {  	[sflag:s16] =	ssyncset.done $0x0  }
0x50: {  	[sflag:s16] =	ssyncadd.s32 $0xFFFFC000  }
0x51: {  	[bflag:$0x0] =	sbarrier.arrive $0xFFFF  }
0x52: {  	[hbm:s11], [sflag:s18] =	dma.local [spmem:s19], $0x2800  }
0x53: {  	_ =	swait.ge [sflag:s16], $0x2800  }
0x54: {  	[sflag:s16] =	ssyncset.done $0x0  }
0x55: {  	[sflag:s16] =	ssyncadd.s32 $0xFFFFD800  }
0x56: {  	[spmem:s19], [sflag:s18] =	dma.local [hbm:s10], $0x2800  }
0x57: {  	_ =	swait.ge [sflag:s16], $0x2800  }
0x58: {  	[sflag:s16] =	ssyncset.done $0x0  }
0x59: {  	[sflag:s16] =	ssyncadd.s32 $0xFFFFD800  }
0x5a: {  	s1 =	simm.s32 $0x0;
	[bflag:$0x0] =	sbarrier.arrive $0xFFFF  }
0x5b: {  	[tilespmem:s21], [sflag:$0x1] =	stream.indirect.gather [hbm4b:s5+s20], $0x80, s1, s20, $0xb8;
	[tilespmem:$0x1E800] =	vst v63  }
0x5c: {  	_ =	swait.ge [sflag:s22], $0x4000  }
0x5d: {  	[sflag:s22] =	ssyncset.done $0x0  }
0x5e: {  	s1 =	simm.s32 $0x1400;
	[sflag:s22] =	ssyncadd.s32 $0xFFFFC000  }
0x5f: {  	[spmem:s2] =	stream.indirect.scatter.add.f32 [tilespmem:s21], [sflag:$0x3], $0x80, s1, s20, $0xb8;
	[tilespmem:$0x1E800] =	vst v63  }
0x60: {  	_ =	swait.ge [sflag:s16], $0x4000  }
0x61: {  	[sflag:s16] =	ssyncset.done $0x0  }
0x62: {  	s1 =	simm.s32 $0x80;
	[sflag:s16] =	ssyncadd.s32 $0xFFFFC000  }
0x63: {  	[tilespmem:s23], [sflag:$0x2] =	stream.indirect.gather [hbm4b:s5+s20], $0x80, s1, s20, $0xb8;
	[tilespmem:$0x1E800] =	vst v63  }
0x64: {  	_ =	swait.ge [sflag:s24], $0x4000  }
0x65: {  	[sflag:s24] =	ssyncset.done $0x0  }
0x66: {  	s1 =	simm.s32 $0x1480;
	[sflag:s24] =	ssyncadd.s32 $0xFFFFC000  }
0x67: {  	[spmem:s2] =	stream.indirect.scatter.add.f32 [tilespmem:s23], [sflag:$0x3], $0x80, s1, s20, $0xb8;
	[tilespmem:$0x1E800] =	vst v63  }
0x68: {  	_ =	swait.ge [sflag:s16], $0x4000  }
0x69: {  	[sflag:s16] =	ssyncset.done $0x0  }
0x6a: {  	s30 =	simm.s32 $0x400;
	s31 =	simm.s32 $0x100;
	[sflag:s16] =	ssyncadd.s32 $0xFFFFC000  }
.LBB2_4:
0x6b: {  	[tilespmem:s21], [sflag:$0x1] =	stream.indirect.gather [hbm4b:s5+s20], $0x80, s31, s20, $0xb8;
	[tilespmem:$0x1E800] =	vst v63  }
0x6c: {  	s1 =	smov.u32 s30  }
0x6d: {  	p0 =	sne.s32 s30, $0x4800;
	s30 =	sadd.s32 $0x400, s30;
	_ =	swait.ge [sflag:s22], $0x4000  }
0x6e: {  	s1 =	sshra.s32 s1, $0x2;
	[sflag:s22] =	ssyncset.done $0x0  }
0x6f: {  	s31 =	sadd.s32 $0x1400, s1;
	[sflag:s22] =	ssyncadd.s32 $0xFFFFC000  }
0x70: {  	[spmem:s2] =	stream.indirect.scatter.add.f32 [tilespmem:s21], [sflag:$0x3], $0x80, s31, s20, $0xb8;
	[tilespmem:$0x1E800] =	vst v63  }
0x71: {  	_ =	swait.ge [sflag:s16], $0x4000  }
0x72: {  	[sflag:s16] =	ssyncset.done $0x0  }
0x73: {  	s31 =	sadd.s32 $0x80, s1;
	[sflag:s16] =	ssyncadd.s32 $0xFFFFC000  }
0x74: {  	[tilespmem:s23], [sflag:$0x2] =	stream.indirect.gather [hbm4b:s5+s20], $0x80, s31, s20, $0xb8;
	[tilespmem:$0x1E800] =	vst v63  }
0x75: {  	_ =	swait.ge [sflag:s24], $0x4000  }
0x76: {  	[sflag:s24] =	ssyncset.done $0x0  }
.Ltmp1:
0x77: {  	s31 =	sadd.s32 $0x1480, s1;
	[sflag:s24] =	ssyncadd.s32 $0xFFFFC000;
	(pc) =	sbr.rel @p0 .LBB2_4-.Ltmp1, $4  }
0x78: {  	[spmem:s2] =	stream.indirect.scatter.add.f32 [tilespmem:s23], [sflag:$0x3], $0x80, s31, s20, $0xb8;
	[tilespmem:$0x1E800] =	vst v63  }
0x79: {  	_ =	swait.ge [sflag:s16], $0x4000  }
0x7a: {  	[sflag:s16] =	ssyncset.done $0x0  }
0x7b: {  	s31 =	sadd.s32 $0x100, s1;
	[sflag:s16] =	ssyncadd.s32 $0xFFFFC000  }
0x7c: {  	[tilespmem:s21], [sflag:$0x1] =	stream.indirect.gather [hbm4b:s5+s20], $0x80, s31, s20, $0xb8;
	[tilespmem:$0x1E800] =	vst v63  }
0x7d: {  	_ =	swait.ge [sflag:s22], $0x4000  }
0x7e: {  	[sflag:s22] =	ssyncset.done $0x0  }
0x7f: {  	[sflag:s22] =	ssyncadd.s32 $0xFFFFC000  }
0x80: {  	[spmem:s2] =	stream.indirect.scatter.add.f32 [tilespmem:s21], [sflag:$0x3], $0x80, s25, s20, $0xb8;
	[tilespmem:$0x1E800] =	vst v63  }
0x81: {  	_ =	swait.ge [sflag:s16], $0x4000  }
0x82: {  	[sflag:s16] =	ssyncset.done $0x0  }
0x83: {  	[sflag:s16] =	ssyncadd.s32 $0xFFFFC000  }
0x84: {  	[tilespmem:s23], [sflag:$0x2] =	stream.indirect.gather [hbm4b:s5+s20], $0x80, s26, s20, $0xb8;
	[tilespmem:$0x1E800] =	vst v63  }
0x85: {  	_ =	swait.ge [sflag:s24], $0x4000  }
0x86: {  	[sflag:s24] =	ssyncset.done $0x0  }
0x87: {  	[sflag:s24] =	ssyncadd.s32 $0xFFFFC000  }
0x88: {  	[spmem:s2] =	stream.indirect.scatter.add.f32 [tilespmem:s23], [sflag:$0x3], $0x80, s28, s20, $0xb8;
	[tilespmem:$0x1E800] =	vst v63  }
0x89: {  	_ =	swait.ge [sflag:s16], $0x4000  }
0x8a: {  	[sflag:s16] =	ssyncset.done $0x0  }
0x8b: {  	[sflag:s16] =	ssyncadd.s32 $0xFFFFC000  }
0x8c: {  	[bflag:$0x0] =	sbarrier.arrive $0xFFFF  }
0x8d: {  	[hbm:s12], [sflag:s18] =	dma.local [spmem:s19], $0x2800  }
0x8e: {  	_ =	swait.ge [sflag:s16], $0x2800  }
0x8f: {  	[sflag:s16] =	ssyncset.done $0x0  }
0x90: {  	[sflag:s16] =	ssyncadd.s32 $0xFFFFD800  }
0x91: {  	[spmem:s19], [sflag:s18] =	dma.local [hbm:s10], $0x2800  }
0x92: {  	_ =	swait.ge [sflag:s16], $0x2800  }
0x93: {  	[sflag:s16] =	ssyncset.done $0x0  }
0x94: {  	[sflag:s16] =	ssyncadd.s32 $0xFFFFD800  }
0x95: {  	s1 =	simm.s32 $0x0;
	[bflag:$0x0] =	sbarrier.arrive $0xFFFF  }
0x96: {  	[tilespmem:s21], [sflag:$0x1] =	stream.indirect.gather [hbm4b:s6+s20], $0x80, s1, s20, $0xb8;
	[tilespmem:$0x1E800] =	vst v63  }
0x97: {  	_ =	swait.ge [sflag:s22], $0x4000  }
0x98: {  	[sflag:s22] =	ssyncset.done $0x0  }
0x99: {  	s1 =	simm.s32 $0x1400;
	[sflag:s22] =	ssyncadd.s32 $0xFFFFC000  }
0x9a: {  	[spmem:s2] =	stream.indirect.scatter.add.f32 [tilespmem:s21], [sflag:$0x3], $0x80, s1, s20, $0xb8;
	[tilespmem:$0x1E800] =	vst v63  }
0x9b: {  	_ =	swait.ge [sflag:s16], $0x4000  }
0x9c: {  	[sflag:s16] =	ssyncset.done $0x0  }
0x9d: {  	s1 =	simm.s32 $0x80;
	[sflag:s16] =	ssyncadd.s32 $0xFFFFC000  }
0x9e: {  	[tilespmem:s23], [sflag:$0x2] =	stream.indirect.gather [hbm4b:s6+s20], $0x80, s1, s20, $0xb8;
	[tilespmem:$0x1E800] =	vst v63  }
0x9f: {  	_ =	swait.ge [sflag:s24], $0x4000  }
0xa0: {  	[sflag:s24] =	ssyncset.done $0x0  }
0xa1: {  	s1 =	simm.s32 $0x1480;
	[sflag:s24] =	ssyncadd.s32 $0xFFFFC000  }
0xa2: {  	[spmem:s2] =	stream.indirect.scatter.add.f32 [tilespmem:s23], [sflag:$0x3], $0x80, s1, s20, $0xb8;
	[tilespmem:$0x1E800] =	vst v63  }
0xa3: {  	_ =	swait.ge [sflag:s16], $0x4000  }
0xa4: {  	[sflag:s16] =	ssyncset.done $0x0  }
0xa5: {  	s30 =	simm.s32 $0x400;
	s31 =	simm.s32 $0x100;
	[sflag:s16] =	ssyncadd.s32 $0xFFFFC000  }
.LBB2_6:
0xa6: {  	[tilespmem:s21], [sflag:$0x1] =	stream.indirect.gather [hbm4b:s6+s20], $0x80, s31, s20, $0xb8;
	[tilespmem:$0x1E800] =	vst v63  }
0xa7: {  	s1 =	smov.u32 s30  }
0xa8: {  	p0 =	sne.s32 s30, $0x4800;
	s30 =	sadd.s32 $0x400, s30;
	_ =	swait.ge [sflag:s22], $0x4000  }
0xa9: {  	s1 =	sshra.s32 s1, $0x2;
	[sflag:s22] =	ssyncset.done $0x0  }
0xaa: {  	s31 =	sadd.s32 $0x1400, s1;
	[sflag:s22] =	ssyncadd.s32 $0xFFFFC000  }
0xab: {  	[spmem:s2] =	stream.indirect.scatter.add.f32 [tilespmem:s21], [sflag:$0x3], $0x80, s31, s20, $0xb8;
	[tilespmem:$0x1E800] =	vst v63  }
0xac: {  	_ =	swait.ge [sflag:s16], $0x4000  }
0xad: {  	[sflag:s16] =	ssyncset.done $0x0  }
0xae: {  	s31 =	sadd.s32 $0x80, s1;
	[sflag:s16] =	ssyncadd.s32 $0xFFFFC000  }
0xaf: {  	[tilespmem:s23], [sflag:$0x2] =	stream.indirect.gather [hbm4b:s6+s20], $0x80, s31, s20, $0xb8;
	[tilespmem:$0x1E800] =	vst v63  }
0xb0: {  	_ =	swait.ge [sflag:s24], $0x4000  }
0xb1: {  	[sflag:s24] =	ssyncset.done $0x0  }
.Ltmp2:
0xb2: {  	s31 =	sadd.s32 $0x1480, s1;
	[sflag:s24] =	ssyncadd.s32 $0xFFFFC000;
	(pc) =	sbr.rel @p0 .LBB2_6-.Ltmp2, $4  }
0xb3: {  	[spmem:s2] =	stream.indirect.scatter.add.f32 [tilespmem:s23], [sflag:$0x3], $0x80, s31, s20, $0xb8;
	[tilespmem:$0x1E800] =	vst v63  }
0xb4: {  	_ =	swait.ge [sflag:s16], $0x4000  }
0xb5: {  	[sflag:s16] =	ssyncset.done $0x0  }
0xb6: {  	s31 =	sadd.s32 $0x100, s1;
	[sflag:s16] =	ssyncadd.s32 $0xFFFFC000  }
0xb7: {  	[tilespmem:s21], [sflag:$0x1] =	stream.indirect.gather [hbm4b:s6+s20], $0x80, s31, s20, $0xb8;
	[tilespmem:$0x1E800] =	vst v63  }
0xb8: {  	_ =	swait.ge [sflag:s22], $0x4000  }
0xb9: {  	[sflag:s22] =	ssyncset.done $0x0  }
0xba: {  	[sflag:s22] =	ssyncadd.s32 $0xFFFFC000  }
0xbb: {  	[spmem:s2] =	stream.indirect.scatter.add.f32 [tilespmem:s21], [sflag:$0x3], $0x80, s25, s20, $0xb8;
	[tilespmem:$0x1E800] =	vst v63  }
0xbc: {  	_ =	swait.ge [sflag:s16], $0x4000  }
0xbd: {  	[sflag:s16] =	ssyncset.done $0x0  }
0xbe: {  	[sflag:s16] =	ssyncadd.s32 $0xFFFFC000  }
0xbf: {  	[tilespmem:s23], [sflag:$0x2] =	stream.indirect.gather [hbm4b:s6+s20], $0x80, s26, s20, $0xb8;
	[tilespmem:$0x1E800] =	vst v63  }
0xc0: {  	_ =	swait.ge [sflag:s24], $0x4000  }
0xc1: {  	[sflag:s24] =	ssyncset.done $0x0  }
0xc2: {  	[sflag:s24] =	ssyncadd.s32 $0xFFFFC000  }
0xc3: {  	[spmem:s2] =	stream.indirect.scatter.add.f32 [tilespmem:s23], [sflag:$0x3], $0x80, s28, s20, $0xb8;
	[tilespmem:$0x1E800] =	vst v63  }
0xc4: {  	_ =	swait.ge [sflag:s16], $0x4000  }
0xc5: {  	[sflag:s16] =	ssyncset.done $0x0  }
0xc6: {  	[sflag:s16] =	ssyncadd.s32 $0xFFFFC000  }
0xc7: {  	[bflag:$0x0] =	sbarrier.arrive $0xFFFF  }
0xc8: {  	[hbm:s13], [sflag:s18] =	dma.local [spmem:s19], $0x2800  }
0xc9: {  	_ =	swait.ge [sflag:s16], $0x2800  }
0xca: {  	[sflag:s16] =	ssyncset.done $0x0  }
0xcb: {  	[sflag:s16] =	ssyncadd.s32 $0xFFFFD800  }
0xcc: {  	[spmem:s19], [sflag:s18] =	dma.local [hbm:s10], $0x2800  }
0xcd: {  	_ =	swait.ge [sflag:s16], $0x2800  }
0xce: {  	[sflag:s16] =	ssyncset.done $0x0  }
0xcf: {  	[sflag:s16] =	ssyncadd.s32 $0xFFFFD800  }
0xd0: {  	s1 =	simm.s32 $0x0;
	[bflag:$0x0] =	sbarrier.arrive $0xFFFF  }
0xd1: {  	[tilespmem:s21], [sflag:$0x1] =	stream.indirect.gather [hbm4b:s7+s20], $0x80, s1, s20, $0xb8;
	[tilespmem:$0x1E800] =	vst v63  }
0xd2: {  	_ =	swait.ge [sflag:s22], $0x4000  }
0xd3: {  	[sflag:s22] =	ssyncset.done $0x0  }
0xd4: {  	s1 =	simm.s32 $0x1400;
	[sflag:s22] =	ssyncadd.s32 $0xFFFFC000  }
0xd5: {  	[spmem:s2] =	stream.indirect.scatter.add.f32 [tilespmem:s21], [sflag:$0x3], $0x80, s1, s20, $0xb8;
	[tilespmem:$0x1E800] =	vst v63  }
0xd6: {  	_ =	swait.ge [sflag:s16], $0x4000  }
0xd7: {  	[sflag:s16] =	ssyncset.done $0x0  }
0xd8: {  	s1 =	simm.s32 $0x80;
	[sflag:s16] =	ssyncadd.s32 $0xFFFFC000  }
0xd9: {  	[tilespmem:s23], [sflag:$0x2] =	stream.indirect.gather [hbm4b:s7+s20], $0x80, s1, s20, $0xb8;
	[tilespmem:$0x1E800] =	vst v63  }
0xda: {  	_ =	swait.ge [sflag:s24], $0x4000  }
0xdb: {  	[sflag:s24] =	ssyncset.done $0x0  }
0xdc: {  	s1 =	simm.s32 $0x1480;
	[sflag:s24] =	ssyncadd.s32 $0xFFFFC000  }
0xdd: {  	[spmem:s2] =	stream.indirect.scatter.add.f32 [tilespmem:s23], [sflag:$0x3], $0x80, s1, s20, $0xb8;
	[tilespmem:$0x1E800] =	vst v63  }
0xde: {  	_ =	swait.ge [sflag:s16], $0x4000  }
0xdf: {  	[sflag:s16] =	ssyncset.done $0x0  }
0xe0: {  	s30 =	simm.s32 $0x400;
	s31 =	simm.s32 $0x100;
	[sflag:s16] =	ssyncadd.s32 $0xFFFFC000  }
.LBB2_8:
0xe1: {  	[tilespmem:s21], [sflag:$0x1] =	stream.indirect.gather [hbm4b:s7+s20], $0x80, s31, s20, $0xb8;
	[tilespmem:$0x1E800] =	vst v63  }
0xe2: {  	s1 =	smov.u32 s30  }
0xe3: {  	p0 =	sne.s32 s30, $0x4800;
	s30 =	sadd.s32 $0x400, s30;
	_ =	swait.ge [sflag:s22], $0x4000  }
0xe4: {  	s1 =	sshra.s32 s1, $0x2;
	[sflag:s22] =	ssyncset.done $0x0  }
0xe5: {  	s31 =	sadd.s32 $0x1400, s1;
	[sflag:s22] =	ssyncadd.s32 $0xFFFFC000  }
0xe6: {  	[spmem:s2] =	stream.indirect.scatter.add.f32 [tilespmem:s21], [sflag:$0x3], $0x80, s31, s20, $0xb8;
	[tilespmem:$0x1E800] =	vst v63  }
0xe7: {  	_ =	swait.ge [sflag:s16], $0x4000  }
0xe8: {  	[sflag:s16] =	ssyncset.done $0x0  }
0xe9: {  	s31 =	sadd.s32 $0x80, s1;
	[sflag:s16] =	ssyncadd.s32 $0xFFFFC000  }
0xea: {  	[tilespmem:s23], [sflag:$0x2] =	stream.indirect.gather [hbm4b:s7+s20], $0x80, s31, s20, $0xb8;
	[tilespmem:$0x1E800] =	vst v63  }
0xeb: {  	_ =	swait.ge [sflag:s24], $0x4000  }
0xec: {  	[sflag:s24] =	ssyncset.done $0x0  }
.Ltmp3:
0xed: {  	s31 =	sadd.s32 $0x1480, s1;
	[sflag:s24] =	ssyncadd.s32 $0xFFFFC000;
	(pc) =	sbr.rel @p0 .LBB2_8-.Ltmp3, $4  }
0xee: {  	[spmem:s2] =	stream.indirect.scatter.add.f32 [tilespmem:s23], [sflag:$0x3], $0x80, s31, s20, $0xb8;
	[tilespmem:$0x1E800] =	vst v63  }
0xef: {  	_ =	swait.ge [sflag:s16], $0x4000  }
0xf0: {  	[sflag:s16] =	ssyncset.done $0x0  }
0xf1: {  	s31 =	sadd.s32 $0x100, s1;
	[sflag:s16] =	ssyncadd.s32 $0xFFFFC000  }
0xf2: {  	[tilespmem:s21], [sflag:$0x1] =	stream.indirect.gather [hbm4b:s7+s20], $0x80, s31, s20, $0xb8;
	[tilespmem:$0x1E800] =	vst v63  }
0xf3: {  	_ =	swait.ge [sflag:s22], $0x4000  }
0xf4: {  	[sflag:s22] =	ssyncset.done $0x0  }
0xf5: {  	[sflag:s22] =	ssyncadd.s32 $0xFFFFC000  }
0xf6: {  	[spmem:s2] =	stream.indirect.scatter.add.f32 [tilespmem:s21], [sflag:$0x3], $0x80, s25, s20, $0xb8;
	[tilespmem:$0x1E800] =	vst v63  }
0xf7: {  	_ =	swait.ge [sflag:s16], $0x4000  }
0xf8: {  	[sflag:s16] =	ssyncset.done $0x0  }
0xf9: {  	[sflag:s16] =	ssyncadd.s32 $0xFFFFC000  }
0xfa: {  	[tilespmem:s23], [sflag:$0x2] =	stream.indirect.gather [hbm4b:s7+s20], $0x80, s26, s20, $0xb8;
	[tilespmem:$0x1E800] =	vst v63  }
0xfb: {  	_ =	swait.ge [sflag:s24], $0x4000  }
0xfc: {  	[sflag:s24] =	ssyncset.done $0x0  }
0xfd: {  	[sflag:s24] =	ssyncadd.s32 $0xFFFFC000  }
0xfe: {  	[spmem:s2] =	stream.indirect.scatter.add.f32 [tilespmem:s23], [sflag:$0x3], $0x80, s28, s20, $0xb8;
	[tilespmem:$0x1E800] =	vst v63  }
0xff: {  	_ =	swait.ge [sflag:s16], $0x4000  }
0x100: {  	s29 =	sadd.s32 $0x1, s29;
	[sflag:s16] =	ssyncset.done $0x0  }
0x101: {  	p0 =	sne.s32 s29, s15;
	[sflag:s16] =	ssyncadd.s32 $0xFFFFC000  }
.Ltmp4:
0x102: {  	[bflag:$0x0] =	sbarrier.arrive $0xFFFF;
	(pc) =	sbr.rel @p0 .LBB2_1-.Ltmp4, $4  }
0x103: {  	[hbm:s14], [sflag:s18] =	dma.local [spmem:s19], $0x2800  }
0x104: {  	_ =	swait.ge [sflag:s16], $0x2800  }
0x105: {  	[sflag:s16] =	ssyncset.done $0x0  }
0x106: {  	[sflag:s16] =	ssyncadd.s32 $0xFFFFD800  }
0x107: {  	_ =	sfence.sel $0x180000  }
0x108: {  	[bflag:$0x0] =	sbarrier.arrive $0xFFFF  }
0x109: {  	_ =	strace $0x9000004D  }
0x10a: {  	[bflag:$0x2] =	sbarrier.arrive $0xFFFF  }
0x10b: {  	p0 =	sne.s32 s0, $0x0;
	s0 =	rddreg [dreg:$0x2]  }
0x10c: {  	s0 =	sadd.s32 @!p0 $0x100000, s0  }
0x10d: {  	[sflag:s0] =	ssyncadd.tile.s32 @!p0 $0x1;
	_ =	shalt  }
.Lfunc_end2:
_tile_overlayer_lowered:
.L_overlay_start_2:
0x10e: {  	(tag) =	ssettag $0x2  }
0x10f: {  	s0 =	rddreg [dreg:$0x0];
	s2 =	stileid.u32  }
0x110: {  	s1 =	rddreg [dreg:$0x1];
	p0 =	sne.s32 s2, $0x0  }
0x111: {  	s3 =	rddreg [dreg:$0x2];
	[bflag:$0x3] =	sbarrier.arrive $0xFFFF;
	s2 =	simm.s32 @!p0 $0x1C03  }
0x112: {  	[timem:s3], [sflag:s2] =	dma.local @!p0 [hbm:s0], s1  }
0x113: {  	s0 =	simm.s32 @!p0 $0x3  }
0x114: {  	_ =	swait.ge @!p0 [sflag:s0], s1  }
0x115: {  	s1 =	ssub.s32 @!p0 $0x0, s1;
	[sflag:s0] =	ssyncset.done @!p0 $0x0  }
0x116: {  	[sflag:s0] =	ssyncadd.s32 @!p0 s1  }
0x117: {  	[bflag:$0x3] =	sbarrier.arrive $0xFFFF  }
0x118: {  	_ =	shalt  }

// kernel: kernel.18.cloned.1.call-start
scs
__scs_entry_jumppad:
0x0: {  	(pc) =	sbr.rel $0x88, $3  }
0x1: {  	(tag) =	ssettag $0x0;
	lr =	simm.s32 $0x1  }
0x2: {  	[smem:$0x3F96] =	sst lr;
	_ =	strace $0xD0000000  }
0x3: {  	_ = 	snop  }
0x4: {  	_ = 	snop  }
0x5: {  	_ = 	snop  }
0x6: {  	_ = 	snop  }
0x7: {  	_ = 	snop  }
__scs_overlays_trampoline_lowered:
0x8: {  	[smem:$0x3FA5] =	sst s0  }
0x9: {  	[smem:$0x3FA6] =	sst s1  }
0xa: {  	[smem:$0x3FA7] =	sst s2  }
0xb: {  	[smem:$0x3FA8] =	sst s3  }
0xc: {  	[smem:$0x3FA9] =	sst s4  }
0xd: {  	[smem:$0x3FAA] =	sst s5  }
0xe: {  	[smem:$0x3FAB] =	sst s6  }
0xf: {  	[smem:$0x3FAC] =	sst s7  }
0x10: {  	[smem:$0x3FAD] =	sst s8  }
0x11: {  	[smem:$0x3FAE] =	sst s9;
	s0 =	simm.s32 @!p0 $0x0  }
0x12: {  	s1 =	sld [smem:$0x3F94];
	s0 =	simm.s32 @p0 $0x1  }
0x13: {  	[smem:$0x3FAF] =	sst s0;
	s0 =	simm.s32 @!p1 $0x0  }
0x14: {  	s2 =	sld [smem:$0x3F93];
	s0 =	simm.s32 @p1 $0x1  }
0x15: {  	[smem:$0x3FB0] =	sst s0;
	s0 =	simm.s32 @!p2 $0x0  }
0x16: {  	s3 =	sld [smem:$0x3FDB];
	s0 =	simm.s32 @p2 $0x1  }
0x17: {  	s4 =	simm.s32 $0x1BF5;
	[smem:$0x3FB2] =	sst s0  }
0x18: {  	s0 =	sld [smem:$0x3F95];
	_ =	swait.ge [sflag:s4], $0x0  }
0x19: {  	s7 =	sld [smem:$0x3F96]  }
0x1a: {  	s8 =	sadd.s32 $0xFFFFE003, lr  }
0x1b: {  	s9 =	sadd.s32 $0xFFFFFEF7, lr;
	s5 =	simm.s32 $0xFFFFFFFF;
	p2 =	slt.u32 s8, $0xFFFFF086  }
0x1c: {  	p1 =	slt.u32 s9, $0xF7A;
	s5 =	simm.s32 @!p2 $0x0  }
0x1d: {  	s5 =	simm.s32 @p1 $0x1;
	p0 =	seq.s32 s7, s2  }
0x1e: {  	s7 =	smul.u32 @!p0 $0xF7A, s2;
	p2 =	seq.s32 @!p0 s5, $0x0  }
0x1f: {  	s9 =	smul.u32 $0xF7A, s1;
	s8 =	simm.s32 @!p0 $0x1BF5;
	p2 =	por !p2, p0  }
0x20: {  	[sflag:s8] =	ssyncset.s32 @!p0 $0xFFFFF086;
	s6 =	sadd.s32 @!p0 s3, s7;
	s7 =	simm.s32 @!p0 $0x108  }
0x21: {  	s3 =	sadd.s32 s3, s9;
	s6 =	sadd.s32 @!p0 $0x88, s6;
	s7 =	simm.s32 @p2 $0x1082  }
0x22: {  	[simem:s7], [sflag:s8] =	dma.local @!p0 [hbm:s6], $0xF7A  }
0x23: {  	s9 =	sor.u32 $0xD0000000, s2;
	s6 =	simm.s32 $0x108;
	_ =	swait.ge @!p0 [sflag:s8], $0x0  }
0x24: {  	s3 =	sadd.s32 $0x88, s3;
	s6 =	simm.s32 @!p1 $0x1082;
	[sflag:s4] =	ssyncset.s32 $0xFFFFF086  }
0x25: {  	[simem:s6], [sflag:s4] =	dma.local [hbm:s3], $0xF7A  }
0x26: {  	[smem:$0x3F96] =	sst s1;
	(tag) =	ssettag s2;
	_ =	strace s9  }
0x27: {  	s1 =	sld [smem:$0x3FA6]  }
0x28: {  	s2 =	sld [smem:$0x3FA7]  }
0x29: {  	s4 =	sld [smem:$0x3FA9]  }
0x2a: {  	p0 =	seq.s32 s5, $0x0;
	s5 =	sld [smem:$0x3FAA]  }
0x2b: {  	s6 =	sld [smem:$0x3FAB]  }
0x2c: {  	s7 =	sld [smem:$0x3FAC]  }
0x2d: {  	s3 =	simm.s32 $0x108;
	s8 =	sld [smem:$0x3FAD]  }
0x2e: {  	s3 =	simm.s32 @!p0 $0x1082;
	s9 =	sld [smem:$0x3FAE]  }
0x2f: {  	lr =	sadd.s32 s0, s3;
	s0 =	sld [smem:$0x3FA5]  }
0x30: {  	s3 =	sld [smem:$0x3FA8]  }
0x31: {  	[smem:$0x3FB1] =	sst s10  }
0x32: {  	s10 =	sld [smem:$0x3FAF];
	_ =	sdelay $0x3  }
0x33: {  	p0 =	seq.s32 s10, $0x1;
	s10 =	sld [smem:$0x3FB1];
	_ =	sdelay $0x3  }
0x34: {  	[smem:$0x3FB1] =	sst s10  }
0x35: {  	s10 =	sld [smem:$0x3FB0];
	_ =	sdelay $0x3  }
0x36: {  	p1 =	seq.s32 s10, $0x1;
	s10 =	sld [smem:$0x3FB1];
	_ =	sdelay $0x3  }
0x37: {  	[smem:$0x3FB1] =	sst s10  }
0x38: {  	s10 =	sld [smem:$0x3FB2]  }
0x39: {  	_ = 	snop;
	(pc) =	sbr.ind lr, $3  }
0x3a: {  	_ = 	snop  }
0x3b: {  	_ = 	snop  }
0x3c: {  	p2 =	seq.s32 s10, $0x1;
	s10 =	sld [smem:$0x3FB1]  }
0x3d: {  	_ =	shalt  }
0x3e: {  	_ =	shalt  }
0x3f: {  	_ =	shalt  }
0x40: {  	_ =	shalt  }
0x41: {  	_ =	shalt  }
0x42: {  	_ =	shalt  }
0x43: {  	_ =	shalt  }
0x44: {  	_ =	shalt  }
0x45: {  	_ =	shalt  }
0x46: {  	_ =	shalt  }
0x47: {  	_ =	shalt  }
0x48: {  	_ =	shalt  }
0x49: {  	_ =	shalt  }
0x4a: {  	_ =	shalt  }
0x4b: {  	_ =	shalt  }
0x4c: {  	_ =	shalt  }
0x4d: {  	_ =	shalt  }
0x4e: {  	_ =	shalt  }
0x4f: {  	_ =	shalt  }
0x50: {  	_ =	shalt  }
0x51: {  	_ =	shalt  }
0x52: {  	_ =	shalt  }
0x53: {  	_ =	shalt  }
0x54: {  	_ =	shalt  }
0x55: {  	_ =	shalt  }
0x56: {  	_ =	shalt  }
0x57: {  	_ =	shalt  }
0x58: {  	_ =	shalt  }
0x59: {  	_ =	shalt  }
0x5a: {  	_ =	shalt  }
0x5b: {  	_ =	shalt  }
0x5c: {  	_ =	shalt  }
0x5d: {  	_ =	shalt  }
0x5e: {  	_ =	shalt  }
0x5f: {  	_ =	shalt  }
0x60: {  	_ =	shalt  }
0x61: {  	_ =	shalt  }
0x62: {  	_ =	shalt  }
0x63: {  	_ =	shalt  }
0x64: {  	_ =	shalt  }
0x65: {  	_ =	shalt  }
0x66: {  	_ =	shalt  }
0x67: {  	_ =	shalt  }
0x68: {  	_ =	shalt  }
0x69: {  	_ =	shalt  }
0x6a: {  	_ =	shalt  }
0x6b: {  	_ =	shalt  }
0x6c: {  	_ =	shalt  }
0x6d: {  	_ =	shalt  }
0x6e: {  	_ =	shalt  }
0x6f: {  	_ =	shalt  }
0x70: {  	_ =	shalt  }
0x71: {  	_ =	shalt  }
0x72: {  	_ =	shalt  }
0x73: {  	_ =	shalt  }
0x74: {  	_ =	shalt  }
0x75: {  	_ =	shalt  }
0x76: {  	_ =	shalt  }
0x77: {  	_ =	shalt  }
0x78: {  	_ =	shalt  }
0x79: {  	_ =	shalt  }
0x7a: {  	_ =	shalt  }
0x7b: {  	_ =	shalt  }
0x7c: {  	_ =	shalt  }
0x7d: {  	_ =	shalt  }
0x7e: {  	_ =	shalt  }
0x7f: {  	_ =	shalt  }
0x80: {  	_ =	shalt  }
0x81: {  	_ =	shalt  }
0x82: {  	_ =	shalt  }
0x83: {  	_ =	shalt  }
0x84: {  	_ =	shalt  }
0x85: {  	_ =	shalt  }
0x86: {  	_ =	shalt  }
0x87: {  	_ =	shalt  }
.Lfunc_end0:
.L_simem_size_0:
called_computation.3_lowered:
.L_overlay_start_0:
0x88: {  	s2 =	sld [smem:$0x3FD9]  }
0x89: {  	s3 =	sld [smem:$0x3FFE];
	_ =	sdelay $0x1  }
0x8a: {  	s1 =	srdreg.scid  }
0x8b: {  	s0 =	sand.u32 $0x1, s1  }
0x8c: {  	s16 =	sshll.u32 s0, $0xA;
	s2 =	sadd.s32 s3, s2  }
0x8d: {  	s2 =	sadd.s32 s2, s16  }
0x8e: {  	[smem:$0x3FBD] =	sst s2  }
0x8f: {  	_ = 	snop  }
0x90: {  	(tm) =	ssettm $0x1  }
0x91: {  	s17 =	sld [smem:$0x3FFB];
	_ =	sdelay $0x3  }
0x92: {  	_ =	strace s17  }
0x93: {  	s2 =	sld [smem:$0x3FFC];
	_ =	sdelay $0x3  }
0x94: {  	_ =	strace s2  }
0x95: {  	s2 =	sld [smem:$0x3FFD];
	_ =	sdelay $0x3  }
0x96: {  	_ =	strace s2  }
0x97: {  	_ =	strace $0x8FFFFFFF  }
0x98: {  	s18 =	sld [smem:$0x3FDB];
	_ =	sdelay $0x1  }
0x99: {  	s19 =	simm.s32 $_scs_section_size  }
0x9a: {  	s4 =	simm.s32 $_size__tile_overlayer_lowered;
	s5 =	simm.s32 $_tile_overlayer_lowered  }
0x9b: {  	s22 =	simm.s32 $0x1BFF;
	s21 =	sshll.u32 s5, $0x1;
	s2 =	sadd.s32 s19, s18  }
0x9c: {  	s6 =	simm.s32 $0x0;
	s20 =	sshll.u32 s4, $0x1;
	s4 =	sadd.s32 s21, s2  }
0x9d: {  	[timem:s6], [sflag:s22] =	dma.local [hbm:s4], s20  }
0x9e: {  	_ =	swait.ge [sflag:s22], s20  }
0x9f: {  	s3 =	ssub.s32 $0x0, s20;
	[sflag:s22] =	ssyncset.done $0x0  }
0xa0: {  	[sflag:s22] =	ssyncadd.s32 s3;
	_ =	sdelay $0x1  }
0xa1: {  	s23 =	simm.s32 $0x1B8B  }
0xa2: {  	_ =	swait.ge [sflag:s23], $0x1  }
0xa3: {  	[sflag:s23] =	ssyncset.done $0x0  }
0xa4: {  	s25 =	simm.s32 $0x1B8E;
	s24 =	sld [smem:$0x3FFE];
	[sflag:s23] =	ssyncadd.s32 $0xFFFFFFFF  }
0xa5: {  	s26 =	simm.s32 $execute0_lowered;
	[smem:$0x3FD2] =	sst s25  }
0xa6: {  	s4 =	sshll.u32 s26, $0x1;
	_ =	strace $0x8000004F;
	[dreg:$0x1] =	wrdreg $0xFFFFFFFF  }
0xa7: {  	s28 =	simm.s32 $_size_execute0_lowered;
	s2 =	sadd.s32 s2, s4;
	[dreg:$0x0] =	wrdreg $0x0  }
0xa8: {  	s4 =	sshll.u32 s28, $0x1;
	[dreg:$0x2] =	wrdreg s2  }
0xa9: {  	[dreg:$0x3] =	wrdreg s4  }
0xaa: {  	[dreg:$0x4] =	wrdreg $0xC0  }
0xab: {  	_ =	task [dreg:s6], $0x5FFFF  }
0xac: {  	[dreg:$0x1] =	wrdreg $0xFFFFFFFF  }
0xad: {  	[dreg:$0x0] =	wrdreg $0x60  }
0xae: {  	[dreg:$0x2] =	wrdreg s24  }
0xaf: {  	[dreg:$0x3] =	wrdreg $0xA8000  }
0xb0: {  	[dreg:$0x4] =	wrdreg $0x9  }
0xb1: {  	_ =	task.clear_ibuf [dreg:s6], $0x5FFFF;
	_ =	strace $0x9000004F  }
0xb2: {  	s29 =	simm.s32 $0x9;
	_ =	strace $0x80000051  }
0xb3: {  	_ =	swait.ge [sflag:s29], $0x1  }
0xb4: {  	[sflag:s29] =	ssyncadd.s32 $0xFFFFFFFF  }
0xb5: {  	_ =	strace $0x90000051  }
0xb6: {  	_ =	sfence  }
0xb7: {  	s30 =	sld [smem:$0x0];
	_ =	sdelay $0x2  }
0xb8: {  	s31 =	sshll.u32 s1, $0xD;
	s1 =	sshrl.u32 s1, $0x2  }
0xb9: {  	s3 =	sand.u32 $0x4000, s31;
	s1 =	sadd.s32 s1, s30  }
0xba: {  	s0 =	sor.u32 s3, s0;
	s1 =	sshll.u32 s1, $0x11  }
0xbb: {  	s0 =	sor.u32 s1, s0  }
0xbc: {  	s0 =	sadd.s32 $0x8F2B, s0  }
0xbd: {  	[sflag:s0] =	ssyncadd.remote.s32 $0x1  }
0xbe: {  	_ =	sfence.sel $0xFFFF  }
0xbf: {  	[dreg:$0x0] =	wrdreg $0xFFFFFFFF;
	(pc) =	sbr.abs _section_cstart, $3  }
0xc0: {  	[dreg:$0x1] =	wrdreg $0xFFFFFFFF  }
0xc1: {  	_ =	task.clear_ibuf [dreg:s6], $0x2FFFF;
	_ =	strace $0x9FFFFFFF  }
0xc2: {  	(tm) =	ssettm $0x7FFFFFFF  }
0xc3: {  	_ =	shalt  }
tec
execute0_lowered:
.L_overlay_start_1:
0x0: {  	(tag) =	ssettag $0x1  }
0x1: {  	s5 =	rddreg [dreg:$0x0]  }
0x2: {  	s0 =	srdreg.scid;
	s2 =	rddreg [dreg:$0x1];
	s3 =	simm.s32 $0x0  }
0x3: {  	s14 =	simm.s32 $0x80;
	s15 =	simm.s32 $0x2800;
	s16 =	simm.s32 $0x1  }
0x4: {  	s17 =	simm.s32 $0x6800;
	s18 =	simm.s32 $0x2;
	s19 =	simm.s32 $0x2700  }
0x5: {  	s20 =	simm.s32 $0x1380;
	s4 =	sand.u32 $0x1, s0;
	s0 =	stileid.u32  }
0x6: {  	s21 =	simm.s32 $0x2780;
	s22 =	simm.s32 $0x0;
	s7 =	smul.u32 $0x14000, s0  }
0x7: {  	[smem:$0x7FF] =	sst s3;
	s1 =	sshll.u32 s4, $0x4;
	s8 =	smul.u32 $0x140000, s4  }
0x8: {  	s29 =	ssub.s32 $0x2, s4;
	s11 =	smul.u32 $0x50000, s0;
	s4 =	sadd.s32 $0x31400, s5  }
0x9: {  	s31 =	sshll.u32 s0, $0x6;
	s1 =	sor.u32 s0, s1;
	s10 =	sshrl.u32 s29, $0x1  }
0xa: {  	s6 =	smul.u32 $0x280, s1;
	s1 =	rddreg [dreg:$0x2];
	_ =	strace $0x80000050  }
0xb: {  	s9 =	sshrl.u32 s7, $0x3;
	s7 =	sadd.s32 s7, s8;
	s10 =	ssub.s32 s29, s10  }
0xc: {  	s30 =	sshrl.u32 s11, $0x2;
	s11 =	simm.s32 $0x1400;
	s9 =	sadd.s32 s9, s5  }
0xd: {  	s7 =	sshrl.u32 s7, $0x3;
	s13 =	sadd.s32 s30, s2;
	s6 =	sadd.s32 s6, s5  }
0xe: {  	s12 =	sadd.s32 s7, s5;
	s7 =	sadd.s32 $0x9400, s9;
	s9 =	smax.u32 s10, $0x1  }
0xf: {  	s10 =	simm.s32 $0x3;
	s13 =	sshrl.u32 s13, $0x3;
	s5 =	sadd.s32 $0x81400, s6  }
0x10: {  	s6 =	sadd.s32 $0x86400, s6;
	s8 =	sadd.s32 $0x8B400, s12;
	s12 =	sor.u32 $0x1C03, s31  }
.LBB2_1:
0x11: {  	[tilespmem:s3], [sflag:$0x3] =	stream.linear.gather [hbm4b:s5+s3], $0x1400, $0x38;
	[tilespmem:$0x1E800] =	vst v63  }
0x12: {  	_ =	swait.ge [sflag:s10], $0x1400  }
0x13: {  	[sflag:s10] =	ssyncset.done $0x0  }
0x14: {  	[sflag:s10] =	ssyncadd.s32 $0xFFFFEC00  }
0x15: {  	[tilespmem:s11], [sflag:$0x3] =	stream.linear.gather [hbm4b:s6+s3], $0x1400, $0x38;
	[tilespmem:$0x1E800] =	vst v63  }
0x16: {  	_ =	swait.ge [sflag:s10], $0x1400  }
0x17: {  	[sflag:s10] =	ssyncset.done $0x0  }
0x18: {  	[sflag:s10] =	ssyncadd.s32 $0xFFFFEC00  }
0x19: {  	[spmem:s13], [sflag:s12] =	dma.local [hbm:s7], $0x2800  }
0x1a: {  	_ =	swait.ge [sflag:s10], $0x2800  }
0x1b: {  	[sflag:s10] =	ssyncset.done $0x0  }
0x1c: {  	[sflag:s10] =	ssyncadd.s32 $0xFFFFD800  }
0x1d: {  	[bflag:$0x0] =	sbarrier.arrive $0xFFFF  }
0x1e: {  	[tilespmem:s15], [sflag:$0x1] =	stream.indirect.gather [hbm4b:s4+s14], $0x80, s3, s14, $0xb8;
	[tilespmem:$0x1E800] =	vst v63  }
0x1f: {  	_ =	swait.ge [sflag:s16], $0x4000  }
0x20: {  	[sflag:s16] =	ssyncset.done $0x0  }
0x21: {  	s23 =	simm.s32 $0x1400;
	[sflag:s16] =	ssyncadd.s32 $0xFFFFC000  }
0x22: {  	[spmem:s2] =	stream.indirect.scatter.add.f32 [tilespmem:s15], [sflag:$0x3], $0x80, s23, s14, $0xb8;
	[tilespmem:$0x1E800] =	vst v63  }
0x23: {  	_ =	swait.ge [sflag:s10], $0x4000  }
0x24: {  	[sflag:s10] =	ssyncset.done $0x0  }
0x25: {  	s30 =	simm.s32 $0x80;
	[sflag:s10] =	ssyncadd.s32 $0xFFFFC000  }
0x26: {  	[tilespmem:s17], [sflag:$0x2] =	stream.indirect.gather [hbm4b:s4+s14], $0x80, s30, s14, $0xb8;
	[tilespmem:$0x1E800] =	vst v63  }
0x27: {  	_ =	swait.ge [sflag:s18], $0x4000  }
0x28: {  	[sflag:s18] =	ssyncset.done $0x0  }
0x29: {  	s31 =	simm.s32 $0x1480;
	[sflag:s18] =	ssyncadd.s32 $0xFFFFC000  }
0x2a: {  	[spmem:s2] =	stream.indirect.scatter.add.f32 [tilespmem:s17], [sflag:$0x3], $0x80, s31, s14, $0xb8;
	[tilespmem:$0x1E800] =	vst v63  }
0x2b: {  	_ =	swait.ge [sflag:s10], $0x4000  }
0x2c: {  	[sflag:s10] =	ssyncset.done $0x0  }
0x2d: {  	s24 =	simm.s32 $0x100;
	s23 =	simm.s32 $0x400;
	[sflag:s10] =	ssyncadd.s32 $0xFFFFC000  }
.LBB2_2:
0x2e: {  	[tilespmem:s15], [sflag:$0x1] =	stream.indirect.gather [hbm4b:s4+s14], $0x80, s24, s14, $0xb8;
	[tilespmem:$0x1E800] =	vst v63  }
0x2f: {  	s24 =	smov.u32 s23  }
0x30: {  	p0 =	sne.s32 s23, $0x4800;
	s23 =	sadd.s32 $0x400, s23;
	_ =	swait.ge [sflag:s16], $0x4000  }
0x31: {  	s24 =	sshra.s32 s24, $0x2;
	[sflag:s16] =	ssyncset.done $0x0  }
0x32: {  	s25 =	sadd.s32 $0x1400, s24;
	[sflag:s16] =	ssyncadd.s32 $0xFFFFC000  }
0x33: {  	[spmem:s2] =	stream.indirect.scatter.add.f32 [tilespmem:s15], [sflag:$0x3], $0x80, s25, s14, $0xb8;
	[tilespmem:$0x1E800] =	vst v63  }
0x34: {  	_ =	swait.ge [sflag:s10], $0x4000  }
0x35: {  	[sflag:s10] =	ssyncset.done $0x0  }
0x36: {  	s25 =	sadd.s32 $0x80, s24;
	[sflag:s10] =	ssyncadd.s32 $0xFFFFC000  }
0x37: {  	[tilespmem:s17], [sflag:$0x2] =	stream.indirect.gather [hbm4b:s4+s14], $0x80, s25, s14, $0xb8;
	[tilespmem:$0x1E800] =	vst v63  }
0x38: {  	_ =	swait.ge [sflag:s18], $0x4000  }
0x39: {  	[sflag:s18] =	ssyncset.done $0x0  }
.Ltmp0:
0x3a: {  	s25 =	sadd.s32 $0x1480, s24;
	[sflag:s18] =	ssyncadd.s32 $0xFFFFC000;
	(pc) =	sbr.rel @p0 .LBB2_2-.Ltmp0, $4  }
0x3b: {  	[spmem:s2] =	stream.indirect.scatter.add.f32 [tilespmem:s17], [sflag:$0x3], $0x80, s25, s14, $0xb8;
	[tilespmem:$0x1E800] =	vst v63  }
0x3c: {  	_ =	swait.ge [sflag:s10], $0x4000  }
0x3d: {  	[sflag:s10] =	ssyncset.done $0x0  }
0x3e: {  	s24 =	sadd.s32 $0x100, s24;
	[sflag:s10] =	ssyncadd.s32 $0xFFFFC000  }
0x3f: {  	[tilespmem:s15], [sflag:$0x1] =	stream.indirect.gather [hbm4b:s4+s14], $0x80, s24, s14, $0xb8;
	[tilespmem:$0x1E800] =	vst v63  }
0x40: {  	_ =	swait.ge [sflag:s16], $0x4000  }
0x41: {  	[sflag:s16] =	ssyncset.done $0x0  }
0x42: {  	[sflag:s16] =	ssyncadd.s32 $0xFFFFC000  }
0x43: {  	[spmem:s2] =	stream.indirect.scatter.add.f32 [tilespmem:s15], [sflag:$0x3], $0x80, s19, s14, $0xb8;
	[tilespmem:$0x1E800] =	vst v63  }
0x44: {  	_ =	swait.ge [sflag:s10], $0x4000  }
0x45: {  	[sflag:s10] =	ssyncset.done $0x0  }
0x46: {  	[sflag:s10] =	ssyncadd.s32 $0xFFFFC000  }
0x47: {  	[tilespmem:s17], [sflag:$0x2] =	stream.indirect.gather [hbm4b:s4+s14], $0x80, s20, s14, $0xb8;
	[tilespmem:$0x1E800] =	vst v63  }
0x48: {  	_ =	swait.ge [sflag:s18], $0x4000  }
0x49: {  	[sflag:s18] =	ssyncset.done $0x0  }
0x4a: {  	[sflag:s18] =	ssyncadd.s32 $0xFFFFC000  }
0x4b: {  	[spmem:s2] =	stream.indirect.scatter.add.f32 [tilespmem:s17], [sflag:$0x3], $0x80, s21, s14, $0xb8;
	[tilespmem:$0x1E800] =	vst v63  }
0x4c: {  	_ =	swait.ge [sflag:s10], $0x4000  }
0x4d: {  	s22 =	sadd.s32 $0x1, s22;
	[sflag:s10] =	ssyncset.done $0x0  }
0x4e: {  	p0 =	sne.s32 s22, s9;
	[sflag:s10] =	ssyncadd.s32 $0xFFFFC000  }
.Ltmp1:
0x4f: {  	[bflag:$0x0] =	sbarrier.arrive $0xFFFF;
	(pc) =	sbr.rel @p0 .LBB2_1-.Ltmp1, $4  }
0x50: {  	[hbm:s8], [sflag:s12] =	dma.local [spmem:s13], $0x2800  }
0x51: {  	_ =	swait.ge [sflag:s10], $0x2800  }
0x52: {  	[sflag:s10] =	ssyncset.done $0x0  }
0x53: {  	[sflag:s10] =	ssyncadd.s32 $0xFFFFD800  }
0x54: {  	_ =	sfence.sel $0x180000  }
0x55: {  	[bflag:$0x0] =	sbarrier.arrive $0xFFFF  }
0x56: {  	p0 =	sne.s32 s0, $0x0;
	_ =	strace $0x90000050  }
0x57: {  	s0 =	sadd.s32 @!p0 $0x100000, s1;
	[bflag:$0x2] =	sbarrier.arrive $0xFFFF  }
0x58: {  	[sflag:s0] =	ssyncadd.tile.s32 @!p0 $0x1;
	_ =	shalt  }
.Lfunc_end2:
_tile_overlayer_lowered:
.L_overlay_start_2:
0x59: {  	(tag) =	ssettag $0x2  }
0x5a: {  	s0 =	rddreg [dreg:$0x0];
	s2 =	stileid.u32  }
0x5b: {  	s1 =	rddreg [dreg:$0x1];
	p0 =	sne.s32 s2, $0x0  }
0x5c: {  	s3 =	rddreg [dreg:$0x2];
	[bflag:$0x3] =	sbarrier.arrive $0xFFFF;
	s2 =	simm.s32 @!p0 $0x1C03  }
0x5d: {  	[timem:s3], [sflag:s2] =	dma.local @!p0 [hbm:s0], s1  }
0x5e: {  	s0 =	simm.s32 @!p0 $0x3  }
0x5f: {  	_ =	swait.ge @!p0 [sflag:s0], s1  }
0x60: {  	s1 =	ssub.s32 @!p0 $0x0, s1;
	[sflag:s0] =	ssyncset.done @!p0 $0x0  }
0x61: {  	[sflag:s0] =	ssyncadd.s32 @!p0 s1  }
0x62: {  	[bflag:$0x3] =	sbarrier.arrive $0xFFFF  }
0x63: {  	_ =	shalt  }

// kernel: kernel.9.cloned.1.call-start
scs
__scs_entry_jumppad:
0x0: {  	(pc) =	sbr.rel $0x88, $3  }
0x1: {  	(tag) =	ssettag $0x0;
	lr =	simm.s32 $0x1  }
0x2: {  	[smem:$0x3F96] =	sst lr;
	_ =	strace $0xD0000000  }
0x3: {  	_ = 	snop  }
0x4: {  	_ = 	snop  }
0x5: {  	_ = 	snop  }
0x6: {  	_ = 	snop  }
0x7: {  	_ = 	snop  }
__scs_overlays_trampoline_lowered:
0x8: {  	[smem:$0x3FA5] =	sst s0  }
0x9: {  	[smem:$0x3FA6] =	sst s1  }
0xa: {  	[smem:$0x3FA7] =	sst s2  }
0xb: {  	[smem:$0x3FA8] =	sst s3  }
0xc: {  	[smem:$0x3FA9] =	sst s4  }
0xd: {  	[smem:$0x3FAA] =	sst s5  }
0xe: {  	[smem:$0x3FAB] =	sst s6  }
0xf: {  	[smem:$0x3FAC] =	sst s7  }
0x10: {  	[smem:$0x3FAD] =	sst s8  }
0x11: {  	[smem:$0x3FAE] =	sst s9;
	s0 =	simm.s32 @!p0 $0x0  }
0x12: {  	s1 =	sld [smem:$0x3F94];
	s0 =	simm.s32 @p0 $0x1  }
0x13: {  	[smem:$0x3FAF] =	sst s0;
	s0 =	simm.s32 @!p1 $0x0  }
0x14: {  	s2 =	sld [smem:$0x3F93];
	s0 =	simm.s32 @p1 $0x1  }
0x15: {  	[smem:$0x3FB0] =	sst s0;
	s0 =	simm.s32 @!p2 $0x0  }
0x16: {  	s3 =	sld [smem:$0x3FDB];
	s0 =	simm.s32 @p2 $0x1  }
0x17: {  	s4 =	simm.s32 $0x1BF5;
	[smem:$0x3FB2] =	sst s0  }
0x18: {  	s0 =	sld [smem:$0x3F95];
	_ =	swait.ge [sflag:s4], $0x0  }
0x19: {  	s7 =	sld [smem:$0x3F96]  }
0x1a: {  	s8 =	sadd.s32 $0xFFFFE003, lr  }
0x1b: {  	s9 =	sadd.s32 $0xFFFFFEF7, lr;
	s5 =	simm.s32 $0xFFFFFFFF;
	p2 =	slt.u32 s8, $0xFFFFF086  }
0x1c: {  	p1 =	slt.u32 s9, $0xF7A;
	s5 =	simm.s32 @!p2 $0x0  }
0x1d: {  	s5 =	simm.s32 @p1 $0x1;
	p0 =	seq.s32 s7, s2  }
0x1e: {  	s7 =	smul.u32 @!p0 $0xF7A, s2;
	p2 =	seq.s32 @!p0 s5, $0x0  }
0x1f: {  	s9 =	smul.u32 $0xF7A, s1;
	s8 =	simm.s32 @!p0 $0x1BF5;
	p2 =	por !p2, p0  }
0x20: {  	[sflag:s8] =	ssyncset.s32 @!p0 $0xFFFFF086;
	s6 =	sadd.s32 @!p0 s3, s7;
	s7 =	simm.s32 @!p0 $0x108  }
0x21: {  	s3 =	sadd.s32 s3, s9;
	s6 =	sadd.s32 @!p0 $0x88, s6;
	s7 =	simm.s32 @p2 $0x1082  }
0x22: {  	[simem:s7], [sflag:s8] =	dma.local @!p0 [hbm:s6], $0xF7A  }
0x23: {  	s9 =	sor.u32 $0xD0000000, s2;
	s6 =	simm.s32 $0x108;
	_ =	swait.ge @!p0 [sflag:s8], $0x0  }
0x24: {  	s3 =	sadd.s32 $0x88, s3;
	s6 =	simm.s32 @!p1 $0x1082;
	[sflag:s4] =	ssyncset.s32 $0xFFFFF086  }
0x25: {  	[simem:s6], [sflag:s4] =	dma.local [hbm:s3], $0xF7A  }
0x26: {  	[smem:$0x3F96] =	sst s1;
	(tag) =	ssettag s2;
	_ =	strace s9  }
0x27: {  	s1 =	sld [smem:$0x3FA6]  }
0x28: {  	s2 =	sld [smem:$0x3FA7]  }
0x29: {  	s4 =	sld [smem:$0x3FA9]  }
0x2a: {  	p0 =	seq.s32 s5, $0x0;
	s5 =	sld [smem:$0x3FAA]  }
0x2b: {  	s6 =	sld [smem:$0x3FAB]  }
0x2c: {  	s7 =	sld [smem:$0x3FAC]  }
0x2d: {  	s3 =	simm.s32 $0x108;
	s8 =	sld [smem:$0x3FAD]  }
0x2e: {  	s3 =	simm.s32 @!p0 $0x1082;
	s9 =	sld [smem:$0x3FAE]  }
0x2f: {  	lr =	sadd.s32 s0, s3;
	s0 =	sld [smem:$0x3FA5]  }
0x30: {  	s3 =	sld [smem:$0x3FA8]  }
0x31: {  	[smem:$0x3FB1] =	sst s10  }
0x32: {  	s10 =	sld [smem:$0x3FAF];
	_ =	sdelay $0x3  }
0x33: {  	p0 =	seq.s32 s10, $0x1;
	s10 =	sld [smem:$0x3FB1];
	_ =	sdelay $0x3  }
0x34: {  	[smem:$0x3FB1] =	sst s10  }
0x35: {  	s10 =	sld [smem:$0x3FB0];
	_ =	sdelay $0x3  }
0x36: {  	p1 =	seq.s32 s10, $0x1;
	s10 =	sld [smem:$0x3FB1];
	_ =	sdelay $0x3  }
0x37: {  	[smem:$0x3FB1] =	sst s10  }
0x38: {  	s10 =	sld [smem:$0x3FB2]  }
0x39: {  	_ = 	snop;
	(pc) =	sbr.ind lr, $3  }
0x3a: {  	_ = 	snop  }
0x3b: {  	_ = 	snop  }
0x3c: {  	p2 =	seq.s32 s10, $0x1;
	s10 =	sld [smem:$0x3FB1]  }
0x3d: {  	_ =	shalt  }
0x3e: {  	_ =	shalt  }
0x3f: {  	_ =	shalt  }
0x40: {  	_ =	shalt  }
0x41: {  	_ =	shalt  }
0x42: {  	_ =	shalt  }
0x43: {  	_ =	shalt  }
0x44: {  	_ =	shalt  }
0x45: {  	_ =	shalt  }
0x46: {  	_ =	shalt  }
0x47: {  	_ =	shalt  }
0x48: {  	_ =	shalt  }
0x49: {  	_ =	shalt  }
0x4a: {  	_ =	shalt  }
0x4b: {  	_ =	shalt  }
0x4c: {  	_ =	shalt  }
0x4d: {  	_ =	shalt  }
0x4e: {  	_ =	shalt  }
0x4f: {  	_ =	shalt  }
0x50: {  	_ =	shalt  }
0x51: {  	_ =	shalt  }
0x52: {  	_ =	shalt  }
0x53: {  	_ =	shalt  }
0x54: {  	_ =	shalt  }
0x55: {  	_ =	shalt  }
0x56: {  	_ =	shalt  }
0x57: {  	_ =	shalt  }
0x58: {  	_ =	shalt  }
0x59: {  	_ =	shalt  }
0x5a: {  	_ =	shalt  }
0x5b: {  	_ =	shalt  }
0x5c: {  	_ =	shalt  }
0x5d: {  	_ =	shalt  }
0x5e: {  	_ =	shalt  }
0x5f: {  	_ =	shalt  }
0x60: {  	_ =	shalt  }
0x61: {  	_ =	shalt  }
0x62: {  	_ =	shalt  }
0x63: {  	_ =	shalt  }
0x64: {  	_ =	shalt  }
0x65: {  	_ =	shalt  }
0x66: {  	_ =	shalt  }
0x67: {  	_ =	shalt  }
0x68: {  	_ =	shalt  }
0x69: {  	_ =	shalt  }
0x6a: {  	_ =	shalt  }
0x6b: {  	_ =	shalt  }
0x6c: {  	_ =	shalt  }
0x6d: {  	_ =	shalt  }
0x6e: {  	_ =	shalt  }
0x6f: {  	_ =	shalt  }
0x70: {  	_ =	shalt  }
0x71: {  	_ =	shalt  }
0x72: {  	_ =	shalt  }
0x73: {  	_ =	shalt  }
0x74: {  	_ =	shalt  }
0x75: {  	_ =	shalt  }
0x76: {  	_ =	shalt  }
0x77: {  	_ =	shalt  }
0x78: {  	_ =	shalt  }
0x79: {  	_ =	shalt  }
0x7a: {  	_ =	shalt  }
0x7b: {  	_ =	shalt  }
0x7c: {  	_ =	shalt  }
0x7d: {  	_ =	shalt  }
0x7e: {  	_ =	shalt  }
0x7f: {  	_ =	shalt  }
0x80: {  	_ =	shalt  }
0x81: {  	_ =	shalt  }
0x82: {  	_ =	shalt  }
0x83: {  	_ =	shalt  }
0x84: {  	_ =	shalt  }
0x85: {  	_ =	shalt  }
0x86: {  	_ =	shalt  }
0x87: {  	_ =	shalt  }
.Lfunc_end0:
.L_simem_size_0:
called_computation_lowered:
.L_overlay_start_0:
0x88: {  	s2 =	sld [smem:$0x3FD9]  }
0x89: {  	s3 =	sld [smem:$0x3FFE];
	_ =	sdelay $0x1  }
0x8a: {  	s1 =	srdreg.scid  }
0x8b: {  	s0 =	sand.u32 $0x1, s1  }
0x8c: {  	s17 =	sshll.u32 s0, $0xA;
	s2 =	sadd.s32 s3, s2  }
0x8d: {  	s2 =	sadd.s32 s2, s17  }
0x8e: {  	[smem:$0x3FBD] =	sst s2  }
0x8f: {  	_ = 	snop  }
0x90: {  	s18 =	sld [smem:$0x3FC9];
	(tm) =	ssettm $0x1  }
0x91: {  	s19 =	sld [smem:$0x3FFB];
	_ =	sdelay $0x3  }
0x92: {  	_ =	strace s19  }
0x93: {  	s2 =	sld [smem:$0x3FFC];
	_ =	sdelay $0x3  }
0x94: {  	_ =	strace s2  }
0x95: {  	s2 =	sld [smem:$0x3FFD];
	_ =	sdelay $0x3  }
0x96: {  	_ =	strace s2  }
0x97: {  	_ =	strace $0x8FFFFFFF  }
0x98: {  	s20 =	sld [smem:$0x3FDB];
	_ =	sdelay $0x1  }
0x99: {  	s4 =	simm.s32 $_scs_section_size  }
0x9a: {  	s5 =	simm.s32 $_size__tile_overlayer_lowered;
	s6 =	simm.s32 $_tile_overlayer_lowered  }
0x9b: {  	s7 =	simm.s32 $0x1BFF;
	s21 =	sshll.u32 s6, $0x1;
	s4 =	sadd.s32 s4, s20  }
0x9c: {  	s22 =	simm.s32 $0x0;
	s5 =	sshll.u32 s5, $0x1;
	s6 =	sadd.s32 s21, s4  }
0x9d: {  	[timem:s22], [sflag:s7] =	dma.local [hbm:s6], s5  }
0x9e: {  	_ =	swait.ge [sflag:s7], s5  }
0x9f: {  	s5 =	ssub.s32 $0x0, s5;
	[sflag:s7] =	ssyncset.done $0x0  }
0xa0: {  	[sflag:s7] =	ssyncadd.s32 s5;
	_ =	sdelay $0x1  }
0xa1: {  	s23 =	simm.s32 $0x1B8B  }
0xa2: {  	_ =	swait.ge [sflag:s23], $0x1  }
0xa3: {  	[sflag:s23] =	ssyncset.done $0x0  }
0xa4: {  	[sflag:s23] =	ssyncadd.s32 $0xFFFFFFFF  }
0xa5: {  	s5 =	sld [smem:$0x0]  }
0xa6: {  	s6 =	sand.u32 $0xFFFFFFFE, s1  }
0xa7: {  	p0 =	sne.s32 s1, s6  }
0xa8: {  	s6 =	sshll.u32 @p0 s6, $0xE  }
0xa9: {  	s6 =	sadd.s32 @p0 $0x11B8D, s6;
	s7 =	sshll.u32 @p0 s5, $0x11  }
0xaa: {  	s6 =	sor.u32 @p0 s7, s6  }
0xab: {  	[sflag:s6] =	ssyncadd.remote.s32 @p0 $0x1;
	_ =	sdelay $0x1  }
0xac: {  	s6 =	simm.s32 @p0 $0x1B8D  }
0xad: {  	_ =	swait.eq @p0 [sflag:s6], $0x1  }
0xae: {  	[sflag:s6] =	ssyncadd.s32 @p0 $0xFFFFFFFF  }
0xaf: {  	s7 =	sshll.u32 @!p0 s1, $0xE  }
0xb0: {  	s7 =	sor.u32 @!p0 $0x4000, s7;
	s6 =	simm.s32 @!p0 $0x1B8D  }
0xb1: {  	s5 =	sshll.u32 @!p0 s5, $0x11;
	s7 =	sadd.s32 @!p0 $0x11B8D, s7;
	_ =	swait.eq @!p0 [sflag:s6], $0x1  }
0xb2: {  	s5 =	sor.u32 @!p0 s5, s7;
	[sflag:s6] =	ssyncadd.s32 @!p0 $0xFFFFFFFF  }
0xb3: {  	s25 =	simm.s32 $0x1B8E;
	s24 =	sld [smem:$0x3FFE];
	[sflag:s5] =	ssyncadd.remote.s32 @!p0 $0x1  }
0xb4: {  	s26 =	simm.s32 $execute0_lowered;
	[smem:$0x3FD2] =	sst s25  }
0xb5: {  	s6 =	sshll.u32 s26, $0x1;
	_ =	strace $0x80000049;
	[dreg:$0x1] =	wrdreg $0xFFFFFFFF  }
0xb6: {  	s28 =	simm.s32 $_size_execute0_lowered;
	s4 =	sadd.s32 s4, s6;
	[dreg:$0x0] =	wrdreg $0x0  }
0xb7: {  	s6 =	sshll.u32 s28, $0x1;
	[dreg:$0x2] =	wrdreg s4  }
0xb8: {  	[dreg:$0x3] =	wrdreg s6  }
0xb9: {  	[dreg:$0x4] =	wrdreg $0xC0  }
0xba: {  	_ =	task [dreg:s22], $0x5FFFF  }
0xbb: {  	[dreg:$0x1] =	wrdreg $0xFFFFFFFF  }
0xbc: {  	[dreg:$0x0] =	wrdreg $0x60  }
0xbd: {  	[dreg:$0x2] =	wrdreg s24  }
0xbe: {  	[dreg:$0x3] =	wrdreg s18  }
0xbf: {  	[dreg:$0x4] =	wrdreg $0xA8000  }
0xc0: {  	[dreg:$0x5] =	wrdreg $0x9  }
0xc1: {  	_ =	task.clear_ibuf [dreg:s22], $0x6FFFF;
	_ =	strace $0x90000049  }
0xc2: {  	s29 =	simm.s32 $0x9;
	_ =	strace $0x8000004B  }
0xc3: {  	_ =	swait.ge [sflag:s29], $0x1  }
0xc4: {  	[sflag:s29] =	ssyncadd.s32 $0xFFFFFFFF  }
0xc5: {  	_ =	strace $0x9000004B  }
0xc6: {  	_ =	sfence  }
0xc7: {  	s30 =	sld [smem:$0x0];
	_ =	sdelay $0x2  }
0xc8: {  	s31 =	sshll.u32 s1, $0xD;
	s1 =	sshrl.u32 s1, $0x2  }
0xc9: {  	s4 =	sand.u32 $0x4000, s31;
	s1 =	sadd.s32 s1, s30  }
0xca: {  	s0 =	sor.u32 s4, s0;
	s1 =	sshll.u32 s1, $0x11  }
0xcb: {  	s0 =	sor.u32 s1, s0  }
0xcc: {  	s0 =	sadd.s32 $0x8F2B, s0  }
0xcd: {  	[sflag:s0] =	ssyncadd.remote.s32 $0x1  }
0xce: {  	_ =	sfence.sel $0xFFFF  }
0xcf: {  	[dreg:$0x0] =	wrdreg $0xFFFFFFFF;
	(pc) =	sbr.abs _section_cstart, $3  }
0xd0: {  	[dreg:$0x1] =	wrdreg $0xFFFFFFFF  }
0xd1: {  	_ =	task.clear_ibuf [dreg:s22], $0x2FFFF;
	_ =	strace $0x9FFFFFFF  }
0xd2: {  	(tm) =	ssettm $0x7FFFFFFF  }
0xd3: {  	_ =	shalt  }
tec
execute0_lowered:
.L_overlay_start_1:
0x0: {  	(tag) =	ssettag $0x1  }
0x1: {  	s6 =	rddreg [dreg:$0x0]  }
0x2: {  	s2 =	rddreg [dreg:$0x1]  }
0x3: {  	s0 =	srdreg.scid;
	s3 =	rddreg [dreg:$0x2]  }
0x4: {  	s4 =	simm.s32 $0x0;
	s14 =	simm.s32 $0x80;
	s15 =	simm.s32 $0x2800  }
0x5: {  	s16 =	simm.s32 $0x1;
	s17 =	simm.s32 $0x6800;
	s18 =	simm.s32 $0x2  }
0x6: {  	s19 =	simm.s32 $0x2700;
	s5 =	sand.u32 $0x1, s0;
	s0 =	stileid.u32  }
0x7: {  	s20 =	simm.s32 $0x1380;
	s21 =	simm.s32 $0x2780;
	s8 =	smul.u32 $0x14000, s0  }
0x8: {  	s22 =	simm.s32 $0x0;
	[smem:$0x7FF] =	sst s4;
	s9 =	smul.u32 $0x140000, s5  }
0x9: {  	s1 =	sshll.u32 s5, $0x4;
	s5 =	ssub.s32 $0x2, s5;
	s11 =	smul.u32 $0x50000, s0  }
0xa: {  	s12 =	sshll.u32 s0, $0x6;
	s1 =	sor.u32 s0, s1;
	s30 =	sshrl.u32 s5, $0x1  }
0xb: {  	s12 =	sor.u32 $0x1C03, s12;
	s7 =	smul.u32 $0x280, s1;
	s1 =	rddreg [dreg:$0x3]  }
0xc: {  	_ =	strace $0x8000004A;
	s10 =	sshrl.u32 s8, $0x3;
	s8 =	sadd.s32 s8, s9  }
0xd: {  	s9 =	ssub.s32 s5, s30;
	s31 =	sshrl.u32 s11, $0x2;
	s11 =	simm.s32 $0x1400  }
0xe: {  	s8 =	sshrl.u32 s8, $0x3;
	s10 =	sadd.s32 s10, s6;
	s13 =	sadd.s32 s31, s3  }
0xf: {  	s9 =	smax.u32 s9, $0x1;
	s7 =	sadd.s32 s7, s6;
	s8 =	sadd.s32 s8, s6  }
0x10: {  	s13 =	sshrl.u32 s13, $0x3;
	s5 =	sadd.s32 $0x81400, s7;
	s6 =	sadd.s32 $0x86400, s7  }
0x11: {  	s7 =	sadd.s32 $0x9400, s10;
	s8 =	sadd.s32 $0x8B400, s8;
	s10 =	simm.s32 $0x3  }
.LBB2_1:
0x12: {  	[tilespmem:s4], [sflag:$0x3] =	stream.linear.gather [hbm4b:s5+s4], $0x1400, $0x38;
	[tilespmem:$0x1E800] =	vst v63  }
0x13: {  	_ =	swait.ge [sflag:s10], $0x1400  }
0x14: {  	[sflag:s10] =	ssyncset.done $0x0  }
0x15: {  	[sflag:s10] =	ssyncadd.s32 $0xFFFFEC00  }
0x16: {  	[tilespmem:s11], [sflag:$0x3] =	stream.linear.gather [hbm4b:s6+s4], $0x1400, $0x38;
	[tilespmem:$0x1E800] =	vst v63  }
0x17: {  	_ =	swait.ge [sflag:s10], $0x1400  }
0x18: {  	[sflag:s10] =	ssyncset.done $0x0  }
0x19: {  	[sflag:s10] =	ssyncadd.s32 $0xFFFFEC00  }
0x1a: {  	[spmem:s13], [sflag:s12] =	dma.local [hbm:s7], $0x2800  }
0x1b: {  	_ =	swait.ge [sflag:s10], $0x2800  }
0x1c: {  	[sflag:s10] =	ssyncset.done $0x0  }
0x1d: {  	[sflag:s10] =	ssyncadd.s32 $0xFFFFD800  }
0x1e: {  	[bflag:$0x0] =	sbarrier.arrive $0xFFFF  }
0x1f: {  	[tilespmem:s15], [sflag:$0x1] =	stream.indirect.gather [hbm4b:s2+s14], $0x80, s4, s14, $0xb8;
	[tilespmem:$0x1E800] =	vst v63  }
0x20: {  	_ =	swait.ge [sflag:s16], $0x4000  }
0x21: {  	[sflag:s16] =	ssyncset.done $0x0  }
0x22: {  	s23 =	simm.s32 $0x1400;
	[sflag:s16] =	ssyncadd.s32 $0xFFFFC000  }
0x23: {  	[spmem:s3] =	stream.indirect.scatter.add.f32 [tilespmem:s15], [sflag:$0x3], $0x80, s23, s14, $0xb8;
	[tilespmem:$0x1E800] =	vst v63  }
0x24: {  	_ =	swait.ge [sflag:s10], $0x4000  }
0x25: {  	[sflag:s10] =	ssyncset.done $0x0  }
0x26: {  	s30 =	simm.s32 $0x80;
	[sflag:s10] =	ssyncadd.s32 $0xFFFFC000  }
0x27: {  	[tilespmem:s17], [sflag:$0x2] =	stream.indirect.gather [hbm4b:s2+s14], $0x80, s30, s14, $0xb8;
	[tilespmem:$0x1E800] =	vst v63  }
0x28: {  	_ =	swait.ge [sflag:s18], $0x4000  }
0x29: {  	[sflag:s18] =	ssyncset.done $0x0  }
0x2a: {  	s31 =	simm.s32 $0x1480;
	[sflag:s18] =	ssyncadd.s32 $0xFFFFC000  }
0x2b: {  	[spmem:s3] =	stream.indirect.scatter.add.f32 [tilespmem:s17], [sflag:$0x3], $0x80, s31, s14, $0xb8;
	[tilespmem:$0x1E800] =	vst v63  }
0x2c: {  	_ =	swait.ge [sflag:s10], $0x4000  }
0x2d: {  	[sflag:s10] =	ssyncset.done $0x0  }
0x2e: {  	s24 =	simm.s32 $0x100;
	s23 =	simm.s32 $0x400;
	[sflag:s10] =	ssyncadd.s32 $0xFFFFC000  }
.LBB2_2:
0x2f: {  	[tilespmem:s15], [sflag:$0x1] =	stream.indirect.gather [hbm4b:s2+s14], $0x80, s24, s14, $0xb8;
	[tilespmem:$0x1E800] =	vst v63  }
0x30: {  	s24 =	smov.u32 s23  }
0x31: {  	p0 =	sne.s32 s23, $0x4800;
	s23 =	sadd.s32 $0x400, s23;
	_ =	swait.ge [sflag:s16], $0x4000  }
0x32: {  	s24 =	sshra.s32 s24, $0x2;
	[sflag:s16] =	ssyncset.done $0x0  }
0x33: {  	s25 =	sadd.s32 $0x1400, s24;
	[sflag:s16] =	ssyncadd.s32 $0xFFFFC000  }
0x34: {  	[spmem:s3] =	stream.indirect.scatter.add.f32 [tilespmem:s15], [sflag:$0x3], $0x80, s25, s14, $0xb8;
	[tilespmem:$0x1E800] =	vst v63  }
0x35: {  	_ =	swait.ge [sflag:s10], $0x4000  }
0x36: {  	[sflag:s10] =	ssyncset.done $0x0  }
0x37: {  	s25 =	sadd.s32 $0x80, s24;
	[sflag:s10] =	ssyncadd.s32 $0xFFFFC000  }
0x38: {  	[tilespmem:s17], [sflag:$0x2] =	stream.indirect.gather [hbm4b:s2+s14], $0x80, s25, s14, $0xb8;
	[tilespmem:$0x1E800] =	vst v63  }
0x39: {  	_ =	swait.ge [sflag:s18], $0x4000  }
0x3a: {  	[sflag:s18] =	ssyncset.done $0x0  }
.Ltmp0:
0x3b: {  	s25 =	sadd.s32 $0x1480, s24;
	[sflag:s18] =	ssyncadd.s32 $0xFFFFC000;
	(pc) =	sbr.rel @p0 .LBB2_2-.Ltmp0, $4  }
0x3c: {  	[spmem:s3] =	stream.indirect.scatter.add.f32 [tilespmem:s17], [sflag:$0x3], $0x80, s25, s14, $0xb8;
	[tilespmem:$0x1E800] =	vst v63  }
0x3d: {  	_ =	swait.ge [sflag:s10], $0x4000  }
0x3e: {  	[sflag:s10] =	ssyncset.done $0x0  }
0x3f: {  	s24 =	sadd.s32 $0x100, s24;
	[sflag:s10] =	ssyncadd.s32 $0xFFFFC000  }
0x40: {  	[tilespmem:s15], [sflag:$0x1] =	stream.indirect.gather [hbm4b:s2+s14], $0x80, s24, s14, $0xb8;
	[tilespmem:$0x1E800] =	vst v63  }
0x41: {  	_ =	swait.ge [sflag:s16], $0x4000  }
0x42: {  	[sflag:s16] =	ssyncset.done $0x0  }
0x43: {  	[sflag:s16] =	ssyncadd.s32 $0xFFFFC000  }
0x44: {  	[spmem:s3] =	stream.indirect.scatter.add.f32 [tilespmem:s15], [sflag:$0x3], $0x80, s19, s14, $0xb8;
	[tilespmem:$0x1E800] =	vst v63  }
0x45: {  	_ =	swait.ge [sflag:s10], $0x4000  }
0x46: {  	[sflag:s10] =	ssyncset.done $0x0  }
0x47: {  	[sflag:s10] =	ssyncadd.s32 $0xFFFFC000  }
0x48: {  	[tilespmem:s17], [sflag:$0x2] =	stream.indirect.gather [hbm4b:s2+s14], $0x80, s20, s14, $0xb8;
	[tilespmem:$0x1E800] =	vst v63  }
0x49: {  	_ =	swait.ge [sflag:s18], $0x4000  }
0x4a: {  	[sflag:s18] =	ssyncset.done $0x0  }
0x4b: {  	[sflag:s18] =	ssyncadd.s32 $0xFFFFC000  }
0x4c: {  	[spmem:s3] =	stream.indirect.scatter.add.f32 [tilespmem:s17], [sflag:$0x3], $0x80, s21, s14, $0xb8;
	[tilespmem:$0x1E800] =	vst v63  }
0x4d: {  	_ =	swait.ge [sflag:s10], $0x4000  }
0x4e: {  	s22 =	sadd.s32 $0x1, s22;
	[sflag:s10] =	ssyncset.done $0x0  }
0x4f: {  	p0 =	sne.s32 s22, s9;
	[sflag:s10] =	ssyncadd.s32 $0xFFFFC000  }
.Ltmp1:
0x50: {  	[bflag:$0x0] =	sbarrier.arrive $0xFFFF;
	(pc) =	sbr.rel @p0 .LBB2_1-.Ltmp1, $4  }
0x51: {  	[hbm:s8], [sflag:s12] =	dma.local [spmem:s13], $0x2800  }
0x52: {  	_ =	swait.ge [sflag:s10], $0x2800  }
0x53: {  	[sflag:s10] =	ssyncset.done $0x0  }
0x54: {  	[sflag:s10] =	ssyncadd.s32 $0xFFFFD800  }
0x55: {  	_ =	sfence.sel $0x180000  }
0x56: {  	[bflag:$0x0] =	sbarrier.arrive $0xFFFF  }
0x57: {  	p0 =	sne.s32 s0, $0x0;
	_ =	strace $0x9000004A  }
0x58: {  	s0 =	sadd.s32 @!p0 $0x100000, s1;
	[bflag:$0x2] =	sbarrier.arrive $0xFFFF  }
0x59: {  	[sflag:s0] =	ssyncadd.tile.s32 @!p0 $0x1;
	_ =	shalt  }
.Lfunc_end2:
_tile_overlayer_lowered:
.L_overlay_start_2:
0x5a: {  	(tag) =	ssettag $0x2  }
0x5b: {  	s0 =	rddreg [dreg:$0x0];
	s2 =	stileid.u32  }
0x5c: {  	s1 =	rddreg [dreg:$0x1];
	p0 =	sne.s32 s2, $0x0  }
0x5d: {  	s3 =	rddreg [dreg:$0x2];
	[bflag:$0x3] =	sbarrier.arrive $0xFFFF;
	s2 =	simm.s32 @!p0 $0x1C03  }
0x5e: {  	[timem:s3], [sflag:s2] =	dma.local @!p0 [hbm:s0], s1  }
0x5f: {  	s0 =	simm.s32 @!p0 $0x3  }
0x60: {  	_ =	swait.ge @!p0 [sflag:s0], s1  }
0x61: {  	s1 =	ssub.s32 @!p0 $0x0, s1;
	[sflag:s0] =	ssyncset.done @!p0 $0x0  }
0x62: {  	[sflag:s0] =	ssyncadd.s32 @!p0 s1  }
0x63: {  	[bflag:$0x3] =	sbarrier.arrive $0xFFFF  }
0x64: {  	_ =	shalt  }

</sc_bundles>
